<compile_context>
chip_gen: v7x
topology: tpu7x:2x2x1
jax: 0.10.2.dev20260603
libtpu: 0.0.44.dev20260713+nightly
codegen_flags: <defaults>
</compile_context>

<pallas_src>
import functools

import jax
import jax.numpy as jnp
from jax import lax
from jax.experimental import pallas as pl
from jax.experimental.pallas import tpu as pltpu
from jax.experimental.pallas import tpu_sc as plsc

_BATCH = 16384
_HIST = 50
_DIM = 32
_VOCAB_PAD = 1 << 20
_NUM_IDX = _BATCH * _HIST
_NUM_WORKERS = 32
_CHUNK = 1024
_BLOCKS_PER_T = _BATCH // _CHUNK
_NUM_UNITS = _HIST * _BLOCKS_PER_T
_UNITS_PER_WORKER = _NUM_UNITS // _NUM_WORKERS
_NBUF = 3

_PACK_B = 2048
_PACK_Q = _PACK_B // 4
_PACK_GRID = 489

_UNPACK_Q = _CHUNK // 4


def _pack_table(tt):

    def body(tt_ref, o_ref):
        t = tt_ref[...]
        c = jnp.concatenate(
            [t[:, _PACK_Q * s : _PACK_Q * (s + 1)] for s in range(4)], axis=0
        )
        o_ref[...] = c.T

    return pl.pallas_call(
        body,
        grid=(_PACK_GRID,),
        in_specs=[pl.BlockSpec((_DIM, _PACK_B), lambda i: (0, i))],
        out_specs=pl.BlockSpec((_PACK_Q, 128), lambda i: (i, 0)),
        out_shape=jax.ShapeDtypeStruct((_VOCAB_PAD // 4, 128), jnp.float32),
        compiler_params=pltpu.CompilerParams(dimension_semantics=("parallel",)),
    )(tt)


def _unpack_out(packed):

    def body(in_ref, o_ref):
        rt_ = in_ref[...].T
        for s in range(4):
            o_ref[0, :, _UNPACK_Q * s : _UNPACK_Q * (s + 1)] = rt_[
                32 * s : 32 * (s + 1), :
            ]

    return pl.pallas_call(
        body,
        grid=(_HIST, _BLOCKS_PER_T),
        in_specs=[
            pl.BlockSpec(
                (_CHUNK // 4, 128),
                lambda t, j: (t * _BLOCKS_PER_T + j, 0),
            )
        ],
        out_specs=pl.BlockSpec((1, _DIM, _CHUNK), lambda t, j: (t, 0, j)),
        out_shape=jax.ShapeDtypeStruct((_HIST, _DIM, _BATCH), jnp.float32),
        compiler_params=pltpu.CompilerParams(
            dimension_semantics=("parallel", "parallel")
        ),
    )(packed)


def kernel(x, table):
    xt = x.T
    xt_p = (
        xt.reshape(_HIST, _BLOCKS_PER_T, 4, _UNPACK_Q)
        .transpose(0, 1, 3, 2)
        .reshape(_HIST, _BATCH)
    )
    idx2 = (xt_p & -2048) | ((xt_p & 511) << 2) | ((xt_p >> 9) & 3)

    rt = _pack_table(table.T).reshape(_VOCAB_PAD, _DIM)
    mesh = plsc.VectorSubcoreMesh(core_axis_name="c", subcore_axis_name="s")

    @functools.partial(
        pl.kernel,
        mesh=mesh,
        out_type=jax.ShapeDtypeStruct((_NUM_IDX, _DIM), jnp.float32),
        compiler_params=pltpu.CompilerParams(use_tc_tiling_on_sc=False),
        scratch_types=(
            [pltpu.VMEM((_CHUNK,), jnp.int32)] * _NBUF
            + [pltpu.VMEM((_CHUNK, _DIM), jnp.float32)] * _NBUF
            + [pltpu.SemaphoreType.DMA] * (2 * _NBUF)
        ),
    )
    def gather_kernel(table_hbm, idx_hbm, out_hbm, *scratch):
        idx_v = scratch[:_NBUF]
        rows = scratch[_NBUF : 2 * _NBUF]
        gsem = scratch[2 * _NBUF : 3 * _NBUF]
        osem = scratch[3 * _NBUF :]
        wid = lax.axis_index("s") * 2 + lax.axis_index("c")
        u0 = wid * _UNITS_PER_WORKER

        gather_h = [None] * _NBUF
        out_h = [None] * _NBUF
        offs = [None] * _NBUF

        def retire(k):
            kbuf = k % _NBUF
            gather_h[kbuf].wait()
            out_h[kbuf] = pltpu.async_copy(
                rows[kbuf],
                out_hbm.at[pl.ds(offs[kbuf], _CHUNK)],
                osem[kbuf],
            )

        for k in range(_UNITS_PER_WORKER):
            buf = k % _NBUF
            u = u0 + k
            t = u // _BLOCKS_PER_T
            b0 = (u % _BLOCKS_PER_T) * _CHUNK
            if out_h[buf] is not None:
                out_h[buf].wait()
            offs[buf] = t * _BATCH + b0
            pltpu.sync_copy(idx_hbm.at[t, pl.ds(b0, _CHUNK)], idx_v[buf])
            gather_h[buf] = pltpu.async_copy(
                table_hbm.at[idx_v[buf]], rows[buf], gsem[buf]
            )
            if k >= _NBUF - 1:
                retire(k - (_NBUF - 1))

        for k in range(_UNITS_PER_WORKER - (_NBUF - 1), _UNITS_PER_WORKER):
            retire(k)
        for h in out_h:
            if h is not None:
                h.wait()

    out2d = gather_kernel(rt, idx2)
    out_tdb = _unpack_out(out2d.reshape(_NUM_IDX // 4, 128))
    return out_tdb.transpose(2, 0, 1)

# --- scband reference (transcript-rebuilt; emitter-appended) ---
"""Pipeline reference for scband-movie-model-74749610819678 (READ-ONLY COPY).

The authoritative reference and input builder live on the scoring server;
editing this copy changes nothing except your own understanding.
"""

import jax, jax.numpy as jnp
import numpy as np

NUM_EMBEDDINGS = 1000000 + 6  # len(np.arange(sorted(movie_ids)[-1])) + 6 with max movie_id = 1000000
EMBEDDING_DIM = 32
BATCH = 16384
HIST_LEN = 50

def setup_inputs(seed: int = 0) -> dict:
    key = jax.random.key(seed)
    k1, k2 = jax.random.split(key)
    x = jax.random.randint(k1, (BATCH, HIST_LEN), 0, 1000000, dtype=jnp.int64) if jax.config.jax_enable_x64 else jax.random.randint(k1, (BATCH, HIST_LEN), 0, 1000000, dtype=jnp.int32)
    table = jax.random.normal(k2, (NUM_EMBEDDINGS, EMBEDDING_DIM), dtype=jnp.float32)
    return {"x": x, "table": table}

def reference(x, table):
    # torch.nn.Embedding lookup: out[b, t, :] = table[x[b, t], :]
    return jnp.take(table, x, axis=0)

if __name__ == "__main__":
    import jax
    _d = setup_inputs()
    print(jax.jit(kernel)(*tuple(_d.values())))

</pallas_src>

<mosaic_0001>
#map = affine_map<(d0, d1) -> (0, 0)>
module attributes {stable_mosaic.version = 14 : i64} {
  func.func @gather_kernel(%arg0: i32, %arg1: i32, %arg2: memref<1048576x32xf32, #tpu.memory_space<hbm>>, %arg3: memref<50x16384xi32, #tpu.memory_space<hbm>>, %arg4: memref<819200x32xf32, #tpu.memory_space<hbm>>, %arg5: memref<1024xi32, #tpu.memory_space<vmem>>, %arg6: memref<1024xi32, #tpu.memory_space<vmem>>, %arg7: memref<1024xi32, #tpu.memory_space<vmem>>, %arg8: memref<1024x32xf32, #tpu.memory_space<vmem>>, %arg9: memref<1024x32xf32, #tpu.memory_space<vmem>>, %arg10: memref<1024x32xf32, #tpu.memory_space<vmem>>, %arg11: memref<!tpu.dma_semaphore, #tpu.memory_space<semaphore_mem>>, %arg12: memref<!tpu.dma_semaphore, #tpu.memory_space<semaphore_mem>>, %arg13: memref<!tpu.dma_semaphore, #tpu.memory_space<semaphore_mem>>, %arg14: memref<!tpu.dma_semaphore, #tpu.memory_space<semaphore_mem>>, %arg15: memref<!tpu.dma_semaphore, #tpu.memory_space<semaphore_mem>>, %arg16: memref<!tpu.dma_semaphore, #tpu.memory_space<semaphore_mem>>) attributes {dimension_semantics = [#tpu.dimension_semantics<core_parallel>, #tpu.dimension_semantics<subcore_parallel>], iteration_bounds = array<i64: 2, 16>, scalar_prefetch = 0 : i64, scratch_operands = 12 : i64, tpu.core_type = #tpu.core_type<sc_vector_subcore>, window_params = [{transform_indices = #map}, {transform_indices = #map}, {transform_indices = #map}]} {
    %mul3A = arith.constant 2 : i32
    %mul3A_0 = arith.muli %arg1, %mul3A : i32
    %add3A = arith.addi %mul3A_0, %arg0 : i32
    %mul3A_1 = arith.constant 25 : i32
    %mul3A_2 = arith.muli %add3A, %mul3A_1 : i32
    %add3A_3 = arith.constant 0 : i32
    %add3A_4 = arith.addi %mul3A_2, %add3A_3 : i32
    %jit3A = arith.constant 16 : i32
    %div3A = arith.divsi %add3A_4, %jit3A : i32
    %sign3A = arith.constant 0 : i32
    %sign3A_5 = arith.cmpi sgt, %add3A_4, %sign3A : i32
    %sign3A_6 = arith.extui %sign3A_5 : i1 to i32
    %sign3A_7 = arith.constant 0 : i32
    %sign3A_8 = arith.cmpi slt, %add3A_4, %sign3A_7 : i32
    %sign3A_9 = arith.extui %sign3A_8 : i1 to i32
    %sign3A_10 = arith.subi %sign3A_6, %sign3A_9 : i32
    %sign3A_11 = arith.constant 0 : i32
    %sign3A_12 = arith.cmpi sgt, %jit3A, %sign3A_11 : i32
    %sign3A_13 = arith.extui %sign3A_12 : i1 to i32
    %sign3A_14 = arith.constant 0 : i32
    %sign3A_15 = arith.cmpi slt, %jit3A, %sign3A_14 : i32
    %sign3A_16 = arith.extui %sign3A_15 : i1 to i32
    %sign3A_17 = arith.subi %sign3A_13, %sign3A_16 : i32
    %ne3A = arith.cmpi ne, %sign3A_10, %sign3A_17 : i32
    %rem3A = arith.remsi %add3A_4, %jit3A : i32
    %ne3A_18 = arith.constant 0 : i32
    %ne3A_19 = arith.cmpi ne, %rem3A, %ne3A_18 : i32
    %and3A = arith.andi %ne3A, %ne3A_19 : i1
    %sub3A = arith.constant 1 : i32
    %sub3A_20 = arith.subi %div3A, %sub3A : i32
    %select_n3A = arith.select %and3A, %sub3A_20, %div3A : i32
    %jit3A_21 = arith.constant 16 : i32
    %eq3A = arith.constant 0 : i32
    %eq3A_22 = arith.cmpi eq, %jit3A_21, %eq3A : i32
    %jit3A_23 = arith.constant 1 : i32
    %select_n3A_24 = arith.select %eq3A_22, %jit3A_23, %jit3A_21 : i32
    %rem3A_25 = arith.remsi %add3A_4, %select_n3A_24 : i32
    %ne3A_26 = arith.constant 0 : i32
    %ne3A_27 = arith.cmpi ne, %rem3A_25, %ne3A_26 : i32
    %lt3A = arith.constant 0 : i32
    %lt3A_28 = arith.cmpi slt, %rem3A_25, %lt3A : i32
    %lt3A_29 = arith.constant 0 : i32
    %lt3A_30 = arith.cmpi slt, %select_n3A_24, %lt3A_29 : i32
    %ne3A_31 = arith.xori %lt3A_28, %lt3A_30 : i1
    %and3A_32 = arith.andi %ne3A_31, %ne3A_27 : i1
    %add3A_33 = arith.addi %rem3A_25, %select_n3A_24 : i32
    %select_n3A_34 = arith.select %and3A_32, %add3A_33, %rem3A_25 : i32
    %mul3A_35 = arith.constant 1024 : i32
    %mul3A_36 = arith.muli %select_n3A_34, %mul3A_35 : i32
    %mul3A_37 = arith.constant 16384 : i32
    %mul3A_38 = arith.muli %select_n3A, %mul3A_37 : i32
    %add3A_39 = arith.addi %mul3A_38, %mul3A_36 : i32
    "tpu.region"() ({
      %run_scoped3A = tpu.sem_alloc : memref<!tpu.dma_semaphore, #tpu.memory_space<semaphore_mem>>
      %dma_start3A_1516 = tpu.memref_slice %arg3[%select_n3A, %mul3A_36] : memref<50x16384xi32, #tpu.memory_space<hbm>> -> memref<1x1024xi32, #tpu.memory_space<hbm>>
      %dma_start3A_1517 = tpu.memref_squeeze %dma_start3A_1516 : memref<1x1024xi32, #tpu.memory_space<hbm>> -> memref<1024xi32, #tpu.memory_space<hbm>>
      %dma_start3A_1518 = tpu.memref_slice %arg3[%select_n3A, %mul3A_36] : memref<50x16384xi32, #tpu.memory_space<hbm>> -> memref<1x1024xi32, #tpu.memory_space<hbm>>
      %dma_start3A_1519 = tpu.memref_squeeze %dma_start3A_1518 : memref<1x1024xi32, #tpu.memory_space<hbm>> -> memref<1024xi32, #tpu.memory_space<hbm>>
      tpu.enqueue_dma source(%dma_start3A_1519 : memref<1024xi32, #tpu.memory_space<hbm>>) target(%arg5 : memref<1024xi32, #tpu.memory_space<vmem>>) target_semaphore(%run_scoped3A : memref<!tpu.dma_semaphore, #tpu.memory_space<semaphore_mem>>)
      %dma_wait3A_1520 = tpu.memref_slice %arg3[%select_n3A, %mul3A_36] : memref<50x16384xi32, #tpu.memory_space<hbm>> -> memref<1x1024xi32, #tpu.memory_space<hbm>>
      %dma_wait3A_1521 = tpu.memref_squeeze %dma_wait3A_1520 : memref<1x1024xi32, #tpu.memory_space<hbm>> -> memref<1024xi32, #tpu.memory_space<hbm>>
      %dma_wait3A_1522 = tpu.memref_slice %arg3[%select_n3A, %mul3A_36] : memref<50x16384xi32, #tpu.memory_space<hbm>> -> memref<1x1024xi32, #tpu.memory_space<hbm>>
      %dma_wait3A_1523 = tpu.memref_squeeze %dma_wait3A_1522 : memref<1x1024xi32, #tpu.memory_space<hbm>> -> memref<1024xi32, #tpu.memory_space<hbm>>
      tpu.wait_dma2 semaphore(%run_scoped3A : memref<!tpu.dma_semaphore, #tpu.memory_space<semaphore_mem>>) src(%dma_wait3A_1523 : memref<1024xi32, #tpu.memory_space<hbm>>) dst(%arg5 : memref<1024xi32, #tpu.memory_space<vmem>>)
      tpu.yield
    }) : () -> ()
    %dma_start3A = arith.constant 0 : i32
    %dma_start3A_40 = arith.constant 0 : i32
    %dma_start3A_41 = tpu.memref_slice %arg2[%dma_start3A, %dma_start3A_40] : memref<1048576x32xf32, #tpu.memory_space<hbm>> -> memref<1048576x32xf32, #tpu.memory_space<hbm>>
    tpu.enqueue_indirect_dma source(%dma_start3A_41 : memref<1048576x32xf32, #tpu.memory_space<hbm>>) target(%arg8 : memref<1024x32xf32, #tpu.memory_space<vmem>>) offsets(%arg5 : memref<1024xi32, #tpu.memory_space<vmem>>) semaphore(%arg11 : memref<!tpu.dma_semaphore, #tpu.memory_space<semaphore_mem>>)
    %add3A_42 = arith.constant 1 : i32
    %add3A_43 = arith.addi %mul3A_2, %add3A_42 : i32
    %jit3A_44 = arith.constant 16 : i32
    %div3A_45 = arith.divsi %add3A_43, %jit3A_44 : i32
    %sign3A_46 = arith.constant 0 : i32
    %sign3A_47 = arith.cmpi sgt, %add3A_43, %sign3A_46 : i32
    %sign3A_48 = arith.extui %sign3A_47 : i1 to i32
    %sign3A_49 = arith.constant 0 : i32
    %sign3A_50 = arith.cmpi slt, %add3A_43, %sign3A_49 : i32
    %sign3A_51 = arith.extui %sign3A_50 : i1 to i32
    %sign3A_52 = arith.subi %sign3A_48, %sign3A_51 : i32
    %sign3A_53 = arith.constant 0 : i32
    %sign3A_54 = arith.cmpi sgt, %jit3A_44, %sign3A_53 : i32
    %sign3A_55 = arith.extui %sign3A_54 : i1 to i32
    %sign3A_56 = arith.constant 0 : i32
    %sign3A_57 = arith.cmpi slt, %jit3A_44, %sign3A_56 : i32
    %sign3A_58 = arith.extui %sign3A_57 : i1 to i32
    %sign3A_59 = arith.subi %sign3A_55, %sign3A_58 : i32
    %ne3A_60 = arith.cmpi ne, %sign3A_52, %sign3A_59 : i32
    %rem3A_61 = arith.remsi %add3A_43, %jit3A_44 : i32
    %ne3A_62 = arith.constant 0 : i32
    %ne3A_63 = arith.cmpi ne, %rem3A_61, %ne3A_62 : i32
    %and3A_64 = arith.andi %ne3A_60, %ne3A_63 : i1
    %sub3A_65 = arith.constant 1 : i32
    %sub3A_66 = arith.subi %div3A_45, %sub3A_65 : i32
    %select_n3A_67 = arith.select %and3A_64, %sub3A_66, %div3A_45 : i32
    %jit3A_68 = arith.constant 16 : i32
    %eq3A_69 = arith.constant 0 : i32
    %eq3A_70 = arith.cmpi eq, %jit3A_68, %eq3A_69 : i32
    %jit3A_71 = arith.constant 1 : i32
    %select_n3A_72 = arith.select %eq3A_70, %jit3A_71, %jit3A_68 : i32
    %rem3A_73 = arith.remsi %add3A_43, %select_n3A_72 : i32
    %ne3A_74 = arith.constant 0 : i32
    %ne3A_75 = arith.cmpi ne, %rem3A_73, %ne3A_74 : i32
    %lt3A_76 = arith.constant 0 : i32
    %lt3A_77 = arith.cmpi slt, %rem3A_73, %lt3A_76 : i32
    %lt3A_78 = arith.constant 0 : i32
    %lt3A_79 = arith.cmpi slt, %select_n3A_72, %lt3A_78 : i32
    %ne3A_80 = arith.xori %lt3A_77, %lt3A_79 : i1
    %and3A_81 = arith.andi %ne3A_80, %ne3A_75 : i1
    %add3A_82 = arith.addi %rem3A_73, %select_n3A_72 : i32
    %select_n3A_83 = arith.select %and3A_81, %add3A_82, %rem3A_73 : i32
    %mul3A_84 = arith.constant 1024 : i32
    %mul3A_85 = arith.muli %select_n3A_83, %mul3A_84 : i32
    %mul3A_86 = arith.constant 16384 : i32
    %mul3A_87 = arith.muli %select_n3A_67, %mul3A_86 : i32
    %add3A_88 = arith.addi %mul3A_87, %mul3A_85 : i32
    "tpu.region"() ({
      %run_scoped3A = tpu.sem_alloc : memref<!tpu.dma_semaphore, #tpu.memory_space<semaphore_mem>>
      %dma_start3A_1516 = tpu.memref_slice %arg3[%select_n3A_67, %mul3A_85] : memref<50x16384xi32, #tpu.memory_space<hbm>> -> memref<1x1024xi32, #tpu.memory_space<hbm>>
      %dma_start3A_1517 = tpu.memref_squeeze %dma_start3A_1516 : memref<1x1024xi32, #tpu.memory_space<hbm>> -> memref<1024xi32, #tpu.memory_space<hbm>>
      %dma_start3A_1518 = tpu.memref_slice %arg3[%select_n3A_67, %mul3A_85] : memref<50x16384xi32, #tpu.memory_space<hbm>> -> memref<1x1024xi32, #tpu.memory_space<hbm>>
      %dma_start3A_1519 = tpu.memref_squeeze %dma_start3A_1518 : memref<1x1024xi32, #tpu.memory_space<hbm>> -> memref<1024xi32, #tpu.memory_space<hbm>>
      tpu.enqueue_dma source(%dma_start3A_1519 : memref<1024xi32, #tpu.memory_space<hbm>>) target(%arg6 : memref<1024xi32, #tpu.memory_space<vmem>>) target_semaphore(%run_scoped3A : memref<!tpu.dma_semaphore, #tpu.memory_space<semaphore_mem>>)
      %dma_wait3A_1520 = tpu.memref_slice %arg3[%select_n3A_67, %mul3A_85] : memref<50x16384xi32, #tpu.memory_space<hbm>> -> memref<1x1024xi32, #tpu.memory_space<hbm>>
      %dma_wait3A_1521 = tpu.memref_squeeze %dma_wait3A_1520 : memref<1x1024xi32, #tpu.memory_space<hbm>> -> memref<1024xi32, #tpu.memory_space<hbm>>
      %dma_wait3A_1522 = tpu.memref_slice %arg3[%select_n3A_67, %mul3A_85] : memref<50x16384xi32, #tpu.memory_space<hbm>> -> memref<1x1024xi32, #tpu.memory_space<hbm>>
      %dma_wait3A_1523 = tpu.memref_squeeze %dma_wait3A_1522 : memref<1x1024xi32, #tpu.memory_space<hbm>> -> memref<1024xi32, #tpu.memory_space<hbm>>
      tpu.wait_dma2 semaphore(%run_scoped3A : memref<!tpu.dma_semaphore, #tpu.memory_space<semaphore_mem>>) src(%dma_wait3A_1523 : memref<1024xi32, #tpu.memory_space<hbm>>) dst(%arg6 : memref<1024xi32, #tpu.memory_space<vmem>>)
      tpu.yield
    }) : () -> ()
    %dma_start3A_89 = arith.constant 0 : i32
    %dma_start3A_90 = arith.constant 0 : i32
    %dma_start3A_91 = tpu.memref_slice %arg2[%dma_start3A_89, %dma_start3A_90] : memref<1048576x32xf32, #tpu.memory_space<hbm>> -> memref<1048576x32xf32, #tpu.memory_space<hbm>>
    tpu.enqueue_indirect_dma source(%dma_start3A_91 : memref<1048576x32xf32, #tpu.memory_space<hbm>>) target(%arg9 : memref<1024x32xf32, #tpu.memory_space<vmem>>) offsets(%arg6 : memref<1024xi32, #tpu.memory_space<vmem>>) semaphore(%arg12 : memref<!tpu.dma_semaphore, #tpu.memory_space<semaphore_mem>>)
    %add3A_92 = arith.constant 2 : i32
    %add3A_93 = arith.addi %mul3A_2, %add3A_92 : i32
    %jit3A_94 = arith.constant 16 : i32
    %div3A_95 = arith.divsi %add3A_93, %jit3A_94 : i32
    %sign3A_96 = arith.constant 0 : i32
    %sign3A_97 = arith.cmpi sgt, %add3A_93, %sign3A_96 : i32
    %sign3A_98 = arith.extui %sign3A_97 : i1 to i32
    %sign3A_99 = arith.constant 0 : i32
    %sign3A_100 = arith.cmpi slt, %add3A_93, %sign3A_99 : i32
    %sign3A_101 = arith.extui %sign3A_100 : i1 to i32
    %sign3A_102 = arith.subi %sign3A_98, %sign3A_101 : i32
    %sign3A_103 = arith.constant 0 : i32
    %sign3A_104 = arith.cmpi sgt, %jit3A_94, %sign3A_103 : i32
    %sign3A_105 = arith.extui %sign3A_104 : i1 to i32
    %sign3A_106 = arith.constant 0 : i32
    %sign3A_107 = arith.cmpi slt, %jit3A_94, %sign3A_106 : i32
    %sign3A_108 = arith.extui %sign3A_107 : i1 to i32
    %sign3A_109 = arith.subi %sign3A_105, %sign3A_108 : i32
    %ne3A_110 = arith.cmpi ne, %sign3A_102, %sign3A_109 : i32
    %rem3A_111 = arith.remsi %add3A_93, %jit3A_94 : i32
    %ne3A_112 = arith.constant 0 : i32
    %ne3A_113 = arith.cmpi ne, %rem3A_111, %ne3A_112 : i32
    %and3A_114 = arith.andi %ne3A_110, %ne3A_113 : i1
    %sub3A_115 = arith.constant 1 : i32
    %sub3A_116 = arith.subi %div3A_95, %sub3A_115 : i32
    %select_n3A_117 = arith.select %and3A_114, %sub3A_116, %div3A_95 : i32
    %jit3A_118 = arith.constant 16 : i32
    %eq3A_119 = arith.constant 0 : i32
    %eq3A_120 = arith.cmpi eq, %jit3A_118, %eq3A_119 : i32
    %jit3A_121 = arith.constant 1 : i32
    %select_n3A_122 = arith.select %eq3A_120, %jit3A_121, %jit3A_118 : i32
    %rem3A_123 = arith.remsi %add3A_93, %select_n3A_122 : i32
    %ne3A_124 = arith.constant 0 : i32
    %ne3A_125 = arith.cmpi ne, %rem3A_123, %ne3A_124 : i32
    %lt3A_126 = arith.constant 0 : i32
    %lt3A_127 = arith.cmpi slt, %rem3A_123, %lt3A_126 : i32
    %lt3A_128 = arith.constant 0 : i32
    %lt3A_129 = arith.cmpi slt, %select_n3A_122, %lt3A_128 : i32
    %ne3A_130 = arith.xori %lt3A_127, %lt3A_129 : i1
    %and3A_131 = arith.andi %ne3A_130, %ne3A_125 : i1
    %add3A_132 = arith.addi %rem3A_123, %select_n3A_122 : i32
    %select_n3A_133 = arith.select %and3A_131, %add3A_132, %rem3A_123 : i32
    %mul3A_134 = arith.constant 1024 : i32
    %mul3A_135 = arith.muli %select_n3A_133, %mul3A_134 : i32
    %mul3A_136 = arith.constant 16384 : i32
    %mul3A_137 = arith.muli %select_n3A_117, %mul3A_136 : i32
    %add3A_138 = arith.addi %mul3A_137, %mul3A_135 : i32
    "tpu.region"() ({
      %run_scoped3A = tpu.sem_alloc : memref<!tpu.dma_semaphore, #tpu.memory_space<semaphore_mem>>
      %dma_start3A_1516 = tpu.memref_slice %arg3[%select_n3A_117, %mul3A_135] : memref<50x16384xi32, #tpu.memory_space<hbm>> -> memref<1x1024xi32, #tpu.memory_space<hbm>>
      %dma_start3A_1517 = tpu.memref_squeeze %dma_start3A_1516 : memref<1x1024xi32, #tpu.memory_space<hbm>> -> memref<1024xi32, #tpu.memory_space<hbm>>
      %dma_start3A_1518 = tpu.memref_slice %arg3[%select_n3A_117, %mul3A_135] : memref<50x16384xi32, #tpu.memory_space<hbm>> -> memref<1x1024xi32, #tpu.memory_space<hbm>>
      %dma_start3A_1519 = tpu.memref_squeeze %dma_start3A_1518 : memref<1x1024xi32, #tpu.memory_space<hbm>> -> memref<1024xi32, #tpu.memory_space<hbm>>
      tpu.enqueue_dma source(%dma_start3A_1519 : memref<1024xi32, #tpu.memory_space<hbm>>) target(%arg7 : memref<1024xi32, #tpu.memory_space<vmem>>) target_semaphore(%run_scoped3A : memref<!tpu.dma_semaphore, #tpu.memory_space<semaphore_mem>>)
      %dma_wait3A_1520 = tpu.memref_slice %arg3[%select_n3A_117, %mul3A_135] : memref<50x16384xi32, #tpu.memory_space<hbm>> -> memref<1x1024xi32, #tpu.memory_space<hbm>>
      %dma_wait3A_1521 = tpu.memref_squeeze %dma_wait3A_1520 : memref<1x1024xi32, #tpu.memory_space<hbm>> -> memref<1024xi32, #tpu.memory_space<hbm>>
      %dma_wait3A_1522 = tpu.memref_slice %arg3[%select_n3A_117, %mul3A_135] : memref<50x16384xi32, #tpu.memory_space<hbm>> -> memref<1x1024xi32, #tpu.memory_space<hbm>>
      %dma_wait3A_1523 = tpu.memref_squeeze %dma_wait3A_1522 : memref<1x1024xi32, #tpu.memory_space<hbm>> -> memref<1024xi32, #tpu.memory_space<hbm>>
      tpu.wait_dma2 semaphore(%run_scoped3A : memref<!tpu.dma_semaphore, #tpu.memory_space<semaphore_mem>>) src(%dma_wait3A_1523 : memref<1024xi32, #tpu.memory_space<hbm>>) dst(%arg7 : memref<1024xi32, #tpu.memory_space<vmem>>)
      tpu.yield
    }) : () -> ()
    %dma_start3A_139 = arith.constant 0 : i32
    %dma_start3A_140 = arith.constant 0 : i32
    %dma_start3A_141 = tpu.memref_slice %arg2[%dma_start3A_139, %dma_start3A_140] : memref<1048576x32xf32, #tpu.memory_space<hbm>> -> memref<1048576x32xf32, #tpu.memory_space<hbm>>
    tpu.enqueue_indirect_dma source(%dma_start3A_141 : memref<1048576x32xf32, #tpu.memory_space<hbm>>) target(%arg10 : memref<1024x32xf32, #tpu.memory_space<vmem>>) offsets(%arg7 : memref<1024xi32, #tpu.memory_space<vmem>>) semaphore(%arg13 : memref<!tpu.dma_semaphore, #tpu.memory_space<semaphore_mem>>)
    %dma_wait3A = arith.constant 0 : i32
    %dma_wait3A_142 = arith.constant 0 : i32
    %dma_wait3A_143 = tpu.memref_slice %arg2[%dma_wait3A, %dma_wait3A_142] : memref<1048576x32xf32, #tpu.memory_space<hbm>> -> memref<1048576x32xf32, #tpu.memory_space<hbm>>
    tpu.wait_indirect_dma semaphore(%arg11 : memref<!tpu.dma_semaphore, #tpu.memory_space<semaphore_mem>>) src(%dma_wait3A_143 : memref<1048576x32xf32, #tpu.memory_space<hbm>>) dst(%arg8 : memref<1024x32xf32, #tpu.memory_space<vmem>>)
    %dma_start3A_144 = arith.constant 0 : i32
    %dma_start3A_145 = tpu.memref_slice %arg4[%add3A_39, %dma_start3A_144] : memref<819200x32xf32, #tpu.memory_space<hbm>> -> memref<1024x32xf32, #tpu.memory_space<hbm>>
    %dma_start3A_146 = arith.constant 0 : i32
    %dma_start3A_147 = tpu.memref_slice %arg4[%add3A_39, %dma_start3A_146] : memref<819200x32xf32, #tpu.memory_space<hbm>> -> memref<1024x32xf32, #tpu.memory_space<hbm>>
    tpu.enqueue_dma source(%arg8 : memref<1024x32xf32, #tpu.memory_space<vmem>>) target(%dma_start3A_147 : memref<1024x32xf32, #tpu.memory_space<hbm>>) target_semaphore(%arg14 : memref<!tpu.dma_semaphore, #tpu.memory_space<semaphore_mem>>)
    %add3A_148 = arith.constant 3 : i32
    %add3A_149 = arith.addi %mul3A_2, %add3A_148 : i32
    %jit3A_150 = arith.constant 16 : i32
    %div3A_151 = arith.divsi %add3A_149, %jit3A_150 : i32
    %sign3A_152 = arith.constant 0 : i32
    %sign3A_153 = arith.cmpi sgt, %add3A_149, %sign3A_152 : i32
    %sign3A_154 = arith.extui %sign3A_153 : i1 to i32
    %sign3A_155 = arith.constant 0 : i32
    %sign3A_156 = arith.cmpi slt, %add3A_149, %sign3A_155 : i32
    %sign3A_157 = arith.extui %sign3A_156 : i1 to i32
    %sign3A_158 = arith.subi %sign3A_154, %sign3A_157 : i32
    %sign3A_159 = arith.constant 0 : i32
    %sign3A_160 = arith.cmpi sgt, %jit3A_150, %sign3A_159 : i32
    %sign3A_161 = arith.extui %sign3A_160 : i1 to i32
    %sign3A_162 = arith.constant 0 : i32
    %sign3A_163 = arith.cmpi slt, %jit3A_150, %sign3A_162 : i32
    %sign3A_164 = arith.extui %sign3A_163 : i1 to i32
    %sign3A_165 = arith.subi %sign3A_161, %sign3A_164 : i32
    %ne3A_166 = arith.cmpi ne, %sign3A_158, %sign3A_165 : i32
    %rem3A_167 = arith.remsi %add3A_149, %jit3A_150 : i32
    %ne3A_168 = arith.constant 0 : i32
    %ne3A_169 = arith.cmpi ne, %rem3A_167, %ne3A_168 : i32
    %and3A_170 = arith.andi %ne3A_166, %ne3A_169 : i1
    %sub3A_171 = arith.constant 1 : i32
    %sub3A_172 = arith.subi %div3A_151, %sub3A_171 : i32
    %select_n3A_173 = arith.select %and3A_170, %sub3A_172, %div3A_151 : i32
    %jit3A_174 = arith.constant 16 : i32
    %eq3A_175 = arith.constant 0 : i32
    %eq3A_176 = arith.cmpi eq, %jit3A_174, %eq3A_175 : i32
    %jit3A_177 = arith.constant 1 : i32
    %select_n3A_178 = arith.select %eq3A_176, %jit3A_177, %jit3A_174 : i32
    %rem3A_179 = arith.remsi %add3A_149, %select_n3A_178 : i32
    %ne3A_180 = arith.constant 0 : i32
    %ne3A_181 = arith.cmpi ne, %rem3A_179, %ne3A_180 : i32
    %lt3A_182 = arith.constant 0 : i32
    %lt3A_183 = arith.cmpi slt, %rem3A_179, %lt3A_182 : i32
    %lt3A_184 = arith.constant 0 : i32
    %lt3A_185 = arith.cmpi slt, %select_n3A_178, %lt3A_184 : i32
    %ne3A_186 = arith.xori %lt3A_183, %lt3A_185 : i1
    %and3A_187 = arith.andi %ne3A_186, %ne3A_181 : i1
    %add3A_188 = arith.addi %rem3A_179, %select_n3A_178 : i32
    %select_n3A_189 = arith.select %and3A_187, %add3A_188, %rem3A_179 : i32
    %mul3A_190 = arith.constant 1024 : i32
    %mul3A_191 = arith.muli %select_n3A_189, %mul3A_190 : i32
    %dma_wait3A_192 = arith.constant 0 : i32
    %dma_wait3A_193 = tpu.memref_slice %arg4[%add3A_39, %dma_wait3A_192] : memref<819200x32xf32, #tpu.memory_space<hbm>> -> memref<1024x32xf32, #tpu.memory_space<hbm>>
    %dma_wait3A_194 = arith.constant 0 : i32
    %dma_wait3A_195 = tpu.memref_slice %arg4[%add3A_39, %dma_wait3A_194] : memref<819200x32xf32, #tpu.memory_space<hbm>> -> memref<1024x32xf32, #tpu.memory_space<hbm>>
    tpu.wait_dma2 semaphore(%arg14 : memref<!tpu.dma_semaphore, #tpu.memory_space<semaphore_mem>>) src(%arg8 : memref<1024x32xf32, #tpu.memory_space<vmem>>) dst(%dma_wait3A_195 : memref<1024x32xf32, #tpu.memory_space<hbm>>)
    %mul3A_196 = arith.constant 16384 : i32
    %mul3A_197 = arith.muli %select_n3A_173, %mul3A_196 : i32
    %add3A_198 = arith.addi %mul3A_197, %mul3A_191 : i32
    "tpu.region"() ({
      %run_scoped3A = tpu.sem_alloc : memref<!tpu.dma_semaphore, #tpu.memory_space<semaphore_mem>>
      %dma_start3A_1516 = tpu.memref_slice %arg3[%select_n3A_173, %mul3A_191] : memref<50x16384xi32, #tpu.memory_space<hbm>> -> memref<1x1024xi32, #tpu.memory_space<hbm>>
      %dma_start3A_1517 = tpu.memref_squeeze %dma_start3A_1516 : memref<1x1024xi32, #tpu.memory_space<hbm>> -> memref<1024xi32, #tpu.memory_space<hbm>>
      %dma_start3A_1518 = tpu.memref_slice %arg3[%select_n3A_173, %mul3A_191] : memref<50x16384xi32, #tpu.memory_space<hbm>> -> memref<1x1024xi32, #tpu.memory_space<hbm>>
      %dma_start3A_1519 = tpu.memref_squeeze %dma_start3A_1518 : memref<1x1024xi32, #tpu.memory_space<hbm>> -> memref<1024xi32, #tpu.memory_space<hbm>>
      tpu.enqueue_dma source(%dma_start3A_1519 : memref<1024xi32, #tpu.memory_space<hbm>>) target(%arg5 : memref<1024xi32, #tpu.memory_space<vmem>>) target_semaphore(%run_scoped3A : memref<!tpu.dma_semaphore, #tpu.memory_space<semaphore_mem>>)
      %dma_wait3A_1520 = tpu.memref_slice %arg3[%select_n3A_173, %mul3A_191] : memref<50x16384xi32, #tpu.memory_space<hbm>> -> memref<1x1024xi32, #tpu.memory_space<hbm>>
      %dma_wait3A_1521 = tpu.memref_squeeze %dma_wait3A_1520 : memref<1x1024xi32, #tpu.memory_space<hbm>> -> memref<1024xi32, #tpu.memory_space<hbm>>
      %dma_wait3A_1522 = tpu.memref_slice %arg3[%select_n3A_173, %mul3A_191] : memref<50x16384xi32, #tpu.memory_space<hbm>> -> memref<1x1024xi32, #tpu.memory_space<hbm>>
      %dma_wait3A_1523 = tpu.memref_squeeze %dma_wait3A_1522 : memref<1x1024xi32, #tpu.memory_space<hbm>> -> memref<1024xi32, #tpu.memory_space<hbm>>
      tpu.wait_dma2 semaphore(%run_scoped3A : memref<!tpu.dma_semaphore, #tpu.memory_space<semaphore_mem>>) src(%dma_wait3A_1523 : memref<1024xi32, #tpu.memory_space<hbm>>) dst(%arg5 : memref<1024xi32, #tpu.memory_space<vmem>>)
      tpu.yield
    }) : () -> ()
    %dma_start3A_199 = arith.constant 0 : i32
    %dma_start3A_200 = arith.constant 0 : i32
    %dma_start3A_201 = tpu.memref_slice %arg2[%dma_start3A_199, %dma_start3A_200] : memref<1048576x32xf32, #tpu.memory_space<hbm>> -> memref<1048576x32xf32, #tpu.memory_space<hbm>>
    tpu.enqueue_indirect_dma source(%dma_start3A_201 : memref<1048576x32xf32, #tpu.memory_space<hbm>>) target(%arg8 : memref<1024x32xf32, #tpu.memory_space<vmem>>) offsets(%arg5 : memref<1024xi32, #tpu.memory_space<vmem>>) semaphore(%arg11 : memref<!tpu.dma_semaphore, #tpu.memory_space<semaphore_mem>>)
    %dma_wait3A_202 = arith.constant 0 : i32
    %dma_wait3A_203 = arith.constant 0 : i32
    %dma_wait3A_204 = tpu.memref_slice %arg2[%dma_wait3A_202, %dma_wait3A_203] : memref<1048576x32xf32, #tpu.memory_space<hbm>> -> memref<1048576x32xf32, #tpu.memory_space<hbm>>
    tpu.wait_indirect_dma semaphore(%arg12 : memref<!tpu.dma_semaphore, #tpu.memory_space<semaphore_mem>>) src(%dma_wait3A_204 : memref<1048576x32xf32, #tpu.memory_space<hbm>>) dst(%arg9 : memref<1024x32xf32, #tpu.memory_space<vmem>>)
    %dma_start3A_205 = arith.constant 0 : i32
    %dma_start3A_206 = tpu.memref_slice %arg4[%add3A_88, %dma_start3A_205] : memref<819200x32xf32, #tpu.memory_space<hbm>> -> memref<1024x32xf32, #tpu.memory_space<hbm>>
    %dma_start3A_207 = arith.constant 0 : i32
    %dma_start3A_208 = tpu.memref_slice %arg4[%add3A_88, %dma_start3A_207] : memref<819200x32xf32, #tpu.memory_space<hbm>> -> memref<1024x32xf32, #tpu.memory_space<hbm>>
    tpu.enqueue_dma source(%arg9 : memref<1024x32xf32, #tpu.memory_space<vmem>>) target(%dma_start3A_208 : memref<1024x32xf32, #tpu.memory_space<hbm>>) target_semaphore(%arg15 : memref<!tpu.dma_semaphore, #tpu.memory_space<semaphore_mem>>)
    %add3A_209 = arith.constant 4 : i32
    %add3A_210 = arith.addi %mul3A_2, %add3A_209 : i32
    %jit3A_211 = arith.constant 16 : i32
    %div3A_212 = arith.divsi %add3A_210, %jit3A_211 : i32
    %sign3A_213 = arith.constant 0 : i32
    %sign3A_214 = arith.cmpi sgt, %add3A_210, %sign3A_213 : i32
    %sign3A_215 = arith.extui %sign3A_214 : i1 to i32
    %sign3A_216 = arith.constant 0 : i32
    %sign3A_217 = arith.cmpi slt, %add3A_210, %sign3A_216 : i32
    %sign3A_218 = arith.extui %sign3A_217 : i1 to i32
    %sign3A_219 = arith.subi %sign3A_215, %sign3A_218 : i32
    %sign3A_220 = arith.constant 0 : i32
    %sign3A_221 = arith.cmpi sgt, %jit3A_211, %sign3A_220 : i32
    %sign3A_222 = arith.extui %sign3A_221 : i1 to i32
    %sign3A_223 = arith.constant 0 : i32
    %sign3A_224 = arith.cmpi slt, %jit3A_211, %sign3A_223 : i32
    %sign3A_225 = arith.extui %sign3A_224 : i1 to i32
    %sign3A_226 = arith.subi %sign3A_222, %sign3A_225 : i32
    %ne3A_227 = arith.cmpi ne, %sign3A_219, %sign3A_226 : i32
    %rem3A_228 = arith.remsi %add3A_210, %jit3A_211 : i32
    %ne3A_229 = arith.constant 0 : i32
    %ne3A_230 = arith.cmpi ne, %rem3A_228, %ne3A_229 : i32
    %and3A_231 = arith.andi %ne3A_227, %ne3A_230 : i1
    %sub3A_232 = arith.constant 1 : i32
    %sub3A_233 = arith.subi %div3A_212, %sub3A_232 : i32
    %select_n3A_234 = arith.select %and3A_231, %sub3A_233, %div3A_212 : i32
    %jit3A_235 = arith.constant 16 : i32
    %eq3A_236 = arith.constant 0 : i32
    %eq3A_237 = arith.cmpi eq, %jit3A_235, %eq3A_236 : i32
    %jit3A_238 = arith.constant 1 : i32
    %select_n3A_239 = arith.select %eq3A_237, %jit3A_238, %jit3A_235 : i32
    %rem3A_240 = arith.remsi %add3A_210, %select_n3A_239 : i32
    %ne3A_241 = arith.constant 0 : i32
    %ne3A_242 = arith.cmpi ne, %rem3A_240, %ne3A_241 : i32
    %lt3A_243 = arith.constant 0 : i32
    %lt3A_244 = arith.cmpi slt, %rem3A_240, %lt3A_243 : i32
    %lt3A_245 = arith.constant 0 : i32
    %lt3A_246 = arith.cmpi slt, %select_n3A_239, %lt3A_245 : i32
    %ne3A_247 = arith.xori %lt3A_244, %lt3A_246 : i1
    %and3A_248 = arith.andi %ne3A_247, %ne3A_242 : i1
    %add3A_249 = arith.addi %rem3A_240, %select_n3A_239 : i32
    %select_n3A_250 = arith.select %and3A_248, %add3A_249, %rem3A_240 : i32
    %mul3A_251 = arith.constant 1024 : i32
    %mul3A_252 = arith.muli %select_n3A_250, %mul3A_251 : i32
    %dma_wait3A_253 = arith.constant 0 : i32
    %dma_wait3A_254 = tpu.memref_slice %arg4[%add3A_88, %dma_wait3A_253] : memref<819200x32xf32, #tpu.memory_space<hbm>> -> memref<1024x32xf32, #tpu.memory_space<hbm>>
    %dma_wait3A_255 = arith.constant 0 : i32
    %dma_wait3A_256 = tpu.memref_slice %arg4[%add3A_88, %dma_wait3A_255] : memref<819200x32xf32, #tpu.memory_space<hbm>> -> memref<1024x32xf32, #tpu.memory_space<hbm>>
    tpu.wait_dma2 semaphore(%arg15 : memref<!tpu.dma_semaphore, #tpu.memory_space<semaphore_mem>>) src(%arg9 : memref<1024x32xf32, #tpu.memory_space<vmem>>) dst(%dma_wait3A_256 : memref<1024x32xf32, #tpu.memory_space<hbm>>)
    %mul3A_257 = arith.constant 16384 : i32
    %mul3A_258 = arith.muli %select_n3A_234, %mul3A_257 : i32
    %add3A_259 = arith.addi %mul3A_258, %mul3A_252 : i32
    "tpu.region"() ({
      %run_scoped3A = tpu.sem_alloc : memref<!tpu.dma_semaphore, #tpu.memory_space<semaphore_mem>>
      %dma_start3A_1516 = tpu.memref_slice %arg3[%select_n3A_234, %mul3A_252] : memref<50x16384xi32, #tpu.memory_space<hbm>> -> memref<1x1024xi32, #tpu.memory_space<hbm>>
      %dma_start3A_1517 = tpu.memref_squeeze %dma_start3A_1516 : memref<1x1024xi32, #tpu.memory_space<hbm>> -> memref<1024xi32, #tpu.memory_space<hbm>>
      %dma_start3A_1518 = tpu.memref_slice %arg3[%select_n3A_234, %mul3A_252] : memref<50x16384xi32, #tpu.memory_space<hbm>> -> memref<1x1024xi32, #tpu.memory_space<hbm>>
      %dma_start3A_1519 = tpu.memref_squeeze %dma_start3A_1518 : memref<1x1024xi32, #tpu.memory_space<hbm>> -> memref<1024xi32, #tpu.memory_space<hbm>>
      tpu.enqueue_dma source(%dma_start3A_1519 : memref<1024xi32, #tpu.memory_space<hbm>>) target(%arg6 : memref<1024xi32, #tpu.memory_space<vmem>>) target_semaphore(%run_scoped3A : memref<!tpu.dma_semaphore, #tpu.memory_space<semaphore_mem>>)
      %dma_wait3A_1520 = tpu.memref_slice %arg3[%select_n3A_234, %mul3A_252] : memref<50x16384xi32, #tpu.memory_space<hbm>> -> memref<1x1024xi32, #tpu.memory_space<hbm>>
      %dma_wait3A_1521 = tpu.memref_squeeze %dma_wait3A_1520 : memref<1x1024xi32, #tpu.memory_space<hbm>> -> memref<1024xi32, #tpu.memory_space<hbm>>
      %dma_wait3A_1522 = tpu.memref_slice %arg3[%select_n3A_234, %mul3A_252] : memref<50x16384xi32, #tpu.memory_space<hbm>> -> memref<1x1024xi32, #tpu.memory_space<hbm>>
      %dma_wait3A_1523 = tpu.memref_squeeze %dma_wait3A_1522 : memref<1x1024xi32, #tpu.memory_space<hbm>> -> memref<1024xi32, #tpu.memory_space<hbm>>
      tpu.wait_dma2 semaphore(%run_scoped3A : memref<!tpu.dma_semaphore, #tpu.memory_space<semaphore_mem>>) src(%dma_wait3A_1523 : memref<1024xi32, #tpu.memory_space<hbm>>) dst(%arg6 : memref<1024xi32, #tpu.memory_space<vmem>>)
      tpu.yield
    }) : () -> ()
    %dma_start3A_260 = arith.constant 0 : i32
    %dma_start3A_261 = arith.constant 0 : i32
    %dma_start3A_262 = tpu.memref_slice %arg2[%dma_start3A_260, %dma_start3A_261] : memref<1048576x32xf32, #tpu.memory_space<hbm>> -> memref<1048576x32xf32, #tpu.memory_space<hbm>>
    tpu.enqueue_indirect_dma source(%dma_start3A_262 : memref<1048576x32xf32, #tpu.memory_space<hbm>>) target(%arg9 : memref<1024x32xf32, #tpu.memory_space<vmem>>) offsets(%arg6 : memref<1024xi32, #tpu.memory_space<vmem>>) semaphore(%arg12 : memref<!tpu.dma_semaphore, #tpu.memory_space<semaphore_mem>>)
    %dma_wait3A_263 = arith.constant 0 : i32
    %dma_wait3A_264 = arith.constant 0 : i32
    %dma_wait3A_265 = tpu.memref_slice %arg2[%dma_wait3A_263, %dma_wait3A_264] : memref<1048576x32xf32, #tpu.memory_space<hbm>> -> memref<1048576x32xf32, #tpu.memory_space<hbm>>
    tpu.wait_indirect_dma semaphore(%arg13 : memref<!tpu.dma_semaphore, #tpu.memory_space<semaphore_mem>>) src(%dma_wait3A_265 : memref<1048576x32xf32, #tpu.memory_space<hbm>>) dst(%arg10 : memref<1024x32xf32, #tpu.memory_space<vmem>>)
    %dma_start3A_266 = arith.constant 0 : i32
    %dma_start3A_267 = tpu.memref_slice %arg4[%add3A_138, %dma_start3A_266] : memref<819200x32xf32, #tpu.memory_space<hbm>> -> memref<1024x32xf32, #tpu.memory_space<hbm>>
    %dma_start3A_268 = arith.constant 0 : i32
    %dma_start3A_269 = tpu.memref_slice %arg4[%add3A_138, %dma_start3A_268] : memref<819200x32xf32, #tpu.memory_space<hbm>> -> memref<1024x32xf32, #tpu.memory_space<hbm>>
    tpu.enqueue_dma source(%arg10 : memref<1024x32xf32, #tpu.memory_space<vmem>>) target(%dma_start3A_269 : memref<1024x32xf32, #tpu.memory_space<hbm>>) target_semaphore(%arg16 : memref<!tpu.dma_semaphore, #tpu.memory_space<semaphore_mem>>)
    %add3A_270 = arith.constant 5 : i32
    %add3A_271 = arith.addi %mul3A_2, %add3A_270 : i32
    %jit3A_272 = arith.constant 16 : i32
    %div3A_273 = arith.divsi %add3A_271, %jit3A_272 : i32
    %sign3A_274 = arith.constant 0 : i32
    %sign3A_275 = arith.cmpi sgt, %add3A_271, %sign3A_274 : i32
    %sign3A_276 = arith.extui %sign3A_275 : i1 to i32
    %sign3A_277 = arith.constant 0 : i32
    %sign3A_278 = arith.cmpi slt, %add3A_271, %sign3A_277 : i32
    %sign3A_279 = arith.extui %sign3A_278 : i1 to i32
    %sign3A_280 = arith.subi %sign3A_276, %sign3A_279 : i32
    %sign3A_281 = arith.constant 0 : i32
    %sign3A_282 = arith.cmpi sgt, %jit3A_272, %sign3A_281 : i32
    %sign3A_283 = arith.extui %sign3A_282 : i1 to i32
    %sign3A_284 = arith.constant 0 : i32
    %sign3A_285 = arith.cmpi slt, %jit3A_272, %sign3A_284 : i32
    %sign3A_286 = arith.extui %sign3A_285 : i1 to i32
    %sign3A_287 = arith.subi %sign3A_283, %sign3A_286 : i32
    %ne3A_288 = arith.cmpi ne, %sign3A_280, %sign3A_287 : i32
    %rem3A_289 = arith.remsi %add3A_271, %jit3A_272 : i32
    %ne3A_290 = arith.constant 0 : i32
    %ne3A_291 = arith.cmpi ne, %rem3A_289, %ne3A_290 : i32
    %and3A_292 = arith.andi %ne3A_288, %ne3A_291 : i1
    %sub3A_293 = arith.constant 1 : i32
    %sub3A_294 = arith.subi %div3A_273, %sub3A_293 : i32
    %select_n3A_295 = arith.select %and3A_292, %sub3A_294, %div3A_273 : i32
    %jit3A_296 = arith.constant 16 : i32
    %eq3A_297 = arith.constant 0 : i32
    %eq3A_298 = arith.cmpi eq, %jit3A_296, %eq3A_297 : i32
    %jit3A_299 = arith.constant 1 : i32
    %select_n3A_300 = arith.select %eq3A_298, %jit3A_299, %jit3A_296 : i32
    %rem3A_301 = arith.remsi %add3A_271, %select_n3A_300 : i32
    %ne3A_302 = arith.constant 0 : i32
    %ne3A_303 = arith.cmpi ne, %rem3A_301, %ne3A_302 : i32
    %lt3A_304 = arith.constant 0 : i32
    %lt3A_305 = arith.cmpi slt, %rem3A_301, %lt3A_304 : i32
    %lt3A_306 = arith.constant 0 : i32
    %lt3A_307 = arith.cmpi slt, %select_n3A_300, %lt3A_306 : i32
    %ne3A_308 = arith.xori %lt3A_305, %lt3A_307 : i1
    %and3A_309 = arith.andi %ne3A_308, %ne3A_303 : i1
    %add3A_310 = arith.addi %rem3A_301, %select_n3A_300 : i32
    %select_n3A_311 = arith.select %and3A_309, %add3A_310, %rem3A_301 : i32
    %mul3A_312 = arith.constant 1024 : i32
    %mul3A_313 = arith.muli %select_n3A_311, %mul3A_312 : i32
    %dma_wait3A_314 = arith.constant 0 : i32
    %dma_wait3A_315 = tpu.memref_slice %arg4[%add3A_138, %dma_wait3A_314] : memref<819200x32xf32, #tpu.memory_space<hbm>> -> memref<1024x32xf32, #tpu.memory_space<hbm>>
    %dma_wait3A_316 = arith.constant 0 : i32
    %dma_wait3A_317 = tpu.memref_slice %arg4[%add3A_138, %dma_wait3A_316] : memref<819200x32xf32, #tpu.memory_space<hbm>> -> memref<1024x32xf32, #tpu.memory_space<hbm>>
    tpu.wait_dma2 semaphore(%arg16 : memref<!tpu.dma_semaphore, #tpu.memory_space<semaphore_mem>>) src(%arg10 : memref<1024x32xf32, #tpu.memory_space<vmem>>) dst(%dma_wait3A_317 : memref<1024x32xf32, #tpu.memory_space<hbm>>)
    %mul3A_318 = arith.constant 16384 : i32
    %mul3A_319 = arith.muli %select_n3A_295, %mul3A_318 : i32
    %add3A_320 = arith.addi %mul3A_319, %mul3A_313 : i32
    "tpu.region"() ({
      %run_scoped3A = tpu.sem_alloc : memref<!tpu.dma_semaphore, #tpu.memory_space<semaphore_mem>>
      %dma_start3A_1516 = tpu.memref_slice %arg3[%select_n3A_295, %mul3A_313] : memref<50x16384xi32, #tpu.memory_space<hbm>> -> memref<1x1024xi32, #tpu.memory_space<hbm>>
      %dma_start3A_1517 = tpu.memref_squeeze %dma_start3A_1516 : memref<1x1024xi32, #tpu.memory_space<hbm>> -> memref<1024xi32, #tpu.memory_space<hbm>>
      %dma_start3A_1518 = tpu.memref_slice %arg3[%select_n3A_295, %mul3A_313] : memref<50x16384xi32, #tpu.memory_space<hbm>> -> memref<1x1024xi32, #tpu.memory_space<hbm>>
      %dma_start3A_1519 = tpu.memref_squeeze %dma_start3A_1518 : memref<1x1024xi32, #tpu.memory_space<hbm>> -> memref<1024xi32, #tpu.memory_space<hbm>>
      tpu.enqueue_dma source(%dma_start3A_1519 : memref<1024xi32, #tpu.memory_space<hbm>>) target(%arg7 : memref<1024xi32, #tpu.memory_space<vmem>>) target_semaphore(%run_scoped3A : memref<!tpu.dma_semaphore, #tpu.memory_space<semaphore_mem>>)
      %dma_wait3A_1520 = tpu.memref_slice %arg3[%select_n3A_295, %mul3A_313] : memref<50x16384xi32, #tpu.memory_space<hbm>> -> memref<1x1024xi32, #tpu.memory_space<hbm>>
      %dma_wait3A_1521 = tpu.memref_squeeze %dma_wait3A_1520 : memref<1x1024xi32, #tpu.memory_space<hbm>> -> memref<1024xi32, #tpu.memory_space<hbm>>
      %dma_wait3A_1522 = tpu.memref_slice %arg3[%select_n3A_295, %mul3A_313] : memref<50x16384xi32, #tpu.memory_space<hbm>> -> memref<1x1024xi32, #tpu.memory_space<hbm>>
      %dma_wait3A_1523 = tpu.memref_squeeze %dma_wait3A_1522 : memref<1x1024xi32, #tpu.memory_space<hbm>> -> memref<1024xi32, #tpu.memory_space<hbm>>
      tpu.wait_dma2 semaphore(%run_scoped3A : memref<!tpu.dma_semaphore, #tpu.memory_space<semaphore_mem>>) src(%dma_wait3A_1523 : memref<1024xi32, #tpu.memory_space<hbm>>) dst(%arg7 : memref<1024xi32, #tpu.memory_space<vmem>>)
      tpu.yield
    }) : () -> ()
    %dma_start3A_321 = arith.constant 0 : i32
    %dma_start3A_322 = arith.constant 0 : i32
    %dma_start3A_323 = tpu.memref_slice %arg2[%dma_start3A_321, %dma_start3A_322] : memref<1048576x32xf32, #tpu.memory_space<hbm>> -> memref<1048576x32xf32, #tpu.memory_space<hbm>>
    tpu.enqueue_indirect_dma source(%dma_start3A_323 : memref<1048576x32xf32, #tpu.memory_space<hbm>>) target(%arg10 : memref<1024x32xf32, #tpu.memory_space<vmem>>) offsets(%arg7 : memref<1024xi32, #tpu.memory_space<vmem>>) semaphore(%arg13 : memref<!tpu.dma_semaphore, #tpu.memory_space<semaphore_mem>>)
    %dma_wait3A_324 = arith.constant 0 : i32
    %dma_wait3A_325 = arith.constant 0 : i32
    %dma_wait3A_326 = tpu.memref_slice %arg2[%dma_wait3A_324, %dma_wait3A_325] : memref<1048576x32xf32, #tpu.memory_space<hbm>> -> memref<1048576x32xf32, #tpu.memory_space<hbm>>
    tpu.wait_indirect_dma semaphore(%arg11 : memref<!tpu.dma_semaphore, #tpu.memory_space<semaphore_mem>>) src(%dma_wait3A_326 : memref<1048576x32xf32, #tpu.memory_space<hbm>>) dst(%arg8 : memref<1024x32xf32, #tpu.memory_space<vmem>>)
    %dma_start3A_327 = arith.constant 0 : i32
    %dma_start3A_328 = tpu.memref_slice %arg4[%add3A_198, %dma_start3A_327] : memref<819200x32xf32, #tpu.memory_space<hbm>> -> memref<1024x32xf32, #tpu.memory_space<hbm>>
    %dma_start3A_329 = arith.constant 0 : i32
    %dma_start3A_330 = tpu.memref_slice %arg4[%add3A_198, %dma_start3A_329] : memref<819200x32xf32, #tpu.memory_space<hbm>> -> memref<1024x32xf32, #tpu.memory_space<hbm>>
    tpu.enqueue_dma source(%arg8 : memref<1024x32xf32, #tpu.memory_space<vmem>>) target(%dma_start3A_330 : memref<1024x32xf32, #tpu.memory_space<hbm>>) target_semaphore(%arg14 : memref<!tpu.dma_semaphore, #tpu.memory_space<semaphore_mem>>)
    %add3A_331 = arith.constant 6 : i32
    %add3A_332 = arith.addi %mul3A_2, %add3A_331 : i32
    %jit3A_333 = arith.constant 16 : i32
    %div3A_334 = arith.divsi %add3A_332, %jit3A_333 : i32
    %sign3A_335 = arith.constant 0 : i32
    %sign3A_336 = arith.cmpi sgt, %add3A_332, %sign3A_335 : i32
    %sign3A_337 = arith.extui %sign3A_336 : i1 to i32
    %sign3A_338 = arith.constant 0 : i32
    %sign3A_339 = arith.cmpi slt, %add3A_332, %sign3A_338 : i32
    %sign3A_340 = arith.extui %sign3A_339 : i1 to i32
    %sign3A_341 = arith.subi %sign3A_337, %sign3A_340 : i32
    %sign3A_342 = arith.constant 0 : i32
    %sign3A_343 = arith.cmpi sgt, %jit3A_333, %sign3A_342 : i32
    %sign3A_344 = arith.extui %sign3A_343 : i1 to i32
    %sign3A_345 = arith.constant 0 : i32
    %sign3A_346 = arith.cmpi slt, %jit3A_333, %sign3A_345 : i32
    %sign3A_347 = arith.extui %sign3A_346 : i1 to i32
    %sign3A_348 = arith.subi %sign3A_344, %sign3A_347 : i32
    %ne3A_349 = arith.cmpi ne, %sign3A_341, %sign3A_348 : i32
    %rem3A_350 = arith.remsi %add3A_332, %jit3A_333 : i32
    %ne3A_351 = arith.constant 0 : i32
    %ne3A_352 = arith.cmpi ne, %rem3A_350, %ne3A_351 : i32
    %and3A_353 = arith.andi %ne3A_349, %ne3A_352 : i1
    %sub3A_354 = arith.constant 1 : i32
    %sub3A_355 = arith.subi %div3A_334, %sub3A_354 : i32
    %select_n3A_356 = arith.select %and3A_353, %sub3A_355, %div3A_334 : i32
    %jit3A_357 = arith.constant 16 : i32
    %eq3A_358 = arith.constant 0 : i32
    %eq3A_359 = arith.cmpi eq, %jit3A_357, %eq3A_358 : i32
    %jit3A_360 = arith.constant 1 : i32
    %select_n3A_361 = arith.select %eq3A_359, %jit3A_360, %jit3A_357 : i32
    %rem3A_362 = arith.remsi %add3A_332, %select_n3A_361 : i32
    %ne3A_363 = arith.constant 0 : i32
    %ne3A_364 = arith.cmpi ne, %rem3A_362, %ne3A_363 : i32
    %lt3A_365 = arith.constant 0 : i32
    %lt3A_366 = arith.cmpi slt, %rem3A_362, %lt3A_365 : i32
    %lt3A_367 = arith.constant 0 : i32
    %lt3A_368 = arith.cmpi slt, %select_n3A_361, %lt3A_367 : i32
    %ne3A_369 = arith.xori %lt3A_366, %lt3A_368 : i1
    %and3A_370 = arith.andi %ne3A_369, %ne3A_364 : i1
    %add3A_371 = arith.addi %rem3A_362, %select_n3A_361 : i32
    %select_n3A_372 = arith.select %and3A_370, %add3A_371, %rem3A_362 : i32
    %mul3A_373 = arith.constant 1024 : i32
    %mul3A_374 = arith.muli %select_n3A_372, %mul3A_373 : i32
    %dma_wait3A_375 = arith.constant 0 : i32
    %dma_wait3A_376 = tpu.memref_slice %arg4[%add3A_198, %dma_wait3A_375] : memref<819200x32xf32, #tpu.memory_space<hbm>> -> memref<1024x32xf32, #tpu.memory_space<hbm>>
    %dma_wait3A_377 = arith.constant 0 : i32
    %dma_wait3A_378 = tpu.memref_slice %arg4[%add3A_198, %dma_wait3A_377] : memref<819200x32xf32, #tpu.memory_space<hbm>> -> memref<1024x32xf32, #tpu.memory_space<hbm>>
    tpu.wait_dma2 semaphore(%arg14 : memref<!tpu.dma_semaphore, #tpu.memory_space<semaphore_mem>>) src(%arg8 : memref<1024x32xf32, #tpu.memory_space<vmem>>) dst(%dma_wait3A_378 : memref<1024x32xf32, #tpu.memory_space<hbm>>)
    %mul3A_379 = arith.constant 16384 : i32
    %mul3A_380 = arith.muli %select_n3A_356, %mul3A_379 : i32
    %add3A_381 = arith.addi %mul3A_380, %mul3A_374 : i32
    "tpu.region"() ({
      %run_scoped3A = tpu.sem_alloc : memref<!tpu.dma_semaphore, #tpu.memory_space<semaphore_mem>>
      %dma_start3A_1516 = tpu.memref_slice %arg3[%select_n3A_356, %mul3A_374] : memref<50x16384xi32, #tpu.memory_space<hbm>> -> memref<1x1024xi32, #tpu.memory_space<hbm>>
      %dma_start3A_1517 = tpu.memref_squeeze %dma_start3A_1516 : memref<1x1024xi32, #tpu.memory_space<hbm>> -> memref<1024xi32, #tpu.memory_space<hbm>>
      %dma_start3A_1518 = tpu.memref_slice %arg3[%select_n3A_356, %mul3A_374] : memref<50x16384xi32, #tpu.memory_space<hbm>> -> memref<1x1024xi32, #tpu.memory_space<hbm>>
      %dma_start3A_1519 = tpu.memref_squeeze %dma_start3A_1518 : memref<1x1024xi32, #tpu.memory_space<hbm>> -> memref<1024xi32, #tpu.memory_space<hbm>>
      tpu.enqueue_dma source(%dma_start3A_1519 : memref<1024xi32, #tpu.memory_space<hbm>>) target(%arg5 : memref<1024xi32, #tpu.memory_space<vmem>>) target_semaphore(%run_scoped3A : memref<!tpu.dma_semaphore, #tpu.memory_space<semaphore_mem>>)
      %dma_wait3A_1520 = tpu.memref_slice %arg3[%select_n3A_356, %mul3A_374] : memref<50x16384xi32, #tpu.memory_space<hbm>> -> memref<1x1024xi32, #tpu.memory_space<hbm>>
      %dma_wait3A_1521 = tpu.memref_squeeze %dma_wait3A_1520 : memref<1x1024xi32, #tpu.memory_space<hbm>> -> memref<1024xi32, #tpu.memory_space<hbm>>
      %dma_wait3A_1522 = tpu.memref_slice %arg3[%select_n3A_356, %mul3A_374] : memref<50x16384xi32, #tpu.memory_space<hbm>> -> memref<1x1024xi32, #tpu.memory_space<hbm>>
      %dma_wait3A_1523 = tpu.memref_squeeze %dma_wait3A_1522 : memref<1x1024xi32, #tpu.memory_space<hbm>> -> memref<1024xi32, #tpu.memory_space<hbm>>
      tpu.wait_dma2 semaphore(%run_scoped3A : memref<!tpu.dma_semaphore, #tpu.memory_space<semaphore_mem>>) src(%dma_wait3A_1523 : memref<1024xi32, #tpu.memory_space<hbm>>) dst(%arg5 : memref<1024xi32, #tpu.memory_space<vmem>>)
      tpu.yield
    }) : () -> ()
    %dma_start3A_382 = arith.constant 0 : i32
    %dma_start3A_383 = arith.constant 0 : i32
    %dma_start3A_384 = tpu.memref_slice %arg2[%dma_start3A_382, %dma_start3A_383] : memref<1048576x32xf32, #tpu.memory_space<hbm>> -> memref<1048576x32xf32, #tpu.memory_space<hbm>>
    tpu.enqueue_indirect_dma source(%dma_start3A_384 : memref<1048576x32xf32, #tpu.memory_space<hbm>>) target(%arg8 : memref<1024x32xf32, #tpu.memory_space<vmem>>) offsets(%arg5 : memref<1024xi32, #tpu.memory_space<vmem>>) semaphore(%arg11 : memref<!tpu.dma_semaphore, #tpu.memory_space<semaphore_mem>>)
    %dma_wait3A_385 = arith.constant 0 : i32
    %dma_wait3A_386 = arith.constant 0 : i32
    %dma_wait3A_387 = tpu.memref_slice %arg2[%dma_wait3A_385, %dma_wait3A_386] : memref<1048576x32xf32, #tpu.memory_space<hbm>> -> memref<1048576x32xf32, #tpu.memory_space<hbm>>
    tpu.wait_indirect_dma semaphore(%arg12 : memref<!tpu.dma_semaphore, #tpu.memory_space<semaphore_mem>>) src(%dma_wait3A_387 : memref<1048576x32xf32, #tpu.memory_space<hbm>>) dst(%arg9 : memref<1024x32xf32, #tpu.memory_space<vmem>>)
    %dma_start3A_388 = arith.constant 0 : i32
    %dma_start3A_389 = tpu.memref_slice %arg4[%add3A_259, %dma_start3A_388] : memref<819200x32xf32, #tpu.memory_space<hbm>> -> memref<1024x32xf32, #tpu.memory_space<hbm>>
    %dma_start3A_390 = arith.constant 0 : i32
    %dma_start3A_391 = tpu.memref_slice %arg4[%add3A_259, %dma_start3A_390] : memref<819200x32xf32, #tpu.memory_space<hbm>> -> memref<1024x32xf32, #tpu.memory_space<hbm>>
    tpu.enqueue_dma source(%arg9 : memref<1024x32xf32, #tpu.memory_space<vmem>>) target(%dma_start3A_391 : memref<1024x32xf32, #tpu.memory_space<hbm>>) target_semaphore(%arg15 : memref<!tpu.dma_semaphore, #tpu.memory_space<semaphore_mem>>)
    %add3A_392 = arith.constant 7 : i32
    %add3A_393 = arith.addi %mul3A_2, %add3A_392 : i32
    %jit3A_394 = arith.constant 16 : i32
    %div3A_395 = arith.divsi %add3A_393, %jit3A_394 : i32
    %sign3A_396 = arith.constant 0 : i32
    %sign3A_397 = arith.cmpi sgt, %add3A_393, %sign3A_396 : i32
    %sign3A_398 = arith.extui %sign3A_397 : i1 to i32
    %sign3A_399 = arith.constant 0 : i32
    %sign3A_400 = arith.cmpi slt, %add3A_393, %sign3A_399 : i32
    %sign3A_401 = arith.extui %sign3A_400 : i1 to i32
    %sign3A_402 = arith.subi %sign3A_398, %sign3A_401 : i32
    %sign3A_403 = arith.constant 0 : i32
    %sign3A_404 = arith.cmpi sgt, %jit3A_394, %sign3A_403 : i32
    %sign3A_405 = arith.extui %sign3A_404 : i1 to i32
    %sign3A_406 = arith.constant 0 : i32
    %sign3A_407 = arith.cmpi slt, %jit3A_394, %sign3A_406 : i32
    %sign3A_408 = arith.extui %sign3A_407 : i1 to i32
    %sign3A_409 = arith.subi %sign3A_405, %sign3A_408 : i32
    %ne3A_410 = arith.cmpi ne, %sign3A_402, %sign3A_409 : i32
    %rem3A_411 = arith.remsi %add3A_393, %jit3A_394 : i32
    %ne3A_412 = arith.constant 0 : i32
    %ne3A_413 = arith.cmpi ne, %rem3A_411, %ne3A_412 : i32
    %and3A_414 = arith.andi %ne3A_410, %ne3A_413 : i1
    %sub3A_415 = arith.constant 1 : i32
    %sub3A_416 = arith.subi %div3A_395, %sub3A_415 : i32
    %select_n3A_417 = arith.select %and3A_414, %sub3A_416, %div3A_395 : i32
    %jit3A_418 = arith.constant 16 : i32
    %eq3A_419 = arith.constant 0 : i32
    %eq3A_420 = arith.cmpi eq, %jit3A_418, %eq3A_419 : i32
    %jit3A_421 = arith.constant 1 : i32
    %select_n3A_422 = arith.select %eq3A_420, %jit3A_421, %jit3A_418 : i32
    %rem3A_423 = arith.remsi %add3A_393, %select_n3A_422 : i32
    %ne3A_424 = arith.constant 0 : i32
    %ne3A_425 = arith.cmpi ne, %rem3A_423, %ne3A_424 : i32
    %lt3A_426 = arith.constant 0 : i32
    %lt3A_427 = arith.cmpi slt, %rem3A_423, %lt3A_426 : i32
    %lt3A_428 = arith.constant 0 : i32
    %lt3A_429 = arith.cmpi slt, %select_n3A_422, %lt3A_428 : i32
    %ne3A_430 = arith.xori %lt3A_427, %lt3A_429 : i1
    %and3A_431 = arith.andi %ne3A_430, %ne3A_425 : i1
    %add3A_432 = arith.addi %rem3A_423, %select_n3A_422 : i32
    %select_n3A_433 = arith.select %and3A_431, %add3A_432, %rem3A_423 : i32
    %mul3A_434 = arith.constant 1024 : i32
    %mul3A_435 = arith.muli %select_n3A_433, %mul3A_434 : i32
    %dma_wait3A_436 = arith.constant 0 : i32
    %dma_wait3A_437 = tpu.memref_slice %arg4[%add3A_259, %dma_wait3A_436] : memref<819200x32xf32, #tpu.memory_space<hbm>> -> memref<1024x32xf32, #tpu.memory_space<hbm>>
    %dma_wait3A_438 = arith.constant 0 : i32
    %dma_wait3A_439 = tpu.memref_slice %arg4[%add3A_259, %dma_wait3A_438] : memref<819200x32xf32, #tpu.memory_space<hbm>> -> memref<1024x32xf32, #tpu.memory_space<hbm>>
    tpu.wait_dma2 semaphore(%arg15 : memref<!tpu.dma_semaphore, #tpu.memory_space<semaphore_mem>>) src(%arg9 : memref<1024x32xf32, #tpu.memory_space<vmem>>) dst(%dma_wait3A_439 : memref<1024x32xf32, #tpu.memory_space<hbm>>)
    %mul3A_440 = arith.constant 16384 : i32
    %mul3A_441 = arith.muli %select_n3A_417, %mul3A_440 : i32
    %add3A_442 = arith.addi %mul3A_441, %mul3A_435 : i32
    "tpu.region"() ({
      %run_scoped3A = tpu.sem_alloc : memref<!tpu.dma_semaphore, #tpu.memory_space<semaphore_mem>>
      %dma_start3A_1516 = tpu.memref_slice %arg3[%select_n3A_417, %mul3A_435] : memref<50x16384xi32, #tpu.memory_space<hbm>> -> memref<1x1024xi32, #tpu.memory_space<hbm>>
      %dma_start3A_1517 = tpu.memref_squeeze %dma_start3A_1516 : memref<1x1024xi32, #tpu.memory_space<hbm>> -> memref<1024xi32, #tpu.memory_space<hbm>>
      %dma_start3A_1518 = tpu.memref_slice %arg3[%select_n3A_417, %mul3A_435] : memref<50x16384xi32, #tpu.memory_space<hbm>> -> memref<1x1024xi32, #tpu.memory_space<hbm>>
      %dma_start3A_1519 = tpu.memref_squeeze %dma_start3A_1518 : memref<1x1024xi32, #tpu.memory_space<hbm>> -> memref<1024xi32, #tpu.memory_space<hbm>>
      tpu.enqueue_dma source(%dma_start3A_1519 : memref<1024xi32, #tpu.memory_space<hbm>>) target(%arg6 : memref<1024xi32, #tpu.memory_space<vmem>>) target_semaphore(%run_scoped3A : memref<!tpu.dma_semaphore, #tpu.memory_space<semaphore_mem>>)
      %dma_wait3A_1520 = tpu.memref_slice %arg3[%select_n3A_417, %mul3A_435] : memref<50x16384xi32, #tpu.memory_space<hbm>> -> memref<1x1024xi32, #tpu.memory_space<hbm>>
      %dma_wait3A_1521 = tpu.memref_squeeze %dma_wait3A_1520 : memref<1x1024xi32, #tpu.memory_space<hbm>> -> memref<1024xi32, #tpu.memory_space<hbm>>
      %dma_wait3A_1522 = tpu.memref_slice %arg3[%select_n3A_417, %mul3A_435] : memref<50x16384xi32, #tpu.memory_space<hbm>> -> memref<1x1024xi32, #tpu.memory_space<hbm>>
      %dma_wait3A_1523 = tpu.memref_squeeze %dma_wait3A_1522 : memref<1x1024xi32, #tpu.memory_space<hbm>> -> memref<1024xi32, #tpu.memory_space<hbm>>
      tpu.wait_dma2 semaphore(%run_scoped3A : memref<!tpu.dma_semaphore, #tpu.memory_space<semaphore_mem>>) src(%dma_wait3A_1523 : memref<1024xi32, #tpu.memory_space<hbm>>) dst(%arg6 : memref<1024xi32, #tpu.memory_space<vmem>>)
      tpu.yield
    }) : () -> ()
    %dma_start3A_443 = arith.constant 0 : i32
    %dma_start3A_444 = arith.constant 0 : i32
    %dma_start3A_445 = tpu.memref_slice %arg2[%dma_start3A_443, %dma_start3A_444] : memref<1048576x32xf32, #tpu.memory_space<hbm>> -> memref<1048576x32xf32, #tpu.memory_space<hbm>>
    tpu.enqueue_indirect_dma source(%dma_start3A_445 : memref<1048576x32xf32, #tpu.memory_space<hbm>>) target(%arg9 : memref<1024x32xf32, #tpu.memory_space<vmem>>) offsets(%arg6 : memref<1024xi32, #tpu.memory_space<vmem>>) semaphore(%arg12 : memref<!tpu.dma_semaphore, #tpu.memory_space<semaphore_mem>>)
    %dma_wait3A_446 = arith.constant 0 : i32
    %dma_wait3A_447 = arith.constant 0 : i32
    %dma_wait3A_448 = tpu.memref_slice %arg2[%dma_wait3A_446, %dma_wait3A_447] : memref<1048576x32xf32, #tpu.memory_space<hbm>> -> memref<1048576x32xf32, #tpu.memory_space<hbm>>
    tpu.wait_indirect_dma semaphore(%arg13 : memref<!tpu.dma_semaphore, #tpu.memory_space<semaphore_mem>>) src(%dma_wait3A_448 : memref<1048576x32xf32, #tpu.memory_space<hbm>>) dst(%arg10 : memref<1024x32xf32, #tpu.memory_space<vmem>>)
    %dma_start3A_449 = arith.constant 0 : i32
    %dma_start3A_450 = tpu.memref_slice %arg4[%add3A_320, %dma_start3A_449] : memref<819200x32xf32, #tpu.memory_space<hbm>> -> memref<1024x32xf32, #tpu.memory_space<hbm>>
    %dma_start3A_451 = arith.constant 0 : i32
    %dma_start3A_452 = tpu.memref_slice %arg4[%add3A_320, %dma_start3A_451] : memref<819200x32xf32, #tpu.memory_space<hbm>> -> memref<1024x32xf32, #tpu.memory_space<hbm>>
    tpu.enqueue_dma source(%arg10 : memref<1024x32xf32, #tpu.memory_space<vmem>>) target(%dma_start3A_452 : memref<1024x32xf32, #tpu.memory_space<hbm>>) target_semaphore(%arg16 : memref<!tpu.dma_semaphore, #tpu.memory_space<semaphore_mem>>)
    %add3A_453 = arith.constant 8 : i32
    %add3A_454 = arith.addi %mul3A_2, %add3A_453 : i32
    %jit3A_455 = arith.constant 16 : i32
    %div3A_456 = arith.divsi %add3A_454, %jit3A_455 : i32
    %sign3A_457 = arith.constant 0 : i32
    %sign3A_458 = arith.cmpi sgt, %add3A_454, %sign3A_457 : i32
    %sign3A_459 = arith.extui %sign3A_458 : i1 to i32
    %sign3A_460 = arith.constant 0 : i32
    %sign3A_461 = arith.cmpi slt, %add3A_454, %sign3A_460 : i32
    %sign3A_462 = arith.extui %sign3A_461 : i1 to i32
    %sign3A_463 = arith.subi %sign3A_459, %sign3A_462 : i32
    %sign3A_464 = arith.constant 0 : i32
    %sign3A_465 = arith.cmpi sgt, %jit3A_455, %sign3A_464 : i32
    %sign3A_466 = arith.extui %sign3A_465 : i1 to i32
    %sign3A_467 = arith.constant 0 : i32
    %sign3A_468 = arith.cmpi slt, %jit3A_455, %sign3A_467 : i32
    %sign3A_469 = arith.extui %sign3A_468 : i1 to i32
    %sign3A_470 = arith.subi %sign3A_466, %sign3A_469 : i32
    %ne3A_471 = arith.cmpi ne, %sign3A_463, %sign3A_470 : i32
    %rem3A_472 = arith.remsi %add3A_454, %jit3A_455 : i32
    %ne3A_473 = arith.constant 0 : i32
    %ne3A_474 = arith.cmpi ne, %rem3A_472, %ne3A_473 : i32
    %and3A_475 = arith.andi %ne3A_471, %ne3A_474 : i1
    %sub3A_476 = arith.constant 1 : i32
    %sub3A_477 = arith.subi %div3A_456, %sub3A_476 : i32
    %select_n3A_478 = arith.select %and3A_475, %sub3A_477, %div3A_456 : i32
    %jit3A_479 = arith.constant 16 : i32
    %eq3A_480 = arith.constant 0 : i32
    %eq3A_481 = arith.cmpi eq, %jit3A_479, %eq3A_480 : i32
    %jit3A_482 = arith.constant 1 : i32
    %select_n3A_483 = arith.select %eq3A_481, %jit3A_482, %jit3A_479 : i32
    %rem3A_484 = arith.remsi %add3A_454, %select_n3A_483 : i32
    %ne3A_485 = arith.constant 0 : i32
    %ne3A_486 = arith.cmpi ne, %rem3A_484, %ne3A_485 : i32
    %lt3A_487 = arith.constant 0 : i32
    %lt3A_488 = arith.cmpi slt, %rem3A_484, %lt3A_487 : i32
    %lt3A_489 = arith.constant 0 : i32
    %lt3A_490 = arith.cmpi slt, %select_n3A_483, %lt3A_489 : i32
    %ne3A_491 = arith.xori %lt3A_488, %lt3A_490 : i1
    %and3A_492 = arith.andi %ne3A_491, %ne3A_486 : i1
    %add3A_493 = arith.addi %rem3A_484, %select_n3A_483 : i32
    %select_n3A_494 = arith.select %and3A_492, %add3A_493, %rem3A_484 : i32
    %mul3A_495 = arith.constant 1024 : i32
    %mul3A_496 = arith.muli %select_n3A_494, %mul3A_495 : i32
    %dma_wait3A_497 = arith.constant 0 : i32
    %dma_wait3A_498 = tpu.memref_slice %arg4[%add3A_320, %dma_wait3A_497] : memref<819200x32xf32, #tpu.memory_space<hbm>> -> memref<1024x32xf32, #tpu.memory_space<hbm>>
    %dma_wait3A_499 = arith.constant 0 : i32
    %dma_wait3A_500 = tpu.memref_slice %arg4[%add3A_320, %dma_wait3A_499] : memref<819200x32xf32, #tpu.memory_space<hbm>> -> memref<1024x32xf32, #tpu.memory_space<hbm>>
    tpu.wait_dma2 semaphore(%arg16 : memref<!tpu.dma_semaphore, #tpu.memory_space<semaphore_mem>>) src(%arg10 : memref<1024x32xf32, #tpu.memory_space<vmem>>) dst(%dma_wait3A_500 : memref<1024x32xf32, #tpu.memory_space<hbm>>)
    %mul3A_501 = arith.constant 16384 : i32
    %mul3A_502 = arith.muli %select_n3A_478, %mul3A_501 : i32
    %add3A_503 = arith.addi %mul3A_502, %mul3A_496 : i32
    "tpu.region"() ({
      %run_scoped3A = tpu.sem_alloc : memref<!tpu.dma_semaphore, #tpu.memory_space<semaphore_mem>>
      %dma_start3A_1516 = tpu.memref_slice %arg3[%select_n3A_478, %mul3A_496] : memref<50x16384xi32, #tpu.memory_space<hbm>> -> memref<1x1024xi32, #tpu.memory_space<hbm>>
      %dma_start3A_1517 = tpu.memref_squeeze %dma_start3A_1516 : memref<1x1024xi32, #tpu.memory_space<hbm>> -> memref<1024xi32, #tpu.memory_space<hbm>>
      %dma_start3A_1518 = tpu.memref_slice %arg3[%select_n3A_478, %mul3A_496] : memref<50x16384xi32, #tpu.memory_space<hbm>> -> memref<1x1024xi32, #tpu.memory_space<hbm>>
      %dma_start3A_1519 = tpu.memref_squeeze %dma_start3A_1518 : memref<1x1024xi32, #tpu.memory_space<hbm>> -> memref<1024xi32, #tpu.memory_space<hbm>>
      tpu.enqueue_dma source(%dma_start3A_1519 : memref<1024xi32, #tpu.memory_space<hbm>>) target(%arg7 : memref<1024xi32, #tpu.memory_space<vmem>>) target_semaphore(%run_scoped3A : memref<!tpu.dma_semaphore, #tpu.memory_space<semaphore_mem>>)
      %dma_wait3A_1520 = tpu.memref_slice %arg3[%select_n3A_478, %mul3A_496] : memref<50x16384xi32, #tpu.memory_space<hbm>> -> memref<1x1024xi32, #tpu.memory_space<hbm>>
      %dma_wait3A_1521 = tpu.memref_squeeze %dma_wait3A_1520 : memref<1x1024xi32, #tpu.memory_space<hbm>> -> memref<1024xi32, #tpu.memory_space<hbm>>
      %dma_wait3A_1522 = tpu.memref_slice %arg3[%select_n3A_478, %mul3A_496] : memref<50x16384xi32, #tpu.memory_space<hbm>> -> memref<1x1024xi32, #tpu.memory_space<hbm>>
      %dma_wait3A_1523 = tpu.memref_squeeze %dma_wait3A_1522 : memref<1x1024xi32, #tpu.memory_space<hbm>> -> memref<1024xi32, #tpu.memory_space<hbm>>
      tpu.wait_dma2 semaphore(%run_scoped3A : memref<!tpu.dma_semaphore, #tpu.memory_space<semaphore_mem>>) src(%dma_wait3A_1523 : memref<1024xi32, #tpu.memory_space<hbm>>) dst(%arg7 : memref<1024xi32, #tpu.memory_space<vmem>>)
      tpu.yield
    }) : () -> ()
    %dma_start3A_504 = arith.constant 0 : i32
    %dma_start3A_505 = arith.constant 0 : i32
    %dma_start3A_506 = tpu.memref_slice %arg2[%dma_start3A_504, %dma_start3A_505] : memref<1048576x32xf32, #tpu.memory_space<hbm>> -> memref<1048576x32xf32, #tpu.memory_space<hbm>>
    tpu.enqueue_indirect_dma source(%dma_start3A_506 : memref<1048576x32xf32, #tpu.memory_space<hbm>>) target(%arg10 : memref<1024x32xf32, #tpu.memory_space<vmem>>) offsets(%arg7 : memref<1024xi32, #tpu.memory_space<vmem>>) semaphore(%arg13 : memref<!tpu.dma_semaphore, #tpu.memory_space<semaphore_mem>>)
    %dma_wait3A_507 = arith.constant 0 : i32
    %dma_wait3A_508 = arith.constant 0 : i32
    %dma_wait3A_509 = tpu.memref_slice %arg2[%dma_wait3A_507, %dma_wait3A_508] : memref<1048576x32xf32, #tpu.memory_space<hbm>> -> memref<1048576x32xf32, #tpu.memory_space<hbm>>
    tpu.wait_indirect_dma semaphore(%arg11 : memref<!tpu.dma_semaphore, #tpu.memory_space<semaphore_mem>>) src(%dma_wait3A_509 : memref<1048576x32xf32, #tpu.memory_space<hbm>>) dst(%arg8 : memref<1024x32xf32, #tpu.memory_space<vmem>>)
    %dma_start3A_510 = arith.constant 0 : i32
    %dma_start3A_511 = tpu.memref_slice %arg4[%add3A_381, %dma_start3A_510] : memref<819200x32xf32, #tpu.memory_space<hbm>> -> memref<1024x32xf32, #tpu.memory_space<hbm>>
    %dma_start3A_512 = arith.constant 0 : i32
    %dma_start3A_513 = tpu.memref_slice %arg4[%add3A_381, %dma_start3A_512] : memref<819200x32xf32, #tpu.memory_space<hbm>> -> memref<1024x32xf32, #tpu.memory_space<hbm>>
    tpu.enqueue_dma source(%arg8 : memref<1024x32xf32, #tpu.memory_space<vmem>>) target(%dma_start3A_513 : memref<1024x32xf32, #tpu.memory_space<hbm>>) target_semaphore(%arg14 : memref<!tpu.dma_semaphore, #tpu.memory_space<semaphore_mem>>)
    %add3A_514 = arith.constant 9 : i32
    %add3A_515 = arith.addi %mul3A_2, %add3A_514 : i32
    %jit3A_516 = arith.constant 16 : i32
    %div3A_517 = arith.divsi %add3A_515, %jit3A_516 : i32
    %sign3A_518 = arith.constant 0 : i32
    %sign3A_519 = arith.cmpi sgt, %add3A_515, %sign3A_518 : i32
    %sign3A_520 = arith.extui %sign3A_519 : i1 to i32
    %sign3A_521 = arith.constant 0 : i32
    %sign3A_522 = arith.cmpi slt, %add3A_515, %sign3A_521 : i32
    %sign3A_523 = arith.extui %sign3A_522 : i1 to i32
    %sign3A_524 = arith.subi %sign3A_520, %sign3A_523 : i32
    %sign3A_525 = arith.constant 0 : i32
    %sign3A_526 = arith.cmpi sgt, %jit3A_516, %sign3A_525 : i32
    %sign3A_527 = arith.extui %sign3A_526 : i1 to i32
    %sign3A_528 = arith.constant 0 : i32
    %sign3A_529 = arith.cmpi slt, %jit3A_516, %sign3A_528 : i32
    %sign3A_530 = arith.extui %sign3A_529 : i1 to i32
    %sign3A_531 = arith.subi %sign3A_527, %sign3A_530 : i32
    %ne3A_532 = arith.cmpi ne, %sign3A_524, %sign3A_531 : i32
    %rem3A_533 = arith.remsi %add3A_515, %jit3A_516 : i32
    %ne3A_534 = arith.constant 0 : i32
    %ne3A_535 = arith.cmpi ne, %rem3A_533, %ne3A_534 : i32
    %and3A_536 = arith.andi %ne3A_532, %ne3A_535 : i1
    %sub3A_537 = arith.constant 1 : i32
    %sub3A_538 = arith.subi %div3A_517, %sub3A_537 : i32
    %select_n3A_539 = arith.select %and3A_536, %sub3A_538, %div3A_517 : i32
    %jit3A_540 = arith.constant 16 : i32
    %eq3A_541 = arith.constant 0 : i32
    %eq3A_542 = arith.cmpi eq, %jit3A_540, %eq3A_541 : i32
    %jit3A_543 = arith.constant 1 : i32
    %select_n3A_544 = arith.select %eq3A_542, %jit3A_543, %jit3A_540 : i32
    %rem3A_545 = arith.remsi %add3A_515, %select_n3A_544 : i32
    %ne3A_546 = arith.constant 0 : i32
    %ne3A_547 = arith.cmpi ne, %rem3A_545, %ne3A_546 : i32
    %lt3A_548 = arith.constant 0 : i32
    %lt3A_549 = arith.cmpi slt, %rem3A_545, %lt3A_548 : i32
    %lt3A_550 = arith.constant 0 : i32
    %lt3A_551 = arith.cmpi slt, %select_n3A_544, %lt3A_550 : i32
    %ne3A_552 = arith.xori %lt3A_549, %lt3A_551 : i1
    %and3A_553 = arith.andi %ne3A_552, %ne3A_547 : i1
    %add3A_554 = arith.addi %rem3A_545, %select_n3A_544 : i32
    %select_n3A_555 = arith.select %and3A_553, %add3A_554, %rem3A_545 : i32
    %mul3A_556 = arith.constant 1024 : i32
    %mul3A_557 = arith.muli %select_n3A_555, %mul3A_556 : i32
    %dma_wait3A_558 = arith.constant 0 : i32
    %dma_wait3A_559 = tpu.memref_slice %arg4[%add3A_381, %dma_wait3A_558] : memref<819200x32xf32, #tpu.memory_space<hbm>> -> memref<1024x32xf32, #tpu.memory_space<hbm>>
    %dma_wait3A_560 = arith.constant 0 : i32
    %dma_wait3A_561 = tpu.memref_slice %arg4[%add3A_381, %dma_wait3A_560] : memref<819200x32xf32, #tpu.memory_space<hbm>> -> memref<1024x32xf32, #tpu.memory_space<hbm>>
    tpu.wait_dma2 semaphore(%arg14 : memref<!tpu.dma_semaphore, #tpu.memory_space<semaphore_mem>>) src(%arg8 : memref<1024x32xf32, #tpu.memory_space<vmem>>) dst(%dma_wait3A_561 : memref<1024x32xf32, #tpu.memory_space<hbm>>)
    %mul3A_562 = arith.constant 16384 : i32
    %mul3A_563 = arith.muli %select_n3A_539, %mul3A_562 : i32
    %add3A_564 = arith.addi %mul3A_563, %mul3A_557 : i32
    "tpu.region"() ({
      %run_scoped3A = tpu.sem_alloc : memref<!tpu.dma_semaphore, #tpu.memory_space<semaphore_mem>>
      %dma_start3A_1516 = tpu.memref_slice %arg3[%select_n3A_539, %mul3A_557] : memref<50x16384xi32, #tpu.memory_space<hbm>> -> memref<1x1024xi32, #tpu.memory_space<hbm>>
      %dma_start3A_1517 = tpu.memref_squeeze %dma_start3A_1516 : memref<1x1024xi32, #tpu.memory_space<hbm>> -> memref<1024xi32, #tpu.memory_space<hbm>>
      %dma_start3A_1518 = tpu.memref_slice %arg3[%select_n3A_539, %mul3A_557] : memref<50x16384xi32, #tpu.memory_space<hbm>> -> memref<1x1024xi32, #tpu.memory_space<hbm>>
      %dma_start3A_1519 = tpu.memref_squeeze %dma_start3A_1518 : memref<1x1024xi32, #tpu.memory_space<hbm>> -> memref<1024xi32, #tpu.memory_space<hbm>>
      tpu.enqueue_dma source(%dma_start3A_1519 : memref<1024xi32, #tpu.memory_space<hbm>>) target(%arg5 : memref<1024xi32, #tpu.memory_space<vmem>>) target_semaphore(%run_scoped3A : memref<!tpu.dma_semaphore, #tpu.memory_space<semaphore_mem>>)
      %dma_wait3A_1520 = tpu.memref_slice %arg3[%select_n3A_539, %mul3A_557] : memref<50x16384xi32, #tpu.memory_space<hbm>> -> memref<1x1024xi32, #tpu.memory_space<hbm>>
      %dma_wait3A_1521 = tpu.memref_squeeze %dma_wait3A_1520 : memref<1x1024xi32, #tpu.memory_space<hbm>> -> memref<1024xi32, #tpu.memory_space<hbm>>
      %dma_wait3A_1522 = tpu.memref_slice %arg3[%select_n3A_539, %mul3A_557] : memref<50x16384xi32, #tpu.memory_space<hbm>> -> memref<1x1024xi32, #tpu.memory_space<hbm>>
      %dma_wait3A_1523 = tpu.memref_squeeze %dma_wait3A_1522 : memref<1x1024xi32, #tpu.memory_space<hbm>> -> memref<1024xi32, #tpu.memory_space<hbm>>
      tpu.wait_dma2 semaphore(%run_scoped3A : memref<!tpu.dma_semaphore, #tpu.memory_space<semaphore_mem>>) src(%dma_wait3A_1523 : memref<1024xi32, #tpu.memory_space<hbm>>) dst(%arg5 : memref<1024xi32, #tpu.memory_space<vmem>>)
      tpu.yield
    }) : () -> ()
    %dma_start3A_565 = arith.constant 0 : i32
    %dma_start3A_566 = arith.constant 0 : i32
    %dma_start3A_567 = tpu.memref_slice %arg2[%dma_start3A_565, %dma_start3A_566] : memref<1048576x32xf32, #tpu.memory_space<hbm>> -> memref<1048576x32xf32, #tpu.memory_space<hbm>>
    tpu.enqueue_indirect_dma source(%dma_start3A_567 : memref<1048576x32xf32, #tpu.memory_space<hbm>>) target(%arg8 : memref<1024x32xf32, #tpu.memory_space<vmem>>) offsets(%arg5 : memref<1024xi32, #tpu.memory_space<vmem>>) semaphore(%arg11 : memref<!tpu.dma_semaphore, #tpu.memory_space<semaphore_mem>>)
    %dma_wait3A_568 = arith.constant 0 : i32
    %dma_wait3A_569 = arith.constant 0 : i32
    %dma_wait3A_570 = tpu.memref_slice %arg2[%dma_wait3A_568, %dma_wait3A_569] : memref<1048576x32xf32, #tpu.memory_space<hbm>> -> memref<1048576x32xf32, #tpu.memory_space<hbm>>
    tpu.wait_indirect_dma semaphore(%arg12 : memref<!tpu.dma_semaphore, #tpu.memory_space<semaphore_mem>>) src(%dma_wait3A_570 : memref<1048576x32xf32, #tpu.memory_space<hbm>>) dst(%arg9 : memref<1024x32xf32, #tpu.memory_space<vmem>>)
    %dma_start3A_571 = arith.constant 0 : i32
    %dma_start3A_572 = tpu.memref_slice %arg4[%add3A_442, %dma_start3A_571] : memref<819200x32xf32, #tpu.memory_space<hbm>> -> memref<1024x32xf32, #tpu.memory_space<hbm>>
    %dma_start3A_573 = arith.constant 0 : i32
    %dma_start3A_574 = tpu.memref_slice %arg4[%add3A_442, %dma_start3A_573] : memref<819200x32xf32, #tpu.memory_space<hbm>> -> memref<1024x32xf32, #tpu.memory_space<hbm>>
    tpu.enqueue_dma source(%arg9 : memref<1024x32xf32, #tpu.memory_space<vmem>>) target(%dma_start3A_574 : memref<1024x32xf32, #tpu.memory_space<hbm>>) target_semaphore(%arg15 : memref<!tpu.dma_semaphore, #tpu.memory_space<semaphore_mem>>)
    %add3A_575 = arith.constant 10 : i32
    %add3A_576 = arith.addi %mul3A_2, %add3A_575 : i32
    %jit3A_577 = arith.constant 16 : i32
    %div3A_578 = arith.divsi %add3A_576, %jit3A_577 : i32
    %sign3A_579 = arith.constant 0 : i32
    %sign3A_580 = arith.cmpi sgt, %add3A_576, %sign3A_579 : i32
    %sign3A_581 = arith.extui %sign3A_580 : i1 to i32
    %sign3A_582 = arith.constant 0 : i32
    %sign3A_583 = arith.cmpi slt, %add3A_576, %sign3A_582 : i32
    %sign3A_584 = arith.extui %sign3A_583 : i1 to i32
    %sign3A_585 = arith.subi %sign3A_581, %sign3A_584 : i32
    %sign3A_586 = arith.constant 0 : i32
    %sign3A_587 = arith.cmpi sgt, %jit3A_577, %sign3A_586 : i32
    %sign3A_588 = arith.extui %sign3A_587 : i1 to i32
    %sign3A_589 = arith.constant 0 : i32
    %sign3A_590 = arith.cmpi slt, %jit3A_577, %sign3A_589 : i32
    %sign3A_591 = arith.extui %sign3A_590 : i1 to i32
    %sign3A_592 = arith.subi %sign3A_588, %sign3A_591 : i32
    %ne3A_593 = arith.cmpi ne, %sign3A_585, %sign3A_592 : i32
    %rem3A_594 = arith.remsi %add3A_576, %jit3A_577 : i32
    %ne3A_595 = arith.constant 0 : i32
    %ne3A_596 = arith.cmpi ne, %rem3A_594, %ne3A_595 : i32
    %and3A_597 = arith.andi %ne3A_593, %ne3A_596 : i1
    %sub3A_598 = arith.constant 1 : i32
    %sub3A_599 = arith.subi %div3A_578, %sub3A_598 : i32
    %select_n3A_600 = arith.select %and3A_597, %sub3A_599, %div3A_578 : i32
    %jit3A_601 = arith.constant 16 : i32
    %eq3A_602 = arith.constant 0 : i32
    %eq3A_603 = arith.cmpi eq, %jit3A_601, %eq3A_602 : i32
    %jit3A_604 = arith.constant 1 : i32
    %select_n3A_605 = arith.select %eq3A_603, %jit3A_604, %jit3A_601 : i32
    %rem3A_606 = arith.remsi %add3A_576, %select_n3A_605 : i32
    %ne3A_607 = arith.constant 0 : i32
    %ne3A_608 = arith.cmpi ne, %rem3A_606, %ne3A_607 : i32
    %lt3A_609 = arith.constant 0 : i32
    %lt3A_610 = arith.cmpi slt, %rem3A_606, %lt3A_609 : i32
    %lt3A_611 = arith.constant 0 : i32
    %lt3A_612 = arith.cmpi slt, %select_n3A_605, %lt3A_611 : i32
    %ne3A_613 = arith.xori %lt3A_610, %lt3A_612 : i1
    %and3A_614 = arith.andi %ne3A_613, %ne3A_608 : i1
    %add3A_615 = arith.addi %rem3A_606, %select_n3A_605 : i32
    %select_n3A_616 = arith.select %and3A_614, %add3A_615, %rem3A_606 : i32
    %mul3A_617 = arith.constant 1024 : i32
    %mul3A_618 = arith.muli %select_n3A_616, %mul3A_617 : i32
    %dma_wait3A_619 = arith.constant 0 : i32
    %dma_wait3A_620 = tpu.memref_slice %arg4[%add3A_442, %dma_wait3A_619] : memref<819200x32xf32, #tpu.memory_space<hbm>> -> memref<1024x32xf32, #tpu.memory_space<hbm>>
    %dma_wait3A_621 = arith.constant 0 : i32
    %dma_wait3A_622 = tpu.memref_slice %arg4[%add3A_442, %dma_wait3A_621] : memref<819200x32xf32, #tpu.memory_space<hbm>> -> memref<1024x32xf32, #tpu.memory_space<hbm>>
    tpu.wait_dma2 semaphore(%arg15 : memref<!tpu.dma_semaphore, #tpu.memory_space<semaphore_mem>>) src(%arg9 : memref<1024x32xf32, #tpu.memory_space<vmem>>) dst(%dma_wait3A_622 : memref<1024x32xf32, #tpu.memory_space<hbm>>)
    %mul3A_623 = arith.constant 16384 : i32
    %mul3A_624 = arith.muli %select_n3A_600, %mul3A_623 : i32
    %add3A_625 = arith.addi %mul3A_624, %mul3A_618 : i32
    "tpu.region"() ({
      %run_scoped3A = tpu.sem_alloc : memref<!tpu.dma_semaphore, #tpu.memory_space<semaphore_mem>>
      %dma_start3A_1516 = tpu.memref_slice %arg3[%select_n3A_600, %mul3A_618] : memref<50x16384xi32, #tpu.memory_space<hbm>> -> memref<1x1024xi32, #tpu.memory_space<hbm>>
      %dma_start3A_1517 = tpu.memref_squeeze %dma_start3A_1516 : memref<1x1024xi32, #tpu.memory_space<hbm>> -> memref<1024xi32, #tpu.memory_space<hbm>>
      %dma_start3A_1518 = tpu.memref_slice %arg3[%select_n3A_600, %mul3A_618] : memref<50x16384xi32, #tpu.memory_space<hbm>> -> memref<1x1024xi32, #tpu.memory_space<hbm>>
      %dma_start3A_1519 = tpu.memref_squeeze %dma_start3A_1518 : memref<1x1024xi32, #tpu.memory_space<hbm>> -> memref<1024xi32, #tpu.memory_space<hbm>>
      tpu.enqueue_dma source(%dma_start3A_1519 : memref<1024xi32, #tpu.memory_space<hbm>>) target(%arg6 : memref<1024xi32, #tpu.memory_space<vmem>>) target_semaphore(%run_scoped3A : memref<!tpu.dma_semaphore, #tpu.memory_space<semaphore_mem>>)
      %dma_wait3A_1520 = tpu.memref_slice %arg3[%select_n3A_600, %mul3A_618] : memref<50x16384xi32, #tpu.memory_space<hbm>> -> memref<1x1024xi32, #tpu.memory_space<hbm>>
      %dma_wait3A_1521 = tpu.memref_squeeze %dma_wait3A_1520 : memref<1x1024xi32, #tpu.memory_space<hbm>> -> memref<1024xi32, #tpu.memory_space<hbm>>
      %dma_wait3A_1522 = tpu.memref_slice %arg3[%select_n3A_600, %mul3A_618] : memref<50x16384xi32, #tpu.memory_space<hbm>> -> memref<1x1024xi32, #tpu.memory_space<hbm>>
      %dma_wait3A_1523 = tpu.memref_squeeze %dma_wait3A_1522 : memref<1x1024xi32, #tpu.memory_space<hbm>> -> memref<1024xi32, #tpu.memory_space<hbm>>
      tpu.wait_dma2 semaphore(%run_scoped3A : memref<!tpu.dma_semaphore, #tpu.memory_space<semaphore_mem>>) src(%dma_wait3A_1523 : memref<1024xi32, #tpu.memory_space<hbm>>) dst(%arg6 : memref<1024xi32, #tpu.memory_space<vmem>>)
      tpu.yield
    }) : () -> ()
    %dma_start3A_626 = arith.constant 0 : i32
    %dma_start3A_627 = arith.constant 0 : i32
    %dma_start3A_628 = tpu.memref_slice %arg2[%dma_start3A_626, %dma_start3A_627] : memref<1048576x32xf32, #tpu.memory_space<hbm>> -> memref<1048576x32xf32, #tpu.memory_space<hbm>>
    tpu.enqueue_indirect_dma source(%dma_start3A_628 : memref<1048576x32xf32, #tpu.memory_space<hbm>>) target(%arg9 : memref<1024x32xf32, #tpu.memory_space<vmem>>) offsets(%arg6 : memref<1024xi32, #tpu.memory_space<vmem>>) semaphore(%arg12 : memref<!tpu.dma_semaphore, #tpu.memory_space<semaphore_mem>>)
    %dma_wait3A_629 = arith.constant 0 : i32
    %dma_wait3A_630 = arith.constant 0 : i32
    %dma_wait3A_631 = tpu.memref_slice %arg2[%dma_wait3A_629, %dma_wait3A_630] : memref<1048576x32xf32, #tpu.memory_space<hbm>> -> memref<1048576x32xf32, #tpu.memory_space<hbm>>
    tpu.wait_indirect_dma semaphore(%arg13 : memref<!tpu.dma_semaphore, #tpu.memory_space<semaphore_mem>>) src(%dma_wait3A_631 : memref<1048576x32xf32, #tpu.memory_space<hbm>>) dst(%arg10 : memref<1024x32xf32, #tpu.memory_space<vmem>>)
    %dma_start3A_632 = arith.constant 0 : i32
    %dma_start3A_633 = tpu.memref_slice %arg4[%add3A_503, %dma_start3A_632] : memref<819200x32xf32, #tpu.memory_space<hbm>> -> memref<1024x32xf32, #tpu.memory_space<hbm>>
    %dma_start3A_634 = arith.constant 0 : i32
    %dma_start3A_635 = tpu.memref_slice %arg4[%add3A_503, %dma_start3A_634] : memref<819200x32xf32, #tpu.memory_space<hbm>> -> memref<1024x32xf32, #tpu.memory_space<hbm>>
    tpu.enqueue_dma source(%arg10 : memref<1024x32xf32, #tpu.memory_space<vmem>>) target(%dma_start3A_635 : memref<1024x32xf32, #tpu.memory_space<hbm>>) target_semaphore(%arg16 : memref<!tpu.dma_semaphore, #tpu.memory_space<semaphore_mem>>)
    %add3A_636 = arith.constant 11 : i32
    %add3A_637 = arith.addi %mul3A_2, %add3A_636 : i32
    %jit3A_638 = arith.constant 16 : i32
    %div3A_639 = arith.divsi %add3A_637, %jit3A_638 : i32
    %sign3A_640 = arith.constant 0 : i32
    %sign3A_641 = arith.cmpi sgt, %add3A_637, %sign3A_640 : i32
    %sign3A_642 = arith.extui %sign3A_641 : i1 to i32
    %sign3A_643 = arith.constant 0 : i32
    %sign3A_644 = arith.cmpi slt, %add3A_637, %sign3A_643 : i32
    %sign3A_645 = arith.extui %sign3A_644 : i1 to i32
    %sign3A_646 = arith.subi %sign3A_642, %sign3A_645 : i32
    %sign3A_647 = arith.constant 0 : i32
    %sign3A_648 = arith.cmpi sgt, %jit3A_638, %sign3A_647 : i32
    %sign3A_649 = arith.extui %sign3A_648 : i1 to i32
    %sign3A_650 = arith.constant 0 : i32
    %sign3A_651 = arith.cmpi slt, %jit3A_638, %sign3A_650 : i32
    %sign3A_652 = arith.extui %sign3A_651 : i1 to i32
    %sign3A_653 = arith.subi %sign3A_649, %sign3A_652 : i32
    %ne3A_654 = arith.cmpi ne, %sign3A_646, %sign3A_653 : i32
    %rem3A_655 = arith.remsi %add3A_637, %jit3A_638 : i32
    %ne3A_656 = arith.constant 0 : i32
    %ne3A_657 = arith.cmpi ne, %rem3A_655, %ne3A_656 : i32
    %and3A_658 = arith.andi %ne3A_654, %ne3A_657 : i1
    %sub3A_659 = arith.constant 1 : i32
    %sub3A_660 = arith.subi %div3A_639, %sub3A_659 : i32
    %select_n3A_661 = arith.select %and3A_658, %sub3A_660, %div3A_639 : i32
    %jit3A_662 = arith.constant 16 : i32
    %eq3A_663 = arith.constant 0 : i32
    %eq3A_664 = arith.cmpi eq, %jit3A_662, %eq3A_663 : i32
    %jit3A_665 = arith.constant 1 : i32
    %select_n3A_666 = arith.select %eq3A_664, %jit3A_665, %jit3A_662 : i32
    %rem3A_667 = arith.remsi %add3A_637, %select_n3A_666 : i32
    %ne3A_668 = arith.constant 0 : i32
    %ne3A_669 = arith.cmpi ne, %rem3A_667, %ne3A_668 : i32
    %lt3A_670 = arith.constant 0 : i32
    %lt3A_671 = arith.cmpi slt, %rem3A_667, %lt3A_670 : i32
    %lt3A_672 = arith.constant 0 : i32
    %lt3A_673 = arith.cmpi slt, %select_n3A_666, %lt3A_672 : i32
    %ne3A_674 = arith.xori %lt3A_671, %lt3A_673 : i1
    %and3A_675 = arith.andi %ne3A_674, %ne3A_669 : i1
    %add3A_676 = arith.addi %rem3A_667, %select_n3A_666 : i32
    %select_n3A_677 = arith.select %and3A_675, %add3A_676, %rem3A_667 : i32
    %mul3A_678 = arith.constant 1024 : i32
    %mul3A_679 = arith.muli %select_n3A_677, %mul3A_678 : i32
    %dma_wait3A_680 = arith.constant 0 : i32
    %dma_wait3A_681 = tpu.memref_slice %arg4[%add3A_503, %dma_wait3A_680] : memref<819200x32xf32, #tpu.memory_space<hbm>> -> memref<1024x32xf32, #tpu.memory_space<hbm>>
    %dma_wait3A_682 = arith.constant 0 : i32
    %dma_wait3A_683 = tpu.memref_slice %arg4[%add3A_503, %dma_wait3A_682] : memref<819200x32xf32, #tpu.memory_space<hbm>> -> memref<1024x32xf32, #tpu.memory_space<hbm>>
    tpu.wait_dma2 semaphore(%arg16 : memref<!tpu.dma_semaphore, #tpu.memory_space<semaphore_mem>>) src(%arg10 : memref<1024x32xf32, #tpu.memory_space<vmem>>) dst(%dma_wait3A_683 : memref<1024x32xf32, #tpu.memory_space<hbm>>)
    %mul3A_684 = arith.constant 16384 : i32
    %mul3A_685 = arith.muli %select_n3A_661, %mul3A_684 : i32
    %add3A_686 = arith.addi %mul3A_685, %mul3A_679 : i32
    "tpu.region"() ({
      %run_scoped3A = tpu.sem_alloc : memref<!tpu.dma_semaphore, #tpu.memory_space<semaphore_mem>>
      %dma_start3A_1516 = tpu.memref_slice %arg3[%select_n3A_661, %mul3A_679] : memref<50x16384xi32, #tpu.memory_space<hbm>> -> memref<1x1024xi32, #tpu.memory_space<hbm>>
      %dma_start3A_1517 = tpu.memref_squeeze %dma_start3A_1516 : memref<1x1024xi32, #tpu.memory_space<hbm>> -> memref<1024xi32, #tpu.memory_space<hbm>>
      %dma_start3A_1518 = tpu.memref_slice %arg3[%select_n3A_661, %mul3A_679] : memref<50x16384xi32, #tpu.memory_space<hbm>> -> memref<1x1024xi32, #tpu.memory_space<hbm>>
      %dma_start3A_1519 = tpu.memref_squeeze %dma_start3A_1518 : memref<1x1024xi32, #tpu.memory_space<hbm>> -> memref<1024xi32, #tpu.memory_space<hbm>>
      tpu.enqueue_dma source(%dma_start3A_1519 : memref<1024xi32, #tpu.memory_space<hbm>>) target(%arg7 : memref<1024xi32, #tpu.memory_space<vmem>>) target_semaphore(%run_scoped3A : memref<!tpu.dma_semaphore, #tpu.memory_space<semaphore_mem>>)
      %dma_wait3A_1520 = tpu.memref_slice %arg3[%select_n3A_661, %mul3A_679] : memref<50x16384xi32, #tpu.memory_space<hbm>> -> memref<1x1024xi32, #tpu.memory_space<hbm>>
      %dma_wait3A_1521 = tpu.memref_squeeze %dma_wait3A_1520 : memref<1x1024xi32, #tpu.memory_space<hbm>> -> memref<1024xi32, #tpu.memory_space<hbm>>
      %dma_wait3A_1522 = tpu.memref_slice %arg3[%select_n3A_661, %mul3A_679] : memref<50x16384xi32, #tpu.memory_space<hbm>> -> memref<1x1024xi32, #tpu.memory_space<hbm>>
      %dma_wait3A_1523 = tpu.memref_squeeze %dma_wait3A_1522 : memref<1x1024xi32, #tpu.memory_space<hbm>> -> memref<1024xi32, #tpu.memory_space<hbm>>
      tpu.wait_dma2 semaphore(%run_scoped3A : memref<!tpu.dma_semaphore, #tpu.memory_space<semaphore_mem>>) src(%dma_wait3A_1523 : memref<1024xi32, #tpu.memory_space<hbm>>) dst(%arg7 : memref<1024xi32, #tpu.memory_space<vmem>>)
      tpu.yield
    }) : () -> ()
    %dma_start3A_687 = arith.constant 0 : i32
    %dma_start3A_688 = arith.constant 0 : i32
    %dma_start3A_689 = tpu.memref_slice %arg2[%dma_start3A_687, %dma_start3A_688] : memref<1048576x32xf32, #tpu.memory_space<hbm>> -> memref<1048576x32xf32, #tpu.memory_space<hbm>>
    tpu.enqueue_indirect_dma source(%dma_start3A_689 : memref<1048576x32xf32, #tpu.memory_space<hbm>>) target(%arg10 : memref<1024x32xf32, #tpu.memory_space<vmem>>) offsets(%arg7 : memref<1024xi32, #tpu.memory_space<vmem>>) semaphore(%arg13 : memref<!tpu.dma_semaphore, #tpu.memory_space<semaphore_mem>>)
    %dma_wait3A_690 = arith.constant 0 : i32
    %dma_wait3A_691 = arith.constant 0 : i32
    %dma_wait3A_692 = tpu.memref_slice %arg2[%dma_wait3A_690, %dma_wait3A_691] : memref<1048576x32xf32, #tpu.memory_space<hbm>> -> memref<1048576x32xf32, #tpu.memory_space<hbm>>
    tpu.wait_indirect_dma semaphore(%arg11 : memref<!tpu.dma_semaphore, #tpu.memory_space<semaphore_mem>>) src(%dma_wait3A_692 : memref<1048576x32xf32, #tpu.memory_space<hbm>>) dst(%arg8 : memref<1024x32xf32, #tpu.memory_space<vmem>>)
    %dma_start3A_693 = arith.constant 0 : i32
    %dma_start3A_694 = tpu.memref_slice %arg4[%add3A_564, %dma_start3A_693] : memref<819200x32xf32, #tpu.memory_space<hbm>> -> memref<1024x32xf32, #tpu.memory_space<hbm>>
    %dma_start3A_695 = arith.constant 0 : i32
    %dma_start3A_696 = tpu.memref_slice %arg4[%add3A_564, %dma_start3A_695] : memref<819200x32xf32, #tpu.memory_space<hbm>> -> memref<1024x32xf32, #tpu.memory_space<hbm>>
    tpu.enqueue_dma source(%arg8 : memref<1024x32xf32, #tpu.memory_space<vmem>>) target(%dma_start3A_696 : memref<1024x32xf32, #tpu.memory_space<hbm>>) target_semaphore(%arg14 : memref<!tpu.dma_semaphore, #tpu.memory_space<semaphore_mem>>)
    %add3A_697 = arith.constant 12 : i32
    %add3A_698 = arith.addi %mul3A_2, %add3A_697 : i32
    %jit3A_699 = arith.constant 16 : i32
    %div3A_700 = arith.divsi %add3A_698, %jit3A_699 : i32
    %sign3A_701 = arith.constant 0 : i32
    %sign3A_702 = arith.cmpi sgt, %add3A_698, %sign3A_701 : i32
    %sign3A_703 = arith.extui %sign3A_702 : i1 to i32
    %sign3A_704 = arith.constant 0 : i32
    %sign3A_705 = arith.cmpi slt, %add3A_698, %sign3A_704 : i32
    %sign3A_706 = arith.extui %sign3A_705 : i1 to i32
    %sign3A_707 = arith.subi %sign3A_703, %sign3A_706 : i32
    %sign3A_708 = arith.constant 0 : i32
    %sign3A_709 = arith.cmpi sgt, %jit3A_699, %sign3A_708 : i32
    %sign3A_710 = arith.extui %sign3A_709 : i1 to i32
    %sign3A_711 = arith.constant 0 : i32
    %sign3A_712 = arith.cmpi slt, %jit3A_699, %sign3A_711 : i32
    %sign3A_713 = arith.extui %sign3A_712 : i1 to i32
    %sign3A_714 = arith.subi %sign3A_710, %sign3A_713 : i32
    %ne3A_715 = arith.cmpi ne, %sign3A_707, %sign3A_714 : i32
    %rem3A_716 = arith.remsi %add3A_698, %jit3A_699 : i32
    %ne3A_717 = arith.constant 0 : i32
    %ne3A_718 = arith.cmpi ne, %rem3A_716, %ne3A_717 : i32
    %and3A_719 = arith.andi %ne3A_715, %ne3A_718 : i1
    %sub3A_720 = arith.constant 1 : i32
    %sub3A_721 = arith.subi %div3A_700, %sub3A_720 : i32
    %select_n3A_722 = arith.select %and3A_719, %sub3A_721, %div3A_700 : i32
    %jit3A_723 = arith.constant 16 : i32
    %eq3A_724 = arith.constant 0 : i32
    %eq3A_725 = arith.cmpi eq, %jit3A_723, %eq3A_724 : i32
    %jit3A_726 = arith.constant 1 : i32
    %select_n3A_727 = arith.select %eq3A_725, %jit3A_726, %jit3A_723 : i32
    %rem3A_728 = arith.remsi %add3A_698, %select_n3A_727 : i32
    %ne3A_729 = arith.constant 0 : i32
    %ne3A_730 = arith.cmpi ne, %rem3A_728, %ne3A_729 : i32
    %lt3A_731 = arith.constant 0 : i32
    %lt3A_732 = arith.cmpi slt, %rem3A_728, %lt3A_731 : i32
    %lt3A_733 = arith.constant 0 : i32
    %lt3A_734 = arith.cmpi slt, %select_n3A_727, %lt3A_733 : i32
    %ne3A_735 = arith.xori %lt3A_732, %lt3A_734 : i1
    %and3A_736 = arith.andi %ne3A_735, %ne3A_730 : i1
    %add3A_737 = arith.addi %rem3A_728, %select_n3A_727 : i32
    %select_n3A_738 = arith.select %and3A_736, %add3A_737, %rem3A_728 : i32
    %mul3A_739 = arith.constant 1024 : i32
    %mul3A_740 = arith.muli %select_n3A_738, %mul3A_739 : i32
    %dma_wait3A_741 = arith.constant 0 : i32
    %dma_wait3A_742 = tpu.memref_slice %arg4[%add3A_564, %dma_wait3A_741] : memref<819200x32xf32, #tpu.memory_space<hbm>> -> memref<1024x32xf32, #tpu.memory_space<hbm>>
    %dma_wait3A_743 = arith.constant 0 : i32
    %dma_wait3A_744 = tpu.memref_slice %arg4[%add3A_564, %dma_wait3A_743] : memref<819200x32xf32, #tpu.memory_space<hbm>> -> memref<1024x32xf32, #tpu.memory_space<hbm>>
    tpu.wait_dma2 semaphore(%arg14 : memref<!tpu.dma_semaphore, #tpu.memory_space<semaphore_mem>>) src(%arg8 : memref<1024x32xf32, #tpu.memory_space<vmem>>) dst(%dma_wait3A_744 : memref<1024x32xf32, #tpu.memory_space<hbm>>)
    %mul3A_745 = arith.constant 16384 : i32
    %mul3A_746 = arith.muli %select_n3A_722, %mul3A_745 : i32
    %add3A_747 = arith.addi %mul3A_746, %mul3A_740 : i32
    "tpu.region"() ({
      %run_scoped3A = tpu.sem_alloc : memref<!tpu.dma_semaphore, #tpu.memory_space<semaphore_mem>>
      %dma_start3A_1516 = tpu.memref_slice %arg3[%select_n3A_722, %mul3A_740] : memref<50x16384xi32, #tpu.memory_space<hbm>> -> memref<1x1024xi32, #tpu.memory_space<hbm>>
      %dma_start3A_1517 = tpu.memref_squeeze %dma_start3A_1516 : memref<1x1024xi32, #tpu.memory_space<hbm>> -> memref<1024xi32, #tpu.memory_space<hbm>>
      %dma_start3A_1518 = tpu.memref_slice %arg3[%select_n3A_722, %mul3A_740] : memref<50x16384xi32, #tpu.memory_space<hbm>> -> memref<1x1024xi32, #tpu.memory_space<hbm>>
      %dma_start3A_1519 = tpu.memref_squeeze %dma_start3A_1518 : memref<1x1024xi32, #tpu.memory_space<hbm>> -> memref<1024xi32, #tpu.memory_space<hbm>>
      tpu.enqueue_dma source(%dma_start3A_1519 : memref<1024xi32, #tpu.memory_space<hbm>>) target(%arg5 : memref<1024xi32, #tpu.memory_space<vmem>>) target_semaphore(%run_scoped3A : memref<!tpu.dma_semaphore, #tpu.memory_space<semaphore_mem>>)
      %dma_wait3A_1520 = tpu.memref_slice %arg3[%select_n3A_722, %mul3A_740] : memref<50x16384xi32, #tpu.memory_space<hbm>> -> memref<1x1024xi32, #tpu.memory_space<hbm>>
      %dma_wait3A_1521 = tpu.memref_squeeze %dma_wait3A_1520 : memref<1x1024xi32, #tpu.memory_space<hbm>> -> memref<1024xi32, #tpu.memory_space<hbm>>
      %dma_wait3A_1522 = tpu.memref_slice %arg3[%select_n3A_722, %mul3A_740] : memref<50x16384xi32, #tpu.memory_space<hbm>> -> memref<1x1024xi32, #tpu.memory_space<hbm>>
      %dma_wait3A_1523 = tpu.memref_squeeze %dma_wait3A_1522 : memref<1x1024xi32, #tpu.memory_space<hbm>> -> memref<1024xi32, #tpu.memory_space<hbm>>
      tpu.wait_dma2 semaphore(%run_scoped3A : memref<!tpu.dma_semaphore, #tpu.memory_space<semaphore_mem>>) src(%dma_wait3A_1523 : memref<1024xi32, #tpu.memory_space<hbm>>) dst(%arg5 : memref<1024xi32, #tpu.memory_space<vmem>>)
      tpu.yield
    }) : () -> ()
    %dma_start3A_748 = arith.constant 0 : i32
    %dma_start3A_749 = arith.constant 0 : i32
    %dma_start3A_750 = tpu.memref_slice %arg2[%dma_start3A_748, %dma_start3A_749] : memref<1048576x32xf32, #tpu.memory_space<hbm>> -> memref<1048576x32xf32, #tpu.memory_space<hbm>>
    tpu.enqueue_indirect_dma source(%dma_start3A_750 : memref<1048576x32xf32, #tpu.memory_space<hbm>>) target(%arg8 : memref<1024x32xf32, #tpu.memory_space<vmem>>) offsets(%arg5 : memref<1024xi32, #tpu.memory_space<vmem>>) semaphore(%arg11 : memref<!tpu.dma_semaphore, #tpu.memory_space<semaphore_mem>>)
    %dma_wait3A_751 = arith.constant 0 : i32
    %dma_wait3A_752 = arith.constant 0 : i32
    %dma_wait3A_753 = tpu.memref_slice %arg2[%dma_wait3A_751, %dma_wait3A_752] : memref<1048576x32xf32, #tpu.memory_space<hbm>> -> memref<1048576x32xf32, #tpu.memory_space<hbm>>
    tpu.wait_indirect_dma semaphore(%arg12 : memref<!tpu.dma_semaphore, #tpu.memory_space<semaphore_mem>>) src(%dma_wait3A_753 : memref<1048576x32xf32, #tpu.memory_space<hbm>>) dst(%arg9 : memref<1024x32xf32, #tpu.memory_space<vmem>>)
    %dma_start3A_754 = arith.constant 0 : i32
    %dma_start3A_755 = tpu.memref_slice %arg4[%add3A_625, %dma_start3A_754] : memref<819200x32xf32, #tpu.memory_space<hbm>> -> memref<1024x32xf32, #tpu.memory_space<hbm>>
    %dma_start3A_756 = arith.constant 0 : i32
    %dma_start3A_757 = tpu.memref_slice %arg4[%add3A_625, %dma_start3A_756] : memref<819200x32xf32, #tpu.memory_space<hbm>> -> memref<1024x32xf32, #tpu.memory_space<hbm>>
    tpu.enqueue_dma source(%arg9 : memref<1024x32xf32, #tpu.memory_space<vmem>>) target(%dma_start3A_757 : memref<1024x32xf32, #tpu.memory_space<hbm>>) target_semaphore(%arg15 : memref<!tpu.dma_semaphore, #tpu.memory_space<semaphore_mem>>)
    %add3A_758 = arith.constant 13 : i32
    %add3A_759 = arith.addi %mul3A_2, %add3A_758 : i32
    %jit3A_760 = arith.constant 16 : i32
    %div3A_761 = arith.divsi %add3A_759, %jit3A_760 : i32
    %sign3A_762 = arith.constant 0 : i32
    %sign3A_763 = arith.cmpi sgt, %add3A_759, %sign3A_762 : i32
    %sign3A_764 = arith.extui %sign3A_763 : i1 to i32
    %sign3A_765 = arith.constant 0 : i32
    %sign3A_766 = arith.cmpi slt, %add3A_759, %sign3A_765 : i32
    %sign3A_767 = arith.extui %sign3A_766 : i1 to i32
    %sign3A_768 = arith.subi %sign3A_764, %sign3A_767 : i32
    %sign3A_769 = arith.constant 0 : i32
    %sign3A_770 = arith.cmpi sgt, %jit3A_760, %sign3A_769 : i32
    %sign3A_771 = arith.extui %sign3A_770 : i1 to i32
    %sign3A_772 = arith.constant 0 : i32
    %sign3A_773 = arith.cmpi slt, %jit3A_760, %sign3A_772 : i32
    %sign3A_774 = arith.extui %sign3A_773 : i1 to i32
    %sign3A_775 = arith.subi %sign3A_771, %sign3A_774 : i32
    %ne3A_776 = arith.cmpi ne, %sign3A_768, %sign3A_775 : i32
    %rem3A_777 = arith.remsi %add3A_759, %jit3A_760 : i32
    %ne3A_778 = arith.constant 0 : i32
    %ne3A_779 = arith.cmpi ne, %rem3A_777, %ne3A_778 : i32
    %and3A_780 = arith.andi %ne3A_776, %ne3A_779 : i1
    %sub3A_781 = arith.constant 1 : i32
    %sub3A_782 = arith.subi %div3A_761, %sub3A_781 : i32
    %select_n3A_783 = arith.select %and3A_780, %sub3A_782, %div3A_761 : i32
    %jit3A_784 = arith.constant 16 : i32
    %eq3A_785 = arith.constant 0 : i32
    %eq3A_786 = arith.cmpi eq, %jit3A_784, %eq3A_785 : i32
    %jit3A_787 = arith.constant 1 : i32
    %select_n3A_788 = arith.select %eq3A_786, %jit3A_787, %jit3A_784 : i32
    %rem3A_789 = arith.remsi %add3A_759, %select_n3A_788 : i32
    %ne3A_790 = arith.constant 0 : i32
    %ne3A_791 = arith.cmpi ne, %rem3A_789, %ne3A_790 : i32
    %lt3A_792 = arith.constant 0 : i32
    %lt3A_793 = arith.cmpi slt, %rem3A_789, %lt3A_792 : i32
    %lt3A_794 = arith.constant 0 : i32
    %lt3A_795 = arith.cmpi slt, %select_n3A_788, %lt3A_794 : i32
    %ne3A_796 = arith.xori %lt3A_793, %lt3A_795 : i1
    %and3A_797 = arith.andi %ne3A_796, %ne3A_791 : i1
    %add3A_798 = arith.addi %rem3A_789, %select_n3A_788 : i32
    %select_n3A_799 = arith.select %and3A_797, %add3A_798, %rem3A_789 : i32
    %mul3A_800 = arith.constant 1024 : i32
    %mul3A_801 = arith.muli %select_n3A_799, %mul3A_800 : i32
    %dma_wait3A_802 = arith.constant 0 : i32
    %dma_wait3A_803 = tpu.memref_slice %arg4[%add3A_625, %dma_wait3A_802] : memref<819200x32xf32, #tpu.memory_space<hbm>> -> memref<1024x32xf32, #tpu.memory_space<hbm>>
    %dma_wait3A_804 = arith.constant 0 : i32
    %dma_wait3A_805 = tpu.memref_slice %arg4[%add3A_625, %dma_wait3A_804] : memref<819200x32xf32, #tpu.memory_space<hbm>> -> memref<1024x32xf32, #tpu.memory_space<hbm>>
    tpu.wait_dma2 semaphore(%arg15 : memref<!tpu.dma_semaphore, #tpu.memory_space<semaphore_mem>>) src(%arg9 : memref<1024x32xf32, #tpu.memory_space<vmem>>) dst(%dma_wait3A_805 : memref<1024x32xf32, #tpu.memory_space<hbm>>)
    %mul3A_806 = arith.constant 16384 : i32
    %mul3A_807 = arith.muli %select_n3A_783, %mul3A_806 : i32
    %add3A_808 = arith.addi %mul3A_807, %mul3A_801 : i32
    "tpu.region"() ({
      %run_scoped3A = tpu.sem_alloc : memref<!tpu.dma_semaphore, #tpu.memory_space<semaphore_mem>>
      %dma_start3A_1516 = tpu.memref_slice %arg3[%select_n3A_783, %mul3A_801] : memref<50x16384xi32, #tpu.memory_space<hbm>> -> memref<1x1024xi32, #tpu.memory_space<hbm>>
      %dma_start3A_1517 = tpu.memref_squeeze %dma_start3A_1516 : memref<1x1024xi32, #tpu.memory_space<hbm>> -> memref<1024xi32, #tpu.memory_space<hbm>>
      %dma_start3A_1518 = tpu.memref_slice %arg3[%select_n3A_783, %mul3A_801] : memref<50x16384xi32, #tpu.memory_space<hbm>> -> memref<1x1024xi32, #tpu.memory_space<hbm>>
      %dma_start3A_1519 = tpu.memref_squeeze %dma_start3A_1518 : memref<1x1024xi32, #tpu.memory_space<hbm>> -> memref<1024xi32, #tpu.memory_space<hbm>>
      tpu.enqueue_dma source(%dma_start3A_1519 : memref<1024xi32, #tpu.memory_space<hbm>>) target(%arg6 : memref<1024xi32, #tpu.memory_space<vmem>>) target_semaphore(%run_scoped3A : memref<!tpu.dma_semaphore, #tpu.memory_space<semaphore_mem>>)
      %dma_wait3A_1520 = tpu.memref_slice %arg3[%select_n3A_783, %mul3A_801] : memref<50x16384xi32, #tpu.memory_space<hbm>> -> memref<1x1024xi32, #tpu.memory_space<hbm>>
      %dma_wait3A_1521 = tpu.memref_squeeze %dma_wait3A_1520 : memref<1x1024xi32, #tpu.memory_space<hbm>> -> memref<1024xi32, #tpu.memory_space<hbm>>
      %dma_wait3A_1522 = tpu.memref_slice %arg3[%select_n3A_783, %mul3A_801] : memref<50x16384xi32, #tpu.memory_space<hbm>> -> memref<1x1024xi32, #tpu.memory_space<hbm>>
      %dma_wait3A_1523 = tpu.memref_squeeze %dma_wait3A_1522 : memref<1x1024xi32, #tpu.memory_space<hbm>> -> memref<1024xi32, #tpu.memory_space<hbm>>
      tpu.wait_dma2 semaphore(%run_scoped3A : memref<!tpu.dma_semaphore, #tpu.memory_space<semaphore_mem>>) src(%dma_wait3A_1523 : memref<1024xi32, #tpu.memory_space<hbm>>) dst(%arg6 : memref<1024xi32, #tpu.memory_space<vmem>>)
      tpu.yield
    }) : () -> ()
    %dma_start3A_809 = arith.constant 0 : i32
    %dma_start3A_810 = arith.constant 0 : i32
    %dma_start3A_811 = tpu.memref_slice %arg2[%dma_start3A_809, %dma_start3A_810] : memref<1048576x32xf32, #tpu.memory_space<hbm>> -> memref<1048576x32xf32, #tpu.memory_space<hbm>>
    tpu.enqueue_indirect_dma source(%dma_start3A_811 : memref<1048576x32xf32, #tpu.memory_space<hbm>>) target(%arg9 : memref<1024x32xf32, #tpu.memory_space<vmem>>) offsets(%arg6 : memref<1024xi32, #tpu.memory_space<vmem>>) semaphore(%arg12 : memref<!tpu.dma_semaphore, #tpu.memory_space<semaphore_mem>>)
    %dma_wait3A_812 = arith.constant 0 : i32
    %dma_wait3A_813 = arith.constant 0 : i32
    %dma_wait3A_814 = tpu.memref_slice %arg2[%dma_wait3A_812, %dma_wait3A_813] : memref<1048576x32xf32, #tpu.memory_space<hbm>> -> memref<1048576x32xf32, #tpu.memory_space<hbm>>
    tpu.wait_indirect_dma semaphore(%arg13 : memref<!tpu.dma_semaphore, #tpu.memory_space<semaphore_mem>>) src(%dma_wait3A_814 : memref<1048576x32xf32, #tpu.memory_space<hbm>>) dst(%arg10 : memref<1024x32xf32, #tpu.memory_space<vmem>>)
    %dma_start3A_815 = arith.constant 0 : i32
    %dma_start3A_816 = tpu.memref_slice %arg4[%add3A_686, %dma_start3A_815] : memref<819200x32xf32, #tpu.memory_space<hbm>> -> memref<1024x32xf32, #tpu.memory_space<hbm>>
    %dma_start3A_817 = arith.constant 0 : i32
    %dma_start3A_818 = tpu.memref_slice %arg4[%add3A_686, %dma_start3A_817] : memref<819200x32xf32, #tpu.memory_space<hbm>> -> memref<1024x32xf32, #tpu.memory_space<hbm>>
    tpu.enqueue_dma source(%arg10 : memref<1024x32xf32, #tpu.memory_space<vmem>>) target(%dma_start3A_818 : memref<1024x32xf32, #tpu.memory_space<hbm>>) target_semaphore(%arg16 : memref<!tpu.dma_semaphore, #tpu.memory_space<semaphore_mem>>)
    %add3A_819 = arith.constant 14 : i32
    %add3A_820 = arith.addi %mul3A_2, %add3A_819 : i32
    %jit3A_821 = arith.constant 16 : i32
    %div3A_822 = arith.divsi %add3A_820, %jit3A_821 : i32
    %sign3A_823 = arith.constant 0 : i32
    %sign3A_824 = arith.cmpi sgt, %add3A_820, %sign3A_823 : i32
    %sign3A_825 = arith.extui %sign3A_824 : i1 to i32
    %sign3A_826 = arith.constant 0 : i32
    %sign3A_827 = arith.cmpi slt, %add3A_820, %sign3A_826 : i32
    %sign3A_828 = arith.extui %sign3A_827 : i1 to i32
    %sign3A_829 = arith.subi %sign3A_825, %sign3A_828 : i32
    %sign3A_830 = arith.constant 0 : i32
    %sign3A_831 = arith.cmpi sgt, %jit3A_821, %sign3A_830 : i32
    %sign3A_832 = arith.extui %sign3A_831 : i1 to i32
    %sign3A_833 = arith.constant 0 : i32
    %sign3A_834 = arith.cmpi slt, %jit3A_821, %sign3A_833 : i32
    %sign3A_835 = arith.extui %sign3A_834 : i1 to i32
    %sign3A_836 = arith.subi %sign3A_832, %sign3A_835 : i32
    %ne3A_837 = arith.cmpi ne, %sign3A_829, %sign3A_836 : i32
    %rem3A_838 = arith.remsi %add3A_820, %jit3A_821 : i32
    %ne3A_839 = arith.constant 0 : i32
    %ne3A_840 = arith.cmpi ne, %rem3A_838, %ne3A_839 : i32
    %and3A_841 = arith.andi %ne3A_837, %ne3A_840 : i1
    %sub3A_842 = arith.constant 1 : i32
    %sub3A_843 = arith.subi %div3A_822, %sub3A_842 : i32
    %select_n3A_844 = arith.select %and3A_841, %sub3A_843, %div3A_822 : i32
    %jit3A_845 = arith.constant 16 : i32
    %eq3A_846 = arith.constant 0 : i32
    %eq3A_847 = arith.cmpi eq, %jit3A_845, %eq3A_846 : i32
    %jit3A_848 = arith.constant 1 : i32
    %select_n3A_849 = arith.select %eq3A_847, %jit3A_848, %jit3A_845 : i32
    %rem3A_850 = arith.remsi %add3A_820, %select_n3A_849 : i32
    %ne3A_851 = arith.constant 0 : i32
    %ne3A_852 = arith.cmpi ne, %rem3A_850, %ne3A_851 : i32
    %lt3A_853 = arith.constant 0 : i32
    %lt3A_854 = arith.cmpi slt, %rem3A_850, %lt3A_853 : i32
    %lt3A_855 = arith.constant 0 : i32
    %lt3A_856 = arith.cmpi slt, %select_n3A_849, %lt3A_855 : i32
    %ne3A_857 = arith.xori %lt3A_854, %lt3A_856 : i1
    %and3A_858 = arith.andi %ne3A_857, %ne3A_852 : i1
    %add3A_859 = arith.addi %rem3A_850, %select_n3A_849 : i32
    %select_n3A_860 = arith.select %and3A_858, %add3A_859, %rem3A_850 : i32
    %mul3A_861 = arith.constant 1024 : i32
    %mul3A_862 = arith.muli %select_n3A_860, %mul3A_861 : i32
    %dma_wait3A_863 = arith.constant 0 : i32
    %dma_wait3A_864 = tpu.memref_slice %arg4[%add3A_686, %dma_wait3A_863] : memref<819200x32xf32, #tpu.memory_space<hbm>> -> memref<1024x32xf32, #tpu.memory_space<hbm>>
    %dma_wait3A_865 = arith.constant 0 : i32
    %dma_wait3A_866 = tpu.memref_slice %arg4[%add3A_686, %dma_wait3A_865] : memref<819200x32xf32, #tpu.memory_space<hbm>> -> memref<1024x32xf32, #tpu.memory_space<hbm>>
    tpu.wait_dma2 semaphore(%arg16 : memref<!tpu.dma_semaphore, #tpu.memory_space<semaphore_mem>>) src(%arg10 : memref<1024x32xf32, #tpu.memory_space<vmem>>) dst(%dma_wait3A_866 : memref<1024x32xf32, #tpu.memory_space<hbm>>)
    %mul3A_867 = arith.constant 16384 : i32
    %mul3A_868 = arith.muli %select_n3A_844, %mul3A_867 : i32
    %add3A_869 = arith.addi %mul3A_868, %mul3A_862 : i32
    "tpu.region"() ({
      %run_scoped3A = tpu.sem_alloc : memref<!tpu.dma_semaphore, #tpu.memory_space<semaphore_mem>>
      %dma_start3A_1516 = tpu.memref_slice %arg3[%select_n3A_844, %mul3A_862] : memref<50x16384xi32, #tpu.memory_space<hbm>> -> memref<1x1024xi32, #tpu.memory_space<hbm>>
      %dma_start3A_1517 = tpu.memref_squeeze %dma_start3A_1516 : memref<1x1024xi32, #tpu.memory_space<hbm>> -> memref<1024xi32, #tpu.memory_space<hbm>>
      %dma_start3A_1518 = tpu.memref_slice %arg3[%select_n3A_844, %mul3A_862] : memref<50x16384xi32, #tpu.memory_space<hbm>> -> memref<1x1024xi32, #tpu.memory_space<hbm>>
      %dma_start3A_1519 = tpu.memref_squeeze %dma_start3A_1518 : memref<1x1024xi32, #tpu.memory_space<hbm>> -> memref<1024xi32, #tpu.memory_space<hbm>>
      tpu.enqueue_dma source(%dma_start3A_1519 : memref<1024xi32, #tpu.memory_space<hbm>>) target(%arg7 : memref<1024xi32, #tpu.memory_space<vmem>>) target_semaphore(%run_scoped3A : memref<!tpu.dma_semaphore, #tpu.memory_space<semaphore_mem>>)
      %dma_wait3A_1520 = tpu.memref_slice %arg3[%select_n3A_844, %mul3A_862] : memref<50x16384xi32, #tpu.memory_space<hbm>> -> memref<1x1024xi32, #tpu.memory_space<hbm>>
      %dma_wait3A_1521 = tpu.memref_squeeze %dma_wait3A_1520 : memref<1x1024xi32, #tpu.memory_space<hbm>> -> memref<1024xi32, #tpu.memory_space<hbm>>
      %dma_wait3A_1522 = tpu.memref_slice %arg3[%select_n3A_844, %mul3A_862] : memref<50x16384xi32, #tpu.memory_space<hbm>> -> memref<1x1024xi32, #tpu.memory_space<hbm>>
      %dma_wait3A_1523 = tpu.memref_squeeze %dma_wait3A_1522 : memref<1x1024xi32, #tpu.memory_space<hbm>> -> memref<1024xi32, #tpu.memory_space<hbm>>
      tpu.wait_dma2 semaphore(%run_scoped3A : memref<!tpu.dma_semaphore, #tpu.memory_space<semaphore_mem>>) src(%dma_wait3A_1523 : memref<1024xi32, #tpu.memory_space<hbm>>) dst(%arg7 : memref<1024xi32, #tpu.memory_space<vmem>>)
      tpu.yield
    }) : () -> ()
    %dma_start3A_870 = arith.constant 0 : i32
    %dma_start3A_871 = arith.constant 0 : i32
    %dma_start3A_872 = tpu.memref_slice %arg2[%dma_start3A_870, %dma_start3A_871] : memref<1048576x32xf32, #tpu.memory_space<hbm>> -> memref<1048576x32xf32, #tpu.memory_space<hbm>>
    tpu.enqueue_indirect_dma source(%dma_start3A_872 : memref<1048576x32xf32, #tpu.memory_space<hbm>>) target(%arg10 : memref<1024x32xf32, #tpu.memory_space<vmem>>) offsets(%arg7 : memref<1024xi32, #tpu.memory_space<vmem>>) semaphore(%arg13 : memref<!tpu.dma_semaphore, #tpu.memory_space<semaphore_mem>>)
    %dma_wait3A_873 = arith.constant 0 : i32
    %dma_wait3A_874 = arith.constant 0 : i32
    %dma_wait3A_875 = tpu.memref_slice %arg2[%dma_wait3A_873, %dma_wait3A_874] : memref<1048576x32xf32, #tpu.memory_space<hbm>> -> memref<1048576x32xf32, #tpu.memory_space<hbm>>
    tpu.wait_indirect_dma semaphore(%arg11 : memref<!tpu.dma_semaphore, #tpu.memory_space<semaphore_mem>>) src(%dma_wait3A_875 : memref<1048576x32xf32, #tpu.memory_space<hbm>>) dst(%arg8 : memref<1024x32xf32, #tpu.memory_space<vmem>>)
    %dma_start3A_876 = arith.constant 0 : i32
    %dma_start3A_877 = tpu.memref_slice %arg4[%add3A_747, %dma_start3A_876] : memref<819200x32xf32, #tpu.memory_space<hbm>> -> memref<1024x32xf32, #tpu.memory_space<hbm>>
    %dma_start3A_878 = arith.constant 0 : i32
    %dma_start3A_879 = tpu.memref_slice %arg4[%add3A_747, %dma_start3A_878] : memref<819200x32xf32, #tpu.memory_space<hbm>> -> memref<1024x32xf32, #tpu.memory_space<hbm>>
    tpu.enqueue_dma source(%arg8 : memref<1024x32xf32, #tpu.memory_space<vmem>>) target(%dma_start3A_879 : memref<1024x32xf32, #tpu.memory_space<hbm>>) target_semaphore(%arg14 : memref<!tpu.dma_semaphore, #tpu.memory_space<semaphore_mem>>)
    %add3A_880 = arith.constant 15 : i32
    %add3A_881 = arith.addi %mul3A_2, %add3A_880 : i32
    %jit3A_882 = arith.constant 16 : i32
    %div3A_883 = arith.divsi %add3A_881, %jit3A_882 : i32
    %sign3A_884 = arith.constant 0 : i32
    %sign3A_885 = arith.cmpi sgt, %add3A_881, %sign3A_884 : i32
    %sign3A_886 = arith.extui %sign3A_885 : i1 to i32
    %sign3A_887 = arith.constant 0 : i32
    %sign3A_888 = arith.cmpi slt, %add3A_881, %sign3A_887 : i32
    %sign3A_889 = arith.extui %sign3A_888 : i1 to i32
    %sign3A_890 = arith.subi %sign3A_886, %sign3A_889 : i32
    %sign3A_891 = arith.constant 0 : i32
    %sign3A_892 = arith.cmpi sgt, %jit3A_882, %sign3A_891 : i32
    %sign3A_893 = arith.extui %sign3A_892 : i1 to i32
    %sign3A_894 = arith.constant 0 : i32
    %sign3A_895 = arith.cmpi slt, %jit3A_882, %sign3A_894 : i32
    %sign3A_896 = arith.extui %sign3A_895 : i1 to i32
    %sign3A_897 = arith.subi %sign3A_893, %sign3A_896 : i32
    %ne3A_898 = arith.cmpi ne, %sign3A_890, %sign3A_897 : i32
    %rem3A_899 = arith.remsi %add3A_881, %jit3A_882 : i32
    %ne3A_900 = arith.constant 0 : i32
    %ne3A_901 = arith.cmpi ne, %rem3A_899, %ne3A_900 : i32
    %and3A_902 = arith.andi %ne3A_898, %ne3A_901 : i1
    %sub3A_903 = arith.constant 1 : i32
    %sub3A_904 = arith.subi %div3A_883, %sub3A_903 : i32
    %select_n3A_905 = arith.select %and3A_902, %sub3A_904, %div3A_883 : i32
    %jit3A_906 = arith.constant 16 : i32
    %eq3A_907 = arith.constant 0 : i32
    %eq3A_908 = arith.cmpi eq, %jit3A_906, %eq3A_907 : i32
    %jit3A_909 = arith.constant 1 : i32
    %select_n3A_910 = arith.select %eq3A_908, %jit3A_909, %jit3A_906 : i32
    %rem3A_911 = arith.remsi %add3A_881, %select_n3A_910 : i32
    %ne3A_912 = arith.constant 0 : i32
    %ne3A_913 = arith.cmpi ne, %rem3A_911, %ne3A_912 : i32
    %lt3A_914 = arith.constant 0 : i32
    %lt3A_915 = arith.cmpi slt, %rem3A_911, %lt3A_914 : i32
    %lt3A_916 = arith.constant 0 : i32
    %lt3A_917 = arith.cmpi slt, %select_n3A_910, %lt3A_916 : i32
    %ne3A_918 = arith.xori %lt3A_915, %lt3A_917 : i1
    %and3A_919 = arith.andi %ne3A_918, %ne3A_913 : i1
    %add3A_920 = arith.addi %rem3A_911, %select_n3A_910 : i32
    %select_n3A_921 = arith.select %and3A_919, %add3A_920, %rem3A_911 : i32
    %mul3A_922 = arith.constant 1024 : i32
    %mul3A_923 = arith.muli %select_n3A_921, %mul3A_922 : i32
    %dma_wait3A_924 = arith.constant 0 : i32
    %dma_wait3A_925 = tpu.memref_slice %arg4[%add3A_747, %dma_wait3A_924] : memref<819200x32xf32, #tpu.memory_space<hbm>> -> memref<1024x32xf32, #tpu.memory_space<hbm>>
    %dma_wait3A_926 = arith.constant 0 : i32
    %dma_wait3A_927 = tpu.memref_slice %arg4[%add3A_747, %dma_wait3A_926] : memref<819200x32xf32, #tpu.memory_space<hbm>> -> memref<1024x32xf32, #tpu.memory_space<hbm>>
    tpu.wait_dma2 semaphore(%arg14 : memref<!tpu.dma_semaphore, #tpu.memory_space<semaphore_mem>>) src(%arg8 : memref<1024x32xf32, #tpu.memory_space<vmem>>) dst(%dma_wait3A_927 : memref<1024x32xf32, #tpu.memory_space<hbm>>)
    %mul3A_928 = arith.constant 16384 : i32
    %mul3A_929 = arith.muli %select_n3A_905, %mul3A_928 : i32
    %add3A_930 = arith.addi %mul3A_929, %mul3A_923 : i32
    "tpu.region"() ({
      %run_scoped3A = tpu.sem_alloc : memref<!tpu.dma_semaphore, #tpu.memory_space<semaphore_mem>>
      %dma_start3A_1516 = tpu.memref_slice %arg3[%select_n3A_905, %mul3A_923] : memref<50x16384xi32, #tpu.memory_space<hbm>> -> memref<1x1024xi32, #tpu.memory_space<hbm>>
      %dma_start3A_1517 = tpu.memref_squeeze %dma_start3A_1516 : memref<1x1024xi32, #tpu.memory_space<hbm>> -> memref<1024xi32, #tpu.memory_space<hbm>>
      %dma_start3A_1518 = tpu.memref_slice %arg3[%select_n3A_905, %mul3A_923] : memref<50x16384xi32, #tpu.memory_space<hbm>> -> memref<1x1024xi32, #tpu.memory_space<hbm>>
      %dma_start3A_1519 = tpu.memref_squeeze %dma_start3A_1518 : memref<1x1024xi32, #tpu.memory_space<hbm>> -> memref<1024xi32, #tpu.memory_space<hbm>>
      tpu.enqueue_dma source(%dma_start3A_1519 : memref<1024xi32, #tpu.memory_space<hbm>>) target(%arg5 : memref<1024xi32, #tpu.memory_space<vmem>>) target_semaphore(%run_scoped3A : memref<!tpu.dma_semaphore, #tpu.memory_space<semaphore_mem>>)
      %dma_wait3A_1520 = tpu.memref_slice %arg3[%select_n3A_905, %mul3A_923] : memref<50x16384xi32, #tpu.memory_space<hbm>> -> memref<1x1024xi32, #tpu.memory_space<hbm>>
      %dma_wait3A_1521 = tpu.memref_squeeze %dma_wait3A_1520 : memref<1x1024xi32, #tpu.memory_space<hbm>> -> memref<1024xi32, #tpu.memory_space<hbm>>
      %dma_wait3A_1522 = tpu.memref_slice %arg3[%select_n3A_905, %mul3A_923] : memref<50x16384xi32, #tpu.memory_space<hbm>> -> memref<1x1024xi32, #tpu.memory_space<hbm>>
      %dma_wait3A_1523 = tpu.memref_squeeze %dma_wait3A_1522 : memref<1x1024xi32, #tpu.memory_space<hbm>> -> memref<1024xi32, #tpu.memory_space<hbm>>
      tpu.wait_dma2 semaphore(%run_scoped3A : memref<!tpu.dma_semaphore, #tpu.memory_space<semaphore_mem>>) src(%dma_wait3A_1523 : memref<1024xi32, #tpu.memory_space<hbm>>) dst(%arg5 : memref<1024xi32, #tpu.memory_space<vmem>>)
      tpu.yield
    }) : () -> ()
    %dma_start3A_931 = arith.constant 0 : i32
    %dma_start3A_932 = arith.constant 0 : i32
    %dma_start3A_933 = tpu.memref_slice %arg2[%dma_start3A_931, %dma_start3A_932] : memref<1048576x32xf32, #tpu.memory_space<hbm>> -> memref<1048576x32xf32, #tpu.memory_space<hbm>>
    tpu.enqueue_indirect_dma source(%dma_start3A_933 : memref<1048576x32xf32, #tpu.memory_space<hbm>>) target(%arg8 : memref<1024x32xf32, #tpu.memory_space<vmem>>) offsets(%arg5 : memref<1024xi32, #tpu.memory_space<vmem>>) semaphore(%arg11 : memref<!tpu.dma_semaphore, #tpu.memory_space<semaphore_mem>>)
    %dma_wait3A_934 = arith.constant 0 : i32
    %dma_wait3A_935 = arith.constant 0 : i32
    %dma_wait3A_936 = tpu.memref_slice %arg2[%dma_wait3A_934, %dma_wait3A_935] : memref<1048576x32xf32, #tpu.memory_space<hbm>> -> memref<1048576x32xf32, #tpu.memory_space<hbm>>
    tpu.wait_indirect_dma semaphore(%arg12 : memref<!tpu.dma_semaphore, #tpu.memory_space<semaphore_mem>>) src(%dma_wait3A_936 : memref<1048576x32xf32, #tpu.memory_space<hbm>>) dst(%arg9 : memref<1024x32xf32, #tpu.memory_space<vmem>>)
    %dma_start3A_937 = arith.constant 0 : i32
    %dma_start3A_938 = tpu.memref_slice %arg4[%add3A_808, %dma_start3A_937] : memref<819200x32xf32, #tpu.memory_space<hbm>> -> memref<1024x32xf32, #tpu.memory_space<hbm>>
    %dma_start3A_939 = arith.constant 0 : i32
    %dma_start3A_940 = tpu.memref_slice %arg4[%add3A_808, %dma_start3A_939] : memref<819200x32xf32, #tpu.memory_space<hbm>> -> memref<1024x32xf32, #tpu.memory_space<hbm>>
    tpu.enqueue_dma source(%arg9 : memref<1024x32xf32, #tpu.memory_space<vmem>>) target(%dma_start3A_940 : memref<1024x32xf32, #tpu.memory_space<hbm>>) target_semaphore(%arg15 : memref<!tpu.dma_semaphore, #tpu.memory_space<semaphore_mem>>)
    %add3A_941 = arith.constant 16 : i32
    %add3A_942 = arith.addi %mul3A_2, %add3A_941 : i32
    %jit3A_943 = arith.constant 16 : i32
    %div3A_944 = arith.divsi %add3A_942, %jit3A_943 : i32
    %sign3A_945 = arith.constant 0 : i32
    %sign3A_946 = arith.cmpi sgt, %add3A_942, %sign3A_945 : i32
    %sign3A_947 = arith.extui %sign3A_946 : i1 to i32
    %sign3A_948 = arith.constant 0 : i32
    %sign3A_949 = arith.cmpi slt, %add3A_942, %sign3A_948 : i32
    %sign3A_950 = arith.extui %sign3A_949 : i1 to i32
    %sign3A_951 = arith.subi %sign3A_947, %sign3A_950 : i32
    %sign3A_952 = arith.constant 0 : i32
    %sign3A_953 = arith.cmpi sgt, %jit3A_943, %sign3A_952 : i32
    %sign3A_954 = arith.extui %sign3A_953 : i1 to i32
    %sign3A_955 = arith.constant 0 : i32
    %sign3A_956 = arith.cmpi slt, %jit3A_943, %sign3A_955 : i32
    %sign3A_957 = arith.extui %sign3A_956 : i1 to i32
    %sign3A_958 = arith.subi %sign3A_954, %sign3A_957 : i32
    %ne3A_959 = arith.cmpi ne, %sign3A_951, %sign3A_958 : i32
    %rem3A_960 = arith.remsi %add3A_942, %jit3A_943 : i32
    %ne3A_961 = arith.constant 0 : i32
    %ne3A_962 = arith.cmpi ne, %rem3A_960, %ne3A_961 : i32
    %and3A_963 = arith.andi %ne3A_959, %ne3A_962 : i1
    %sub3A_964 = arith.constant 1 : i32
    %sub3A_965 = arith.subi %div3A_944, %sub3A_964 : i32
    %select_n3A_966 = arith.select %and3A_963, %sub3A_965, %div3A_944 : i32
    %jit3A_967 = arith.constant 16 : i32
    %eq3A_968 = arith.constant 0 : i32
    %eq3A_969 = arith.cmpi eq, %jit3A_967, %eq3A_968 : i32
    %jit3A_970 = arith.constant 1 : i32
    %select_n3A_971 = arith.select %eq3A_969, %jit3A_970, %jit3A_967 : i32
    %rem3A_972 = arith.remsi %add3A_942, %select_n3A_971 : i32
    %ne3A_973 = arith.constant 0 : i32
    %ne3A_974 = arith.cmpi ne, %rem3A_972, %ne3A_973 : i32
    %lt3A_975 = arith.constant 0 : i32
    %lt3A_976 = arith.cmpi slt, %rem3A_972, %lt3A_975 : i32
    %lt3A_977 = arith.constant 0 : i32
    %lt3A_978 = arith.cmpi slt, %select_n3A_971, %lt3A_977 : i32
    %ne3A_979 = arith.xori %lt3A_976, %lt3A_978 : i1
    %and3A_980 = arith.andi %ne3A_979, %ne3A_974 : i1
    %add3A_981 = arith.addi %rem3A_972, %select_n3A_971 : i32
    %select_n3A_982 = arith.select %and3A_980, %add3A_981, %rem3A_972 : i32
    %mul3A_983 = arith.constant 1024 : i32
    %mul3A_984 = arith.muli %select_n3A_982, %mul3A_983 : i32
    %dma_wait3A_985 = arith.constant 0 : i32
    %dma_wait3A_986 = tpu.memref_slice %arg4[%add3A_808, %dma_wait3A_985] : memref<819200x32xf32, #tpu.memory_space<hbm>> -> memref<1024x32xf32, #tpu.memory_space<hbm>>
    %dma_wait3A_987 = arith.constant 0 : i32
    %dma_wait3A_988 = tpu.memref_slice %arg4[%add3A_808, %dma_wait3A_987] : memref<819200x32xf32, #tpu.memory_space<hbm>> -> memref<1024x32xf32, #tpu.memory_space<hbm>>
    tpu.wait_dma2 semaphore(%arg15 : memref<!tpu.dma_semaphore, #tpu.memory_space<semaphore_mem>>) src(%arg9 : memref<1024x32xf32, #tpu.memory_space<vmem>>) dst(%dma_wait3A_988 : memref<1024x32xf32, #tpu.memory_space<hbm>>)
    %mul3A_989 = arith.constant 16384 : i32
    %mul3A_990 = arith.muli %select_n3A_966, %mul3A_989 : i32
    %add3A_991 = arith.addi %mul3A_990, %mul3A_984 : i32
    "tpu.region"() ({
      %run_scoped3A = tpu.sem_alloc : memref<!tpu.dma_semaphore, #tpu.memory_space<semaphore_mem>>
      %dma_start3A_1516 = tpu.memref_slice %arg3[%select_n3A_966, %mul3A_984] : memref<50x16384xi32, #tpu.memory_space<hbm>> -> memref<1x1024xi32, #tpu.memory_space<hbm>>
      %dma_start3A_1517 = tpu.memref_squeeze %dma_start3A_1516 : memref<1x1024xi32, #tpu.memory_space<hbm>> -> memref<1024xi32, #tpu.memory_space<hbm>>
      %dma_start3A_1518 = tpu.memref_slice %arg3[%select_n3A_966, %mul3A_984] : memref<50x16384xi32, #tpu.memory_space<hbm>> -> memref<1x1024xi32, #tpu.memory_space<hbm>>
      %dma_start3A_1519 = tpu.memref_squeeze %dma_start3A_1518 : memref<1x1024xi32, #tpu.memory_space<hbm>> -> memref<1024xi32, #tpu.memory_space<hbm>>
      tpu.enqueue_dma source(%dma_start3A_1519 : memref<1024xi32, #tpu.memory_space<hbm>>) target(%arg6 : memref<1024xi32, #tpu.memory_space<vmem>>) target_semaphore(%run_scoped3A : memref<!tpu.dma_semaphore, #tpu.memory_space<semaphore_mem>>)
      %dma_wait3A_1520 = tpu.memref_slice %arg3[%select_n3A_966, %mul3A_984] : memref<50x16384xi32, #tpu.memory_space<hbm>> -> memref<1x1024xi32, #tpu.memory_space<hbm>>
      %dma_wait3A_1521 = tpu.memref_squeeze %dma_wait3A_1520 : memref<1x1024xi32, #tpu.memory_space<hbm>> -> memref<1024xi32, #tpu.memory_space<hbm>>
      %dma_wait3A_1522 = tpu.memref_slice %arg3[%select_n3A_966, %mul3A_984] : memref<50x16384xi32, #tpu.memory_space<hbm>> -> memref<1x1024xi32, #tpu.memory_space<hbm>>
      %dma_wait3A_1523 = tpu.memref_squeeze %dma_wait3A_1522 : memref<1x1024xi32, #tpu.memory_space<hbm>> -> memref<1024xi32, #tpu.memory_space<hbm>>
      tpu.wait_dma2 semaphore(%run_scoped3A : memref<!tpu.dma_semaphore, #tpu.memory_space<semaphore_mem>>) src(%dma_wait3A_1523 : memref<1024xi32, #tpu.memory_space<hbm>>) dst(%arg6 : memref<1024xi32, #tpu.memory_space<vmem>>)
      tpu.yield
    }) : () -> ()
    %dma_start3A_992 = arith.constant 0 : i32
    %dma_start3A_993 = arith.constant 0 : i32
    %dma_start3A_994 = tpu.memref_slice %arg2[%dma_start3A_992, %dma_start3A_993] : memref<1048576x32xf32, #tpu.memory_space<hbm>> -> memref<1048576x32xf32, #tpu.memory_space<hbm>>
    tpu.enqueue_indirect_dma source(%dma_start3A_994 : memref<1048576x32xf32, #tpu.memory_space<hbm>>) target(%arg9 : memref<1024x32xf32, #tpu.memory_space<vmem>>) offsets(%arg6 : memref<1024xi32, #tpu.memory_space<vmem>>) semaphore(%arg12 : memref<!tpu.dma_semaphore, #tpu.memory_space<semaphore_mem>>)
    %dma_wait3A_995 = arith.constant 0 : i32
    %dma_wait3A_996 = arith.constant 0 : i32
    %dma_wait3A_997 = tpu.memref_slice %arg2[%dma_wait3A_995, %dma_wait3A_996] : memref<1048576x32xf32, #tpu.memory_space<hbm>> -> memref<1048576x32xf32, #tpu.memory_space<hbm>>
    tpu.wait_indirect_dma semaphore(%arg13 : memref<!tpu.dma_semaphore, #tpu.memory_space<semaphore_mem>>) src(%dma_wait3A_997 : memref<1048576x32xf32, #tpu.memory_space<hbm>>) dst(%arg10 : memref<1024x32xf32, #tpu.memory_space<vmem>>)
    %dma_start3A_998 = arith.constant 0 : i32
    %dma_start3A_999 = tpu.memref_slice %arg4[%add3A_869, %dma_start3A_998] : memref<819200x32xf32, #tpu.memory_space<hbm>> -> memref<1024x32xf32, #tpu.memory_space<hbm>>
    %dma_start3A_1000 = arith.constant 0 : i32
    %dma_start3A_1001 = tpu.memref_slice %arg4[%add3A_869, %dma_start3A_1000] : memref<819200x32xf32, #tpu.memory_space<hbm>> -> memref<1024x32xf32, #tpu.memory_space<hbm>>
    tpu.enqueue_dma source(%arg10 : memref<1024x32xf32, #tpu.memory_space<vmem>>) target(%dma_start3A_1001 : memref<1024x32xf32, #tpu.memory_space<hbm>>) target_semaphore(%arg16 : memref<!tpu.dma_semaphore, #tpu.memory_space<semaphore_mem>>)
    %add3A_1002 = arith.constant 17 : i32
    %add3A_1003 = arith.addi %mul3A_2, %add3A_1002 : i32
    %jit3A_1004 = arith.constant 16 : i32
    %div3A_1005 = arith.divsi %add3A_1003, %jit3A_1004 : i32
    %sign3A_1006 = arith.constant 0 : i32
    %sign3A_1007 = arith.cmpi sgt, %add3A_1003, %sign3A_1006 : i32
    %sign3A_1008 = arith.extui %sign3A_1007 : i1 to i32
    %sign3A_1009 = arith.constant 0 : i32
    %sign3A_1010 = arith.cmpi slt, %add3A_1003, %sign3A_1009 : i32
    %sign3A_1011 = arith.extui %sign3A_1010 : i1 to i32
    %sign3A_1012 = arith.subi %sign3A_1008, %sign3A_1011 : i32
    %sign3A_1013 = arith.constant 0 : i32
    %sign3A_1014 = arith.cmpi sgt, %jit3A_1004, %sign3A_1013 : i32
    %sign3A_1015 = arith.extui %sign3A_1014 : i1 to i32
    %sign3A_1016 = arith.constant 0 : i32
    %sign3A_1017 = arith.cmpi slt, %jit3A_1004, %sign3A_1016 : i32
    %sign3A_1018 = arith.extui %sign3A_1017 : i1 to i32
    %sign3A_1019 = arith.subi %sign3A_1015, %sign3A_1018 : i32
    %ne3A_1020 = arith.cmpi ne, %sign3A_1012, %sign3A_1019 : i32
    %rem3A_1021 = arith.remsi %add3A_1003, %jit3A_1004 : i32
    %ne3A_1022 = arith.constant 0 : i32
    %ne3A_1023 = arith.cmpi ne, %rem3A_1021, %ne3A_1022 : i32
    %and3A_1024 = arith.andi %ne3A_1020, %ne3A_1023 : i1
    %sub3A_1025 = arith.constant 1 : i32
    %sub3A_1026 = arith.subi %div3A_1005, %sub3A_1025 : i32
    %select_n3A_1027 = arith.select %and3A_1024, %sub3A_1026, %div3A_1005 : i32
    %jit3A_1028 = arith.constant 16 : i32
    %eq3A_1029 = arith.constant 0 : i32
    %eq3A_1030 = arith.cmpi eq, %jit3A_1028, %eq3A_1029 : i32
    %jit3A_1031 = arith.constant 1 : i32
    %select_n3A_1032 = arith.select %eq3A_1030, %jit3A_1031, %jit3A_1028 : i32
    %rem3A_1033 = arith.remsi %add3A_1003, %select_n3A_1032 : i32
    %ne3A_1034 = arith.constant 0 : i32
    %ne3A_1035 = arith.cmpi ne, %rem3A_1033, %ne3A_1034 : i32
    %lt3A_1036 = arith.constant 0 : i32
    %lt3A_1037 = arith.cmpi slt, %rem3A_1033, %lt3A_1036 : i32
    %lt3A_1038 = arith.constant 0 : i32
    %lt3A_1039 = arith.cmpi slt, %select_n3A_1032, %lt3A_1038 : i32
    %ne3A_1040 = arith.xori %lt3A_1037, %lt3A_1039 : i1
    %and3A_1041 = arith.andi %ne3A_1040, %ne3A_1035 : i1
    %add3A_1042 = arith.addi %rem3A_1033, %select_n3A_1032 : i32
    %select_n3A_1043 = arith.select %and3A_1041, %add3A_1042, %rem3A_1033 : i32
    %mul3A_1044 = arith.constant 1024 : i32
    %mul3A_1045 = arith.muli %select_n3A_1043, %mul3A_1044 : i32
    %dma_wait3A_1046 = arith.constant 0 : i32
    %dma_wait3A_1047 = tpu.memref_slice %arg4[%add3A_869, %dma_wait3A_1046] : memref<819200x32xf32, #tpu.memory_space<hbm>> -> memref<1024x32xf32, #tpu.memory_space<hbm>>
    %dma_wait3A_1048 = arith.constant 0 : i32
    %dma_wait3A_1049 = tpu.memref_slice %arg4[%add3A_869, %dma_wait3A_1048] : memref<819200x32xf32, #tpu.memory_space<hbm>> -> memref<1024x32xf32, #tpu.memory_space<hbm>>
    tpu.wait_dma2 semaphore(%arg16 : memref<!tpu.dma_semaphore, #tpu.memory_space<semaphore_mem>>) src(%arg10 : memref<1024x32xf32, #tpu.memory_space<vmem>>) dst(%dma_wait3A_1049 : memref<1024x32xf32, #tpu.memory_space<hbm>>)
    %mul3A_1050 = arith.constant 16384 : i32
    %mul3A_1051 = arith.muli %select_n3A_1027, %mul3A_1050 : i32
    %add3A_1052 = arith.addi %mul3A_1051, %mul3A_1045 : i32
    "tpu.region"() ({
      %run_scoped3A = tpu.sem_alloc : memref<!tpu.dma_semaphore, #tpu.memory_space<semaphore_mem>>
      %dma_start3A_1516 = tpu.memref_slice %arg3[%select_n3A_1027, %mul3A_1045] : memref<50x16384xi32, #tpu.memory_space<hbm>> -> memref<1x1024xi32, #tpu.memory_space<hbm>>
      %dma_start3A_1517 = tpu.memref_squeeze %dma_start3A_1516 : memref<1x1024xi32, #tpu.memory_space<hbm>> -> memref<1024xi32, #tpu.memory_space<hbm>>
      %dma_start3A_1518 = tpu.memref_slice %arg3[%select_n3A_1027, %mul3A_1045] : memref<50x16384xi32, #tpu.memory_space<hbm>> -> memref<1x1024xi32, #tpu.memory_space<hbm>>
      %dma_start3A_1519 = tpu.memref_squeeze %dma_start3A_1518 : memref<1x1024xi32, #tpu.memory_space<hbm>> -> memref<1024xi32, #tpu.memory_space<hbm>>
      tpu.enqueue_dma source(%dma_start3A_1519 : memref<1024xi32, #tpu.memory_space<hbm>>) target(%arg7 : memref<1024xi32, #tpu.memory_space<vmem>>) target_semaphore(%run_scoped3A : memref<!tpu.dma_semaphore, #tpu.memory_space<semaphore_mem>>)
      %dma_wait3A_1520 = tpu.memref_slice %arg3[%select_n3A_1027, %mul3A_1045] : memref<50x16384xi32, #tpu.memory_space<hbm>> -> memref<1x1024xi32, #tpu.memory_space<hbm>>
      %dma_wait3A_1521 = tpu.memref_squeeze %dma_wait3A_1520 : memref<1x1024xi32, #tpu.memory_space<hbm>> -> memref<1024xi32, #tpu.memory_space<hbm>>
      %dma_wait3A_1522 = tpu.memref_slice %arg3[%select_n3A_1027, %mul3A_1045] : memref<50x16384xi32, #tpu.memory_space<hbm>> -> memref<1x1024xi32, #tpu.memory_space<hbm>>
      %dma_wait3A_1523 = tpu.memref_squeeze %dma_wait3A_1522 : memref<1x1024xi32, #tpu.memory_space<hbm>> -> memref<1024xi32, #tpu.memory_space<hbm>>
      tpu.wait_dma2 semaphore(%run_scoped3A : memref<!tpu.dma_semaphore, #tpu.memory_space<semaphore_mem>>) src(%dma_wait3A_1523 : memref<1024xi32, #tpu.memory_space<hbm>>) dst(%arg7 : memref<1024xi32, #tpu.memory_space<vmem>>)
      tpu.yield
    }) : () -> ()
    %dma_start3A_1053 = arith.constant 0 : i32
    %dma_start3A_1054 = arith.constant 0 : i32
    %dma_start3A_1055 = tpu.memref_slice %arg2[%dma_start3A_1053, %dma_start3A_1054] : memref<1048576x32xf32, #tpu.memory_space<hbm>> -> memref<1048576x32xf32, #tpu.memory_space<hbm>>
    tpu.enqueue_indirect_dma source(%dma_start3A_1055 : memref<1048576x32xf32, #tpu.memory_space<hbm>>) target(%arg10 : memref<1024x32xf32, #tpu.memory_space<vmem>>) offsets(%arg7 : memref<1024xi32, #tpu.memory_space<vmem>>) semaphore(%arg13 : memref<!tpu.dma_semaphore, #tpu.memory_space<semaphore_mem>>)
    %dma_wait3A_1056 = arith.constant 0 : i32
    %dma_wait3A_1057 = arith.constant 0 : i32
    %dma_wait3A_1058 = tpu.memref_slice %arg2[%dma_wait3A_1056, %dma_wait3A_1057] : memref<1048576x32xf32, #tpu.memory_space<hbm>> -> memref<1048576x32xf32, #tpu.memory_space<hbm>>
    tpu.wait_indirect_dma semaphore(%arg11 : memref<!tpu.dma_semaphore, #tpu.memory_space<semaphore_mem>>) src(%dma_wait3A_1058 : memref<1048576x32xf32, #tpu.memory_space<hbm>>) dst(%arg8 : memref<1024x32xf32, #tpu.memory_space<vmem>>)
    %dma_start3A_1059 = arith.constant 0 : i32
    %dma_start3A_1060 = tpu.memref_slice %arg4[%add3A_930, %dma_start3A_1059] : memref<819200x32xf32, #tpu.memory_space<hbm>> -> memref<1024x32xf32, #tpu.memory_space<hbm>>
    %dma_start3A_1061 = arith.constant 0 : i32
    %dma_start3A_1062 = tpu.memref_slice %arg4[%add3A_930, %dma_start3A_1061] : memref<819200x32xf32, #tpu.memory_space<hbm>> -> memref<1024x32xf32, #tpu.memory_space<hbm>>
    tpu.enqueue_dma source(%arg8 : memref<1024x32xf32, #tpu.memory_space<vmem>>) target(%dma_start3A_1062 : memref<1024x32xf32, #tpu.memory_space<hbm>>) target_semaphore(%arg14 : memref<!tpu.dma_semaphore, #tpu.memory_space<semaphore_mem>>)
    %add3A_1063 = arith.constant 18 : i32
    %add3A_1064 = arith.addi %mul3A_2, %add3A_1063 : i32
    %jit3A_1065 = arith.constant 16 : i32
    %div3A_1066 = arith.divsi %add3A_1064, %jit3A_1065 : i32
    %sign3A_1067 = arith.constant 0 : i32
    %sign3A_1068 = arith.cmpi sgt, %add3A_1064, %sign3A_1067 : i32
    %sign3A_1069 = arith.extui %sign3A_1068 : i1 to i32
    %sign3A_1070 = arith.constant 0 : i32
    %sign3A_1071 = arith.cmpi slt, %add3A_1064, %sign3A_1070 : i32
    %sign3A_1072 = arith.extui %sign3A_1071 : i1 to i32
    %sign3A_1073 = arith.subi %sign3A_1069, %sign3A_1072 : i32
    %sign3A_1074 = arith.constant 0 : i32
    %sign3A_1075 = arith.cmpi sgt, %jit3A_1065, %sign3A_1074 : i32
    %sign3A_1076 = arith.extui %sign3A_1075 : i1 to i32
    %sign3A_1077 = arith.constant 0 : i32
    %sign3A_1078 = arith.cmpi slt, %jit3A_1065, %sign3A_1077 : i32
    %sign3A_1079 = arith.extui %sign3A_1078 : i1 to i32
    %sign3A_1080 = arith.subi %sign3A_1076, %sign3A_1079 : i32
    %ne3A_1081 = arith.cmpi ne, %sign3A_1073, %sign3A_1080 : i32
    %rem3A_1082 = arith.remsi %add3A_1064, %jit3A_1065 : i32
    %ne3A_1083 = arith.constant 0 : i32
    %ne3A_1084 = arith.cmpi ne, %rem3A_1082, %ne3A_1083 : i32
    %and3A_1085 = arith.andi %ne3A_1081, %ne3A_1084 : i1
    %sub3A_1086 = arith.constant 1 : i32
    %sub3A_1087 = arith.subi %div3A_1066, %sub3A_1086 : i32
    %select_n3A_1088 = arith.select %and3A_1085, %sub3A_1087, %div3A_1066 : i32
    %jit3A_1089 = arith.constant 16 : i32
    %eq3A_1090 = arith.constant 0 : i32
    %eq3A_1091 = arith.cmpi eq, %jit3A_1089, %eq3A_1090 : i32
    %jit3A_1092 = arith.constant 1 : i32
    %select_n3A_1093 = arith.select %eq3A_1091, %jit3A_1092, %jit3A_1089 : i32
    %rem3A_1094 = arith.remsi %add3A_1064, %select_n3A_1093 : i32
    %ne3A_1095 = arith.constant 0 : i32
    %ne3A_1096 = arith.cmpi ne, %rem3A_1094, %ne3A_1095 : i32
    %lt3A_1097 = arith.constant 0 : i32
    %lt3A_1098 = arith.cmpi slt, %rem3A_1094, %lt3A_1097 : i32
    %lt3A_1099 = arith.constant 0 : i32
    %lt3A_1100 = arith.cmpi slt, %select_n3A_1093, %lt3A_1099 : i32
    %ne3A_1101 = arith.xori %lt3A_1098, %lt3A_1100 : i1
    %and3A_1102 = arith.andi %ne3A_1101, %ne3A_1096 : i1
    %add3A_1103 = arith.addi %rem3A_1094, %select_n3A_1093 : i32
    %select_n3A_1104 = arith.select %and3A_1102, %add3A_1103, %rem3A_1094 : i32
    %mul3A_1105 = arith.constant 1024 : i32
    %mul3A_1106 = arith.muli %select_n3A_1104, %mul3A_1105 : i32
    %dma_wait3A_1107 = arith.constant 0 : i32
    %dma_wait3A_1108 = tpu.memref_slice %arg4[%add3A_930, %dma_wait3A_1107] : memref<819200x32xf32, #tpu.memory_space<hbm>> -> memref<1024x32xf32, #tpu.memory_space<hbm>>
    %dma_wait3A_1109 = arith.constant 0 : i32
    %dma_wait3A_1110 = tpu.memref_slice %arg4[%add3A_930, %dma_wait3A_1109] : memref<819200x32xf32, #tpu.memory_space<hbm>> -> memref<1024x32xf32, #tpu.memory_space<hbm>>
    tpu.wait_dma2 semaphore(%arg14 : memref<!tpu.dma_semaphore, #tpu.memory_space<semaphore_mem>>) src(%arg8 : memref<1024x32xf32, #tpu.memory_space<vmem>>) dst(%dma_wait3A_1110 : memref<1024x32xf32, #tpu.memory_space<hbm>>)
    %mul3A_1111 = arith.constant 16384 : i32
    %mul3A_1112 = arith.muli %select_n3A_1088, %mul3A_1111 : i32
    %add3A_1113 = arith.addi %mul3A_1112, %mul3A_1106 : i32
    "tpu.region"() ({
      %run_scoped3A = tpu.sem_alloc : memref<!tpu.dma_semaphore, #tpu.memory_space<semaphore_mem>>
      %dma_start3A_1516 = tpu.memref_slice %arg3[%select_n3A_1088, %mul3A_1106] : memref<50x16384xi32, #tpu.memory_space<hbm>> -> memref<1x1024xi32, #tpu.memory_space<hbm>>
      %dma_start3A_1517 = tpu.memref_squeeze %dma_start3A_1516 : memref<1x1024xi32, #tpu.memory_space<hbm>> -> memref<1024xi32, #tpu.memory_space<hbm>>
      %dma_start3A_1518 = tpu.memref_slice %arg3[%select_n3A_1088, %mul3A_1106] : memref<50x16384xi32, #tpu.memory_space<hbm>> -> memref<1x1024xi32, #tpu.memory_space<hbm>>
      %dma_start3A_1519 = tpu.memref_squeeze %dma_start3A_1518 : memref<1x1024xi32, #tpu.memory_space<hbm>> -> memref<1024xi32, #tpu.memory_space<hbm>>
      tpu.enqueue_dma source(%dma_start3A_1519 : memref<1024xi32, #tpu.memory_space<hbm>>) target(%arg5 : memref<1024xi32, #tpu.memory_space<vmem>>) target_semaphore(%run_scoped3A : memref<!tpu.dma_semaphore, #tpu.memory_space<semaphore_mem>>)
      %dma_wait3A_1520 = tpu.memref_slice %arg3[%select_n3A_1088, %mul3A_1106] : memref<50x16384xi32, #tpu.memory_space<hbm>> -> memref<1x1024xi32, #tpu.memory_space<hbm>>
      %dma_wait3A_1521 = tpu.memref_squeeze %dma_wait3A_1520 : memref<1x1024xi32, #tpu.memory_space<hbm>> -> memref<1024xi32, #tpu.memory_space<hbm>>
      %dma_wait3A_1522 = tpu.memref_slice %arg3[%select_n3A_1088, %mul3A_1106] : memref<50x16384xi32, #tpu.memory_space<hbm>> -> memref<1x1024xi32, #tpu.memory_space<hbm>>
      %dma_wait3A_1523 = tpu.memref_squeeze %dma_wait3A_1522 : memref<1x1024xi32, #tpu.memory_space<hbm>> -> memref<1024xi32, #tpu.memory_space<hbm>>
      tpu.wait_dma2 semaphore(%run_scoped3A : memref<!tpu.dma_semaphore, #tpu.memory_space<semaphore_mem>>) src(%dma_wait3A_1523 : memref<1024xi32, #tpu.memory_space<hbm>>) dst(%arg5 : memref<1024xi32, #tpu.memory_space<vmem>>)
      tpu.yield
    }) : () -> ()
    %dma_start3A_1114 = arith.constant 0 : i32
    %dma_start3A_1115 = arith.constant 0 : i32
    %dma_start3A_1116 = tpu.memref_slice %arg2[%dma_start3A_1114, %dma_start3A_1115] : memref<1048576x32xf32, #tpu.memory_space<hbm>> -> memref<1048576x32xf32, #tpu.memory_space<hbm>>
    tpu.enqueue_indirect_dma source(%dma_start3A_1116 : memref<1048576x32xf32, #tpu.memory_space<hbm>>) target(%arg8 : memref<1024x32xf32, #tpu.memory_space<vmem>>) offsets(%arg5 : memref<1024xi32, #tpu.memory_space<vmem>>) semaphore(%arg11 : memref<!tpu.dma_semaphore, #tpu.memory_space<semaphore_mem>>)
    %dma_wait3A_1117 = arith.constant 0 : i32
    %dma_wait3A_1118 = arith.constant 0 : i32
    %dma_wait3A_1119 = tpu.memref_slice %arg2[%dma_wait3A_1117, %dma_wait3A_1118] : memref<1048576x32xf32, #tpu.memory_space<hbm>> -> memref<1048576x32xf32, #tpu.memory_space<hbm>>
    tpu.wait_indirect_dma semaphore(%arg12 : memref<!tpu.dma_semaphore, #tpu.memory_space<semaphore_mem>>) src(%dma_wait3A_1119 : memref<1048576x32xf32, #tpu.memory_space<hbm>>) dst(%arg9 : memref<1024x32xf32, #tpu.memory_space<vmem>>)
    %dma_start3A_1120 = arith.constant 0 : i32
    %dma_start3A_1121 = tpu.memref_slice %arg4[%add3A_991, %dma_start3A_1120] : memref<819200x32xf32, #tpu.memory_space<hbm>> -> memref<1024x32xf32, #tpu.memory_space<hbm>>
    %dma_start3A_1122 = arith.constant 0 : i32
    %dma_start3A_1123 = tpu.memref_slice %arg4[%add3A_991, %dma_start3A_1122] : memref<819200x32xf32, #tpu.memory_space<hbm>> -> memref<1024x32xf32, #tpu.memory_space<hbm>>
    tpu.enqueue_dma source(%arg9 : memref<1024x32xf32, #tpu.memory_space<vmem>>) target(%dma_start3A_1123 : memref<1024x32xf32, #tpu.memory_space<hbm>>) target_semaphore(%arg15 : memref<!tpu.dma_semaphore, #tpu.memory_space<semaphore_mem>>)
    %add3A_1124 = arith.constant 19 : i32
    %add3A_1125 = arith.addi %mul3A_2, %add3A_1124 : i32
    %jit3A_1126 = arith.constant 16 : i32
    %div3A_1127 = arith.divsi %add3A_1125, %jit3A_1126 : i32
    %sign3A_1128 = arith.constant 0 : i32
    %sign3A_1129 = arith.cmpi sgt, %add3A_1125, %sign3A_1128 : i32
    %sign3A_1130 = arith.extui %sign3A_1129 : i1 to i32
    %sign3A_1131 = arith.constant 0 : i32
    %sign3A_1132 = arith.cmpi slt, %add3A_1125, %sign3A_1131 : i32
    %sign3A_1133 = arith.extui %sign3A_1132 : i1 to i32
    %sign3A_1134 = arith.subi %sign3A_1130, %sign3A_1133 : i32
    %sign3A_1135 = arith.constant 0 : i32
    %sign3A_1136 = arith.cmpi sgt, %jit3A_1126, %sign3A_1135 : i32
    %sign3A_1137 = arith.extui %sign3A_1136 : i1 to i32
    %sign3A_1138 = arith.constant 0 : i32
    %sign3A_1139 = arith.cmpi slt, %jit3A_1126, %sign3A_1138 : i32
    %sign3A_1140 = arith.extui %sign3A_1139 : i1 to i32
    %sign3A_1141 = arith.subi %sign3A_1137, %sign3A_1140 : i32
    %ne3A_1142 = arith.cmpi ne, %sign3A_1134, %sign3A_1141 : i32
    %rem3A_1143 = arith.remsi %add3A_1125, %jit3A_1126 : i32
    %ne3A_1144 = arith.constant 0 : i32
    %ne3A_1145 = arith.cmpi ne, %rem3A_1143, %ne3A_1144 : i32
    %and3A_1146 = arith.andi %ne3A_1142, %ne3A_1145 : i1
    %sub3A_1147 = arith.constant 1 : i32
    %sub3A_1148 = arith.subi %div3A_1127, %sub3A_1147 : i32
    %select_n3A_1149 = arith.select %and3A_1146, %sub3A_1148, %div3A_1127 : i32
    %jit3A_1150 = arith.constant 16 : i32
    %eq3A_1151 = arith.constant 0 : i32
    %eq3A_1152 = arith.cmpi eq, %jit3A_1150, %eq3A_1151 : i32
    %jit3A_1153 = arith.constant 1 : i32
    %select_n3A_1154 = arith.select %eq3A_1152, %jit3A_1153, %jit3A_1150 : i32
    %rem3A_1155 = arith.remsi %add3A_1125, %select_n3A_1154 : i32
    %ne3A_1156 = arith.constant 0 : i32
    %ne3A_1157 = arith.cmpi ne, %rem3A_1155, %ne3A_1156 : i32
    %lt3A_1158 = arith.constant 0 : i32
    %lt3A_1159 = arith.cmpi slt, %rem3A_1155, %lt3A_1158 : i32
    %lt3A_1160 = arith.constant 0 : i32
    %lt3A_1161 = arith.cmpi slt, %select_n3A_1154, %lt3A_1160 : i32
    %ne3A_1162 = arith.xori %lt3A_1159, %lt3A_1161 : i1
    %and3A_1163 = arith.andi %ne3A_1162, %ne3A_1157 : i1
    %add3A_1164 = arith.addi %rem3A_1155, %select_n3A_1154 : i32
    %select_n3A_1165 = arith.select %and3A_1163, %add3A_1164, %rem3A_1155 : i32
    %mul3A_1166 = arith.constant 1024 : i32
    %mul3A_1167 = arith.muli %select_n3A_1165, %mul3A_1166 : i32
    %dma_wait3A_1168 = arith.constant 0 : i32
    %dma_wait3A_1169 = tpu.memref_slice %arg4[%add3A_991, %dma_wait3A_1168] : memref<819200x32xf32, #tpu.memory_space<hbm>> -> memref<1024x32xf32, #tpu.memory_space<hbm>>
    %dma_wait3A_1170 = arith.constant 0 : i32
    %dma_wait3A_1171 = tpu.memref_slice %arg4[%add3A_991, %dma_wait3A_1170] : memref<819200x32xf32, #tpu.memory_space<hbm>> -> memref<1024x32xf32, #tpu.memory_space<hbm>>
    tpu.wait_dma2 semaphore(%arg15 : memref<!tpu.dma_semaphore, #tpu.memory_space<semaphore_mem>>) src(%arg9 : memref<1024x32xf32, #tpu.memory_space<vmem>>) dst(%dma_wait3A_1171 : memref<1024x32xf32, #tpu.memory_space<hbm>>)
    %mul3A_1172 = arith.constant 16384 : i32
    %mul3A_1173 = arith.muli %select_n3A_1149, %mul3A_1172 : i32
    %add3A_1174 = arith.addi %mul3A_1173, %mul3A_1167 : i32
    "tpu.region"() ({
      %run_scoped3A = tpu.sem_alloc : memref<!tpu.dma_semaphore, #tpu.memory_space<semaphore_mem>>
      %dma_start3A_1516 = tpu.memref_slice %arg3[%select_n3A_1149, %mul3A_1167] : memref<50x16384xi32, #tpu.memory_space<hbm>> -> memref<1x1024xi32, #tpu.memory_space<hbm>>
      %dma_start3A_1517 = tpu.memref_squeeze %dma_start3A_1516 : memref<1x1024xi32, #tpu.memory_space<hbm>> -> memref<1024xi32, #tpu.memory_space<hbm>>
      %dma_start3A_1518 = tpu.memref_slice %arg3[%select_n3A_1149, %mul3A_1167] : memref<50x16384xi32, #tpu.memory_space<hbm>> -> memref<1x1024xi32, #tpu.memory_space<hbm>>
      %dma_start3A_1519 = tpu.memref_squeeze %dma_start3A_1518 : memref<1x1024xi32, #tpu.memory_space<hbm>> -> memref<1024xi32, #tpu.memory_space<hbm>>
      tpu.enqueue_dma source(%dma_start3A_1519 : memref<1024xi32, #tpu.memory_space<hbm>>) target(%arg6 : memref<1024xi32, #tpu.memory_space<vmem>>) target_semaphore(%run_scoped3A : memref<!tpu.dma_semaphore, #tpu.memory_space<semaphore_mem>>)
      %dma_wait3A_1520 = tpu.memref_slice %arg3[%select_n3A_1149, %mul3A_1167] : memref<50x16384xi32, #tpu.memory_space<hbm>> -> memref<1x1024xi32, #tpu.memory_space<hbm>>
      %dma_wait3A_1521 = tpu.memref_squeeze %dma_wait3A_1520 : memref<1x1024xi32, #tpu.memory_space<hbm>> -> memref<1024xi32, #tpu.memory_space<hbm>>
      %dma_wait3A_1522 = tpu.memref_slice %arg3[%select_n3A_1149, %mul3A_1167] : memref<50x16384xi32, #tpu.memory_space<hbm>> -> memref<1x1024xi32, #tpu.memory_space<hbm>>
      %dma_wait3A_1523 = tpu.memref_squeeze %dma_wait3A_1522 : memref<1x1024xi32, #tpu.memory_space<hbm>> -> memref<1024xi32, #tpu.memory_space<hbm>>
      tpu.wait_dma2 semaphore(%run_scoped3A : memref<!tpu.dma_semaphore, #tpu.memory_space<semaphore_mem>>) src(%dma_wait3A_1523 : memref<1024xi32, #tpu.memory_space<hbm>>) dst(%arg6 : memref<1024xi32, #tpu.memory_space<vmem>>)
      tpu.yield
    }) : () -> ()
    %dma_start3A_1175 = arith.constant 0 : i32
    %dma_start3A_1176 = arith.constant 0 : i32
    %dma_start3A_1177 = tpu.memref_slice %arg2[%dma_start3A_1175, %dma_start3A_1176] : memref<1048576x32xf32, #tpu.memory_space<hbm>> -> memref<1048576x32xf32, #tpu.memory_space<hbm>>
    tpu.enqueue_indirect_dma source(%dma_start3A_1177 : memref<1048576x32xf32, #tpu.memory_space<hbm>>) target(%arg9 : memref<1024x32xf32, #tpu.memory_space<vmem>>) offsets(%arg6 : memref<1024xi32, #tpu.memory_space<vmem>>) semaphore(%arg12 : memref<!tpu.dma_semaphore, #tpu.memory_space<semaphore_mem>>)
    %dma_wait3A_1178 = arith.constant 0 : i32
    %dma_wait3A_1179 = arith.constant 0 : i32
    %dma_wait3A_1180 = tpu.memref_slice %arg2[%dma_wait3A_1178, %dma_wait3A_1179] : memref<1048576x32xf32, #tpu.memory_space<hbm>> -> memref<1048576x32xf32, #tpu.memory_space<hbm>>
    tpu.wait_indirect_dma semaphore(%arg13 : memref<!tpu.dma_semaphore, #tpu.memory_space<semaphore_mem>>) src(%dma_wait3A_1180 : memref<1048576x32xf32, #tpu.memory_space<hbm>>) dst(%arg10 : memref<1024x32xf32, #tpu.memory_space<vmem>>)
    %dma_start3A_1181 = arith.constant 0 : i32
    %dma_start3A_1182 = tpu.memref_slice %arg4[%add3A_1052, %dma_start3A_1181] : memref<819200x32xf32, #tpu.memory_space<hbm>> -> memref<1024x32xf32, #tpu.memory_space<hbm>>
    %dma_start3A_1183 = arith.constant 0 : i32
    %dma_start3A_1184 = tpu.memref_slice %arg4[%add3A_1052, %dma_start3A_1183] : memref<819200x32xf32, #tpu.memory_space<hbm>> -> memref<1024x32xf32, #tpu.memory_space<hbm>>
    tpu.enqueue_dma source(%arg10 : memref<1024x32xf32, #tpu.memory_space<vmem>>) target(%dma_start3A_1184 : memref<1024x32xf32, #tpu.memory_space<hbm>>) target_semaphore(%arg16 : memref<!tpu.dma_semaphore, #tpu.memory_space<semaphore_mem>>)
    %add3A_1185 = arith.constant 20 : i32
    %add3A_1186 = arith.addi %mul3A_2, %add3A_1185 : i32
    %jit3A_1187 = arith.constant 16 : i32
    %div3A_1188 = arith.divsi %add3A_1186, %jit3A_1187 : i32
    %sign3A_1189 = arith.constant 0 : i32
    %sign3A_1190 = arith.cmpi sgt, %add3A_1186, %sign3A_1189 : i32
    %sign3A_1191 = arith.extui %sign3A_1190 : i1 to i32
    %sign3A_1192 = arith.constant 0 : i32
    %sign3A_1193 = arith.cmpi slt, %add3A_1186, %sign3A_1192 : i32
    %sign3A_1194 = arith.extui %sign3A_1193 : i1 to i32
    %sign3A_1195 = arith.subi %sign3A_1191, %sign3A_1194 : i32
    %sign3A_1196 = arith.constant 0 : i32
    %sign3A_1197 = arith.cmpi sgt, %jit3A_1187, %sign3A_1196 : i32
    %sign3A_1198 = arith.extui %sign3A_1197 : i1 to i32
    %sign3A_1199 = arith.constant 0 : i32
    %sign3A_1200 = arith.cmpi slt, %jit3A_1187, %sign3A_1199 : i32
    %sign3A_1201 = arith.extui %sign3A_1200 : i1 to i32
    %sign3A_1202 = arith.subi %sign3A_1198, %sign3A_1201 : i32
    %ne3A_1203 = arith.cmpi ne, %sign3A_1195, %sign3A_1202 : i32
    %rem3A_1204 = arith.remsi %add3A_1186, %jit3A_1187 : i32
    %ne3A_1205 = arith.constant 0 : i32
    %ne3A_1206 = arith.cmpi ne, %rem3A_1204, %ne3A_1205 : i32
    %and3A_1207 = arith.andi %ne3A_1203, %ne3A_1206 : i1
    %sub3A_1208 = arith.constant 1 : i32
    %sub3A_1209 = arith.subi %div3A_1188, %sub3A_1208 : i32
    %select_n3A_1210 = arith.select %and3A_1207, %sub3A_1209, %div3A_1188 : i32
    %jit3A_1211 = arith.constant 16 : i32
    %eq3A_1212 = arith.constant 0 : i32
    %eq3A_1213 = arith.cmpi eq, %jit3A_1211, %eq3A_1212 : i32
    %jit3A_1214 = arith.constant 1 : i32
    %select_n3A_1215 = arith.select %eq3A_1213, %jit3A_1214, %jit3A_1211 : i32
    %rem3A_1216 = arith.remsi %add3A_1186, %select_n3A_1215 : i32
    %ne3A_1217 = arith.constant 0 : i32
    %ne3A_1218 = arith.cmpi ne, %rem3A_1216, %ne3A_1217 : i32
    %lt3A_1219 = arith.constant 0 : i32
    %lt3A_1220 = arith.cmpi slt, %rem3A_1216, %lt3A_1219 : i32
    %lt3A_1221 = arith.constant 0 : i32
    %lt3A_1222 = arith.cmpi slt, %select_n3A_1215, %lt3A_1221 : i32
    %ne3A_1223 = arith.xori %lt3A_1220, %lt3A_1222 : i1
    %and3A_1224 = arith.andi %ne3A_1223, %ne3A_1218 : i1
    %add3A_1225 = arith.addi %rem3A_1216, %select_n3A_1215 : i32
    %select_n3A_1226 = arith.select %and3A_1224, %add3A_1225, %rem3A_1216 : i32
    %mul3A_1227 = arith.constant 1024 : i32
    %mul3A_1228 = arith.muli %select_n3A_1226, %mul3A_1227 : i32
    %dma_wait3A_1229 = arith.constant 0 : i32
    %dma_wait3A_1230 = tpu.memref_slice %arg4[%add3A_1052, %dma_wait3A_1229] : memref<819200x32xf32, #tpu.memory_space<hbm>> -> memref<1024x32xf32, #tpu.memory_space<hbm>>
    %dma_wait3A_1231 = arith.constant 0 : i32
    %dma_wait3A_1232 = tpu.memref_slice %arg4[%add3A_1052, %dma_wait3A_1231] : memref<819200x32xf32, #tpu.memory_space<hbm>> -> memref<1024x32xf32, #tpu.memory_space<hbm>>
    tpu.wait_dma2 semaphore(%arg16 : memref<!tpu.dma_semaphore, #tpu.memory_space<semaphore_mem>>) src(%arg10 : memref<1024x32xf32, #tpu.memory_space<vmem>>) dst(%dma_wait3A_1232 : memref<1024x32xf32, #tpu.memory_space<hbm>>)
    %mul3A_1233 = arith.constant 16384 : i32
    %mul3A_1234 = arith.muli %select_n3A_1210, %mul3A_1233 : i32
    %add3A_1235 = arith.addi %mul3A_1234, %mul3A_1228 : i32
    "tpu.region"() ({
      %run_scoped3A = tpu.sem_alloc : memref<!tpu.dma_semaphore, #tpu.memory_space<semaphore_mem>>
      %dma_start3A_1516 = tpu.memref_slice %arg3[%select_n3A_1210, %mul3A_1228] : memref<50x16384xi32, #tpu.memory_space<hbm>> -> memref<1x1024xi32, #tpu.memory_space<hbm>>
      %dma_start3A_1517 = tpu.memref_squeeze %dma_start3A_1516 : memref<1x1024xi32, #tpu.memory_space<hbm>> -> memref<1024xi32, #tpu.memory_space<hbm>>
      %dma_start3A_1518 = tpu.memref_slice %arg3[%select_n3A_1210, %mul3A_1228] : memref<50x16384xi32, #tpu.memory_space<hbm>> -> memref<1x1024xi32, #tpu.memory_space<hbm>>
      %dma_start3A_1519 = tpu.memref_squeeze %dma_start3A_1518 : memref<1x1024xi32, #tpu.memory_space<hbm>> -> memref<1024xi32, #tpu.memory_space<hbm>>
      tpu.enqueue_dma source(%dma_start3A_1519 : memref<1024xi32, #tpu.memory_space<hbm>>) target(%arg7 : memref<1024xi32, #tpu.memory_space<vmem>>) target_semaphore(%run_scoped3A : memref<!tpu.dma_semaphore, #tpu.memory_space<semaphore_mem>>)
      %dma_wait3A_1520 = tpu.memref_slice %arg3[%select_n3A_1210, %mul3A_1228] : memref<50x16384xi32, #tpu.memory_space<hbm>> -> memref<1x1024xi32, #tpu.memory_space<hbm>>
      %dma_wait3A_1521 = tpu.memref_squeeze %dma_wait3A_1520 : memref<1x1024xi32, #tpu.memory_space<hbm>> -> memref<1024xi32, #tpu.memory_space<hbm>>
      %dma_wait3A_1522 = tpu.memref_slice %arg3[%select_n3A_1210, %mul3A_1228] : memref<50x16384xi32, #tpu.memory_space<hbm>> -> memref<1x1024xi32, #tpu.memory_space<hbm>>
      %dma_wait3A_1523 = tpu.memref_squeeze %dma_wait3A_1522 : memref<1x1024xi32, #tpu.memory_space<hbm>> -> memref<1024xi32, #tpu.memory_space<hbm>>
      tpu.wait_dma2 semaphore(%run_scoped3A : memref<!tpu.dma_semaphore, #tpu.memory_space<semaphore_mem>>) src(%dma_wait3A_1523 : memref<1024xi32, #tpu.memory_space<hbm>>) dst(%arg7 : memref<1024xi32, #tpu.memory_space<vmem>>)
      tpu.yield
    }) : () -> ()
    %dma_start3A_1236 = arith.constant 0 : i32
    %dma_start3A_1237 = arith.constant 0 : i32
    %dma_start3A_1238 = tpu.memref_slice %arg2[%dma_start3A_1236, %dma_start3A_1237] : memref<1048576x32xf32, #tpu.memory_space<hbm>> -> memref<1048576x32xf32, #tpu.memory_space<hbm>>
    tpu.enqueue_indirect_dma source(%dma_start3A_1238 : memref<1048576x32xf32, #tpu.memory_space<hbm>>) target(%arg10 : memref<1024x32xf32, #tpu.memory_space<vmem>>) offsets(%arg7 : memref<1024xi32, #tpu.memory_space<vmem>>) semaphore(%arg13 : memref<!tpu.dma_semaphore, #tpu.memory_space<semaphore_mem>>)
    %dma_wait3A_1239 = arith.constant 0 : i32
    %dma_wait3A_1240 = arith.constant 0 : i32
    %dma_wait3A_1241 = tpu.memref_slice %arg2[%dma_wait3A_1239, %dma_wait3A_1240] : memref<1048576x32xf32, #tpu.memory_space<hbm>> -> memref<1048576x32xf32, #tpu.memory_space<hbm>>
    tpu.wait_indirect_dma semaphore(%arg11 : memref<!tpu.dma_semaphore, #tpu.memory_space<semaphore_mem>>) src(%dma_wait3A_1241 : memref<1048576x32xf32, #tpu.memory_space<hbm>>) dst(%arg8 : memref<1024x32xf32, #tpu.memory_space<vmem>>)
    %dma_start3A_1242 = arith.constant 0 : i32
    %dma_start3A_1243 = tpu.memref_slice %arg4[%add3A_1113, %dma_start3A_1242] : memref<819200x32xf32, #tpu.memory_space<hbm>> -> memref<1024x32xf32, #tpu.memory_space<hbm>>
    %dma_start3A_1244 = arith.constant 0 : i32
    %dma_start3A_1245 = tpu.memref_slice %arg4[%add3A_1113, %dma_start3A_1244] : memref<819200x32xf32, #tpu.memory_space<hbm>> -> memref<1024x32xf32, #tpu.memory_space<hbm>>
    tpu.enqueue_dma source(%arg8 : memref<1024x32xf32, #tpu.memory_space<vmem>>) target(%dma_start3A_1245 : memref<1024x32xf32, #tpu.memory_space<hbm>>) target_semaphore(%arg14 : memref<!tpu.dma_semaphore, #tpu.memory_space<semaphore_mem>>)
    %add3A_1246 = arith.constant 21 : i32
    %add3A_1247 = arith.addi %mul3A_2, %add3A_1246 : i32
    %jit3A_1248 = arith.constant 16 : i32
    %div3A_1249 = arith.divsi %add3A_1247, %jit3A_1248 : i32
    %sign3A_1250 = arith.constant 0 : i32
    %sign3A_1251 = arith.cmpi sgt, %add3A_1247, %sign3A_1250 : i32
    %sign3A_1252 = arith.extui %sign3A_1251 : i1 to i32
    %sign3A_1253 = arith.constant 0 : i32
    %sign3A_1254 = arith.cmpi slt, %add3A_1247, %sign3A_1253 : i32
    %sign3A_1255 = arith.extui %sign3A_1254 : i1 to i32
    %sign3A_1256 = arith.subi %sign3A_1252, %sign3A_1255 : i32
    %sign3A_1257 = arith.constant 0 : i32
    %sign3A_1258 = arith.cmpi sgt, %jit3A_1248, %sign3A_1257 : i32
    %sign3A_1259 = arith.extui %sign3A_1258 : i1 to i32
    %sign3A_1260 = arith.constant 0 : i32
    %sign3A_1261 = arith.cmpi slt, %jit3A_1248, %sign3A_1260 : i32
    %sign3A_1262 = arith.extui %sign3A_1261 : i1 to i32
    %sign3A_1263 = arith.subi %sign3A_1259, %sign3A_1262 : i32
    %ne3A_1264 = arith.cmpi ne, %sign3A_1256, %sign3A_1263 : i32
    %rem3A_1265 = arith.remsi %add3A_1247, %jit3A_1248 : i32
    %ne3A_1266 = arith.constant 0 : i32
    %ne3A_1267 = arith.cmpi ne, %rem3A_1265, %ne3A_1266 : i32
    %and3A_1268 = arith.andi %ne3A_1264, %ne3A_1267 : i1
    %sub3A_1269 = arith.constant 1 : i32
    %sub3A_1270 = arith.subi %div3A_1249, %sub3A_1269 : i32
    %select_n3A_1271 = arith.select %and3A_1268, %sub3A_1270, %div3A_1249 : i32
    %jit3A_1272 = arith.constant 16 : i32
    %eq3A_1273 = arith.constant 0 : i32
    %eq3A_1274 = arith.cmpi eq, %jit3A_1272, %eq3A_1273 : i32
    %jit3A_1275 = arith.constant 1 : i32
    %select_n3A_1276 = arith.select %eq3A_1274, %jit3A_1275, %jit3A_1272 : i32
    %rem3A_1277 = arith.remsi %add3A_1247, %select_n3A_1276 : i32
    %ne3A_1278 = arith.constant 0 : i32
    %ne3A_1279 = arith.cmpi ne, %rem3A_1277, %ne3A_1278 : i32
    %lt3A_1280 = arith.constant 0 : i32
    %lt3A_1281 = arith.cmpi slt, %rem3A_1277, %lt3A_1280 : i32
    %lt3A_1282 = arith.constant 0 : i32
    %lt3A_1283 = arith.cmpi slt, %select_n3A_1276, %lt3A_1282 : i32
    %ne3A_1284 = arith.xori %lt3A_1281, %lt3A_1283 : i1
    %and3A_1285 = arith.andi %ne3A_1284, %ne3A_1279 : i1
    %add3A_1286 = arith.addi %rem3A_1277, %select_n3A_1276 : i32
    %select_n3A_1287 = arith.select %and3A_1285, %add3A_1286, %rem3A_1277 : i32
    %mul3A_1288 = arith.constant 1024 : i32
    %mul3A_1289 = arith.muli %select_n3A_1287, %mul3A_1288 : i32
    %dma_wait3A_1290 = arith.constant 0 : i32
    %dma_wait3A_1291 = tpu.memref_slice %arg4[%add3A_1113, %dma_wait3A_1290] : memref<819200x32xf32, #tpu.memory_space<hbm>> -> memref<1024x32xf32, #tpu.memory_space<hbm>>
    %dma_wait3A_1292 = arith.constant 0 : i32
    %dma_wait3A_1293 = tpu.memref_slice %arg4[%add3A_1113, %dma_wait3A_1292] : memref<819200x32xf32, #tpu.memory_space<hbm>> -> memref<1024x32xf32, #tpu.memory_space<hbm>>
    tpu.wait_dma2 semaphore(%arg14 : memref<!tpu.dma_semaphore, #tpu.memory_space<semaphore_mem>>) src(%arg8 : memref<1024x32xf32, #tpu.memory_space<vmem>>) dst(%dma_wait3A_1293 : memref<1024x32xf32, #tpu.memory_space<hbm>>)
    %mul3A_1294 = arith.constant 16384 : i32
    %mul3A_1295 = arith.muli %select_n3A_1271, %mul3A_1294 : i32
    %add3A_1296 = arith.addi %mul3A_1295, %mul3A_1289 : i32
    "tpu.region"() ({
      %run_scoped3A = tpu.sem_alloc : memref<!tpu.dma_semaphore, #tpu.memory_space<semaphore_mem>>
      %dma_start3A_1516 = tpu.memref_slice %arg3[%select_n3A_1271, %mul3A_1289] : memref<50x16384xi32, #tpu.memory_space<hbm>> -> memref<1x1024xi32, #tpu.memory_space<hbm>>
      %dma_start3A_1517 = tpu.memref_squeeze %dma_start3A_1516 : memref<1x1024xi32, #tpu.memory_space<hbm>> -> memref<1024xi32, #tpu.memory_space<hbm>>
      %dma_start3A_1518 = tpu.memref_slice %arg3[%select_n3A_1271, %mul3A_1289] : memref<50x16384xi32, #tpu.memory_space<hbm>> -> memref<1x1024xi32, #tpu.memory_space<hbm>>
      %dma_start3A_1519 = tpu.memref_squeeze %dma_start3A_1518 : memref<1x1024xi32, #tpu.memory_space<hbm>> -> memref<1024xi32, #tpu.memory_space<hbm>>
      tpu.enqueue_dma source(%dma_start3A_1519 : memref<1024xi32, #tpu.memory_space<hbm>>) target(%arg5 : memref<1024xi32, #tpu.memory_space<vmem>>) target_semaphore(%run_scoped3A : memref<!tpu.dma_semaphore, #tpu.memory_space<semaphore_mem>>)
      %dma_wait3A_1520 = tpu.memref_slice %arg3[%select_n3A_1271, %mul3A_1289] : memref<50x16384xi32, #tpu.memory_space<hbm>> -> memref<1x1024xi32, #tpu.memory_space<hbm>>
      %dma_wait3A_1521 = tpu.memref_squeeze %dma_wait3A_1520 : memref<1x1024xi32, #tpu.memory_space<hbm>> -> memref<1024xi32, #tpu.memory_space<hbm>>
      %dma_wait3A_1522 = tpu.memref_slice %arg3[%select_n3A_1271, %mul3A_1289] : memref<50x16384xi32, #tpu.memory_space<hbm>> -> memref<1x1024xi32, #tpu.memory_space<hbm>>
      %dma_wait3A_1523 = tpu.memref_squeeze %dma_wait3A_1522 : memref<1x1024xi32, #tpu.memory_space<hbm>> -> memref<1024xi32, #tpu.memory_space<hbm>>
      tpu.wait_dma2 semaphore(%run_scoped3A : memref<!tpu.dma_semaphore, #tpu.memory_space<semaphore_mem>>) src(%dma_wait3A_1523 : memref<1024xi32, #tpu.memory_space<hbm>>) dst(%arg5 : memref<1024xi32, #tpu.memory_space<vmem>>)
      tpu.yield
    }) : () -> ()
    %dma_start3A_1297 = arith.constant 0 : i32
    %dma_start3A_1298 = arith.constant 0 : i32
    %dma_start3A_1299 = tpu.memref_slice %arg2[%dma_start3A_1297, %dma_start3A_1298] : memref<1048576x32xf32, #tpu.memory_space<hbm>> -> memref<1048576x32xf32, #tpu.memory_space<hbm>>
    tpu.enqueue_indirect_dma source(%dma_start3A_1299 : memref<1048576x32xf32, #tpu.memory_space<hbm>>) target(%arg8 : memref<1024x32xf32, #tpu.memory_space<vmem>>) offsets(%arg5 : memref<1024xi32, #tpu.memory_space<vmem>>) semaphore(%arg11 : memref<!tpu.dma_semaphore, #tpu.memory_space<semaphore_mem>>)
    %dma_wait3A_1300 = arith.constant 0 : i32
    %dma_wait3A_1301 = arith.constant 0 : i32
    %dma_wait3A_1302 = tpu.memref_slice %arg2[%dma_wait3A_1300, %dma_wait3A_1301] : memref<1048576x32xf32, #tpu.memory_space<hbm>> -> memref<1048576x32xf32, #tpu.memory_space<hbm>>
    tpu.wait_indirect_dma semaphore(%arg12 : memref<!tpu.dma_semaphore, #tpu.memory_space<semaphore_mem>>) src(%dma_wait3A_1302 : memref<1048576x32xf32, #tpu.memory_space<hbm>>) dst(%arg9 : memref<1024x32xf32, #tpu.memory_space<vmem>>)
    %dma_start3A_1303 = arith.constant 0 : i32
    %dma_start3A_1304 = tpu.memref_slice %arg4[%add3A_1174, %dma_start3A_1303] : memref<819200x32xf32, #tpu.memory_space<hbm>> -> memref<1024x32xf32, #tpu.memory_space<hbm>>
    %dma_start3A_1305 = arith.constant 0 : i32
    %dma_start3A_1306 = tpu.memref_slice %arg4[%add3A_1174, %dma_start3A_1305] : memref<819200x32xf32, #tpu.memory_space<hbm>> -> memref<1024x32xf32, #tpu.memory_space<hbm>>
    tpu.enqueue_dma source(%arg9 : memref<1024x32xf32, #tpu.memory_space<vmem>>) target(%dma_start3A_1306 : memref<1024x32xf32, #tpu.memory_space<hbm>>) target_semaphore(%arg15 : memref<!tpu.dma_semaphore, #tpu.memory_space<semaphore_mem>>)
    %add3A_1307 = arith.constant 22 : i32
    %add3A_1308 = arith.addi %mul3A_2, %add3A_1307 : i32
    %jit3A_1309 = arith.constant 16 : i32
    %div3A_1310 = arith.divsi %add3A_1308, %jit3A_1309 : i32
    %sign3A_1311 = arith.constant 0 : i32
    %sign3A_1312 = arith.cmpi sgt, %add3A_1308, %sign3A_1311 : i32
    %sign3A_1313 = arith.extui %sign3A_1312 : i1 to i32
    %sign3A_1314 = arith.constant 0 : i32
    %sign3A_1315 = arith.cmpi slt, %add3A_1308, %sign3A_1314 : i32
    %sign3A_1316 = arith.extui %sign3A_1315 : i1 to i32
    %sign3A_1317 = arith.subi %sign3A_1313, %sign3A_1316 : i32
    %sign3A_1318 = arith.constant 0 : i32
    %sign3A_1319 = arith.cmpi sgt, %jit3A_1309, %sign3A_1318 : i32
    %sign3A_1320 = arith.extui %sign3A_1319 : i1 to i32
    %sign3A_1321 = arith.constant 0 : i32
    %sign3A_1322 = arith.cmpi slt, %jit3A_1309, %sign3A_1321 : i32
    %sign3A_1323 = arith.extui %sign3A_1322 : i1 to i32
    %sign3A_1324 = arith.subi %sign3A_1320, %sign3A_1323 : i32
    %ne3A_1325 = arith.cmpi ne, %sign3A_1317, %sign3A_1324 : i32
    %rem3A_1326 = arith.remsi %add3A_1308, %jit3A_1309 : i32
    %ne3A_1327 = arith.constant 0 : i32
    %ne3A_1328 = arith.cmpi ne, %rem3A_1326, %ne3A_1327 : i32
    %and3A_1329 = arith.andi %ne3A_1325, %ne3A_1328 : i1
    %sub3A_1330 = arith.constant 1 : i32
    %sub3A_1331 = arith.subi %div3A_1310, %sub3A_1330 : i32
    %select_n3A_1332 = arith.select %and3A_1329, %sub3A_1331, %div3A_1310 : i32
    %jit3A_1333 = arith.constant 16 : i32
    %eq3A_1334 = arith.constant 0 : i32
    %eq3A_1335 = arith.cmpi eq, %jit3A_1333, %eq3A_1334 : i32
    %jit3A_1336 = arith.constant 1 : i32
    %select_n3A_1337 = arith.select %eq3A_1335, %jit3A_1336, %jit3A_1333 : i32
    %rem3A_1338 = arith.remsi %add3A_1308, %select_n3A_1337 : i32
    %ne3A_1339 = arith.constant 0 : i32
    %ne3A_1340 = arith.cmpi ne, %rem3A_1338, %ne3A_1339 : i32
    %lt3A_1341 = arith.constant 0 : i32
    %lt3A_1342 = arith.cmpi slt, %rem3A_1338, %lt3A_1341 : i32
    %lt3A_1343 = arith.constant 0 : i32
    %lt3A_1344 = arith.cmpi slt, %select_n3A_1337, %lt3A_1343 : i32
    %ne3A_1345 = arith.xori %lt3A_1342, %lt3A_1344 : i1
    %and3A_1346 = arith.andi %ne3A_1345, %ne3A_1340 : i1
    %add3A_1347 = arith.addi %rem3A_1338, %select_n3A_1337 : i32
    %select_n3A_1348 = arith.select %and3A_1346, %add3A_1347, %rem3A_1338 : i32
    %mul3A_1349 = arith.constant 1024 : i32
    %mul3A_1350 = arith.muli %select_n3A_1348, %mul3A_1349 : i32
    %dma_wait3A_1351 = arith.constant 0 : i32
    %dma_wait3A_1352 = tpu.memref_slice %arg4[%add3A_1174, %dma_wait3A_1351] : memref<819200x32xf32, #tpu.memory_space<hbm>> -> memref<1024x32xf32, #tpu.memory_space<hbm>>
    %dma_wait3A_1353 = arith.constant 0 : i32
    %dma_wait3A_1354 = tpu.memref_slice %arg4[%add3A_1174, %dma_wait3A_1353] : memref<819200x32xf32, #tpu.memory_space<hbm>> -> memref<1024x32xf32, #tpu.memory_space<hbm>>
    tpu.wait_dma2 semaphore(%arg15 : memref<!tpu.dma_semaphore, #tpu.memory_space<semaphore_mem>>) src(%arg9 : memref<1024x32xf32, #tpu.memory_space<vmem>>) dst(%dma_wait3A_1354 : memref<1024x32xf32, #tpu.memory_space<hbm>>)
    %mul3A_1355 = arith.constant 16384 : i32
    %mul3A_1356 = arith.muli %select_n3A_1332, %mul3A_1355 : i32
    %add3A_1357 = arith.addi %mul3A_1356, %mul3A_1350 : i32
    "tpu.region"() ({
      %run_scoped3A = tpu.sem_alloc : memref<!tpu.dma_semaphore, #tpu.memory_space<semaphore_mem>>
      %dma_start3A_1516 = tpu.memref_slice %arg3[%select_n3A_1332, %mul3A_1350] : memref<50x16384xi32, #tpu.memory_space<hbm>> -> memref<1x1024xi32, #tpu.memory_space<hbm>>
      %dma_start3A_1517 = tpu.memref_squeeze %dma_start3A_1516 : memref<1x1024xi32, #tpu.memory_space<hbm>> -> memref<1024xi32, #tpu.memory_space<hbm>>
      %dma_start3A_1518 = tpu.memref_slice %arg3[%select_n3A_1332, %mul3A_1350] : memref<50x16384xi32, #tpu.memory_space<hbm>> -> memref<1x1024xi32, #tpu.memory_space<hbm>>
      %dma_start3A_1519 = tpu.memref_squeeze %dma_start3A_1518 : memref<1x1024xi32, #tpu.memory_space<hbm>> -> memref<1024xi32, #tpu.memory_space<hbm>>
      tpu.enqueue_dma source(%dma_start3A_1519 : memref<1024xi32, #tpu.memory_space<hbm>>) target(%arg6 : memref<1024xi32, #tpu.memory_space<vmem>>) target_semaphore(%run_scoped3A : memref<!tpu.dma_semaphore, #tpu.memory_space<semaphore_mem>>)
      %dma_wait3A_1520 = tpu.memref_slice %arg3[%select_n3A_1332, %mul3A_1350] : memref<50x16384xi32, #tpu.memory_space<hbm>> -> memref<1x1024xi32, #tpu.memory_space<hbm>>
      %dma_wait3A_1521 = tpu.memref_squeeze %dma_wait3A_1520 : memref<1x1024xi32, #tpu.memory_space<hbm>> -> memref<1024xi32, #tpu.memory_space<hbm>>
      %dma_wait3A_1522 = tpu.memref_slice %arg3[%select_n3A_1332, %mul3A_1350] : memref<50x16384xi32, #tpu.memory_space<hbm>> -> memref<1x1024xi32, #tpu.memory_space<hbm>>
      %dma_wait3A_1523 = tpu.memref_squeeze %dma_wait3A_1522 : memref<1x1024xi32, #tpu.memory_space<hbm>> -> memref<1024xi32, #tpu.memory_space<hbm>>
      tpu.wait_dma2 semaphore(%run_scoped3A : memref<!tpu.dma_semaphore, #tpu.memory_space<semaphore_mem>>) src(%dma_wait3A_1523 : memref<1024xi32, #tpu.memory_space<hbm>>) dst(%arg6 : memref<1024xi32, #tpu.memory_space<vmem>>)
      tpu.yield
    }) : () -> ()
    %dma_start3A_1358 = arith.constant 0 : i32
    %dma_start3A_1359 = arith.constant 0 : i32
    %dma_start3A_1360 = tpu.memref_slice %arg2[%dma_start3A_1358, %dma_start3A_1359] : memref<1048576x32xf32, #tpu.memory_space<hbm>> -> memref<1048576x32xf32, #tpu.memory_space<hbm>>
    tpu.enqueue_indirect_dma source(%dma_start3A_1360 : memref<1048576x32xf32, #tpu.memory_space<hbm>>) target(%arg9 : memref<1024x32xf32, #tpu.memory_space<vmem>>) offsets(%arg6 : memref<1024xi32, #tpu.memory_space<vmem>>) semaphore(%arg12 : memref<!tpu.dma_semaphore, #tpu.memory_space<semaphore_mem>>)
    %dma_wait3A_1361 = arith.constant 0 : i32
    %dma_wait3A_1362 = arith.constant 0 : i32
    %dma_wait3A_1363 = tpu.memref_slice %arg2[%dma_wait3A_1361, %dma_wait3A_1362] : memref<1048576x32xf32, #tpu.memory_space<hbm>> -> memref<1048576x32xf32, #tpu.memory_space<hbm>>
    tpu.wait_indirect_dma semaphore(%arg13 : memref<!tpu.dma_semaphore, #tpu.memory_space<semaphore_mem>>) src(%dma_wait3A_1363 : memref<1048576x32xf32, #tpu.memory_space<hbm>>) dst(%arg10 : memref<1024x32xf32, #tpu.memory_space<vmem>>)
    %dma_start3A_1364 = arith.constant 0 : i32
    %dma_start3A_1365 = tpu.memref_slice %arg4[%add3A_1235, %dma_start3A_1364] : memref<819200x32xf32, #tpu.memory_space<hbm>> -> memref<1024x32xf32, #tpu.memory_space<hbm>>
    %dma_start3A_1366 = arith.constant 0 : i32
    %dma_start3A_1367 = tpu.memref_slice %arg4[%add3A_1235, %dma_start3A_1366] : memref<819200x32xf32, #tpu.memory_space<hbm>> -> memref<1024x32xf32, #tpu.memory_space<hbm>>
    tpu.enqueue_dma source(%arg10 : memref<1024x32xf32, #tpu.memory_space<vmem>>) target(%dma_start3A_1367 : memref<1024x32xf32, #tpu.memory_space<hbm>>) target_semaphore(%arg16 : memref<!tpu.dma_semaphore, #tpu.memory_space<semaphore_mem>>)
    %add3A_1368 = arith.constant 23 : i32
    %add3A_1369 = arith.addi %mul3A_2, %add3A_1368 : i32
    %jit3A_1370 = arith.constant 16 : i32
    %div3A_1371 = arith.divsi %add3A_1369, %jit3A_1370 : i32
    %sign3A_1372 = arith.constant 0 : i32
    %sign3A_1373 = arith.cmpi sgt, %add3A_1369, %sign3A_1372 : i32
    %sign3A_1374 = arith.extui %sign3A_1373 : i1 to i32
    %sign3A_1375 = arith.constant 0 : i32
    %sign3A_1376 = arith.cmpi slt, %add3A_1369, %sign3A_1375 : i32
    %sign3A_1377 = arith.extui %sign3A_1376 : i1 to i32
    %sign3A_1378 = arith.subi %sign3A_1374, %sign3A_1377 : i32
    %sign3A_1379 = arith.constant 0 : i32
    %sign3A_1380 = arith.cmpi sgt, %jit3A_1370, %sign3A_1379 : i32
    %sign3A_1381 = arith.extui %sign3A_1380 : i1 to i32
    %sign3A_1382 = arith.constant 0 : i32
    %sign3A_1383 = arith.cmpi slt, %jit3A_1370, %sign3A_1382 : i32
    %sign3A_1384 = arith.extui %sign3A_1383 : i1 to i32
    %sign3A_1385 = arith.subi %sign3A_1381, %sign3A_1384 : i32
    %ne3A_1386 = arith.cmpi ne, %sign3A_1378, %sign3A_1385 : i32
    %rem3A_1387 = arith.remsi %add3A_1369, %jit3A_1370 : i32
    %ne3A_1388 = arith.constant 0 : i32
    %ne3A_1389 = arith.cmpi ne, %rem3A_1387, %ne3A_1388 : i32
    %and3A_1390 = arith.andi %ne3A_1386, %ne3A_1389 : i1
    %sub3A_1391 = arith.constant 1 : i32
    %sub3A_1392 = arith.subi %div3A_1371, %sub3A_1391 : i32
    %select_n3A_1393 = arith.select %and3A_1390, %sub3A_1392, %div3A_1371 : i32
    %jit3A_1394 = arith.constant 16 : i32
    %eq3A_1395 = arith.constant 0 : i32
    %eq3A_1396 = arith.cmpi eq, %jit3A_1394, %eq3A_1395 : i32
    %jit3A_1397 = arith.constant 1 : i32
    %select_n3A_1398 = arith.select %eq3A_1396, %jit3A_1397, %jit3A_1394 : i32
    %rem3A_1399 = arith.remsi %add3A_1369, %select_n3A_1398 : i32
    %ne3A_1400 = arith.constant 0 : i32
    %ne3A_1401 = arith.cmpi ne, %rem3A_1399, %ne3A_1400 : i32
    %lt3A_1402 = arith.constant 0 : i32
    %lt3A_1403 = arith.cmpi slt, %rem3A_1399, %lt3A_1402 : i32
    %lt3A_1404 = arith.constant 0 : i32
    %lt3A_1405 = arith.cmpi slt, %select_n3A_1398, %lt3A_1404 : i32
    %ne3A_1406 = arith.xori %lt3A_1403, %lt3A_1405 : i1
    %and3A_1407 = arith.andi %ne3A_1406, %ne3A_1401 : i1
    %add3A_1408 = arith.addi %rem3A_1399, %select_n3A_1398 : i32
    %select_n3A_1409 = arith.select %and3A_1407, %add3A_1408, %rem3A_1399 : i32
    %mul3A_1410 = arith.constant 1024 : i32
    %mul3A_1411 = arith.muli %select_n3A_1409, %mul3A_1410 : i32
    %dma_wait3A_1412 = arith.constant 0 : i32
    %dma_wait3A_1413 = tpu.memref_slice %arg4[%add3A_1235, %dma_wait3A_1412] : memref<819200x32xf32, #tpu.memory_space<hbm>> -> memref<1024x32xf32, #tpu.memory_space<hbm>>
    %dma_wait3A_1414 = arith.constant 0 : i32
    %dma_wait3A_1415 = tpu.memref_slice %arg4[%add3A_1235, %dma_wait3A_1414] : memref<819200x32xf32, #tpu.memory_space<hbm>> -> memref<1024x32xf32, #tpu.memory_space<hbm>>
    tpu.wait_dma2 semaphore(%arg16 : memref<!tpu.dma_semaphore, #tpu.memory_space<semaphore_mem>>) src(%arg10 : memref<1024x32xf32, #tpu.memory_space<vmem>>) dst(%dma_wait3A_1415 : memref<1024x32xf32, #tpu.memory_space<hbm>>)
    %mul3A_1416 = arith.constant 16384 : i32
    %mul3A_1417 = arith.muli %select_n3A_1393, %mul3A_1416 : i32
    %add3A_1418 = arith.addi %mul3A_1417, %mul3A_1411 : i32
    "tpu.region"() ({
      %run_scoped3A = tpu.sem_alloc : memref<!tpu.dma_semaphore, #tpu.memory_space<semaphore_mem>>
      %dma_start3A_1516 = tpu.memref_slice %arg3[%select_n3A_1393, %mul3A_1411] : memref<50x16384xi32, #tpu.memory_space<hbm>> -> memref<1x1024xi32, #tpu.memory_space<hbm>>
      %dma_start3A_1517 = tpu.memref_squeeze %dma_start3A_1516 : memref<1x1024xi32, #tpu.memory_space<hbm>> -> memref<1024xi32, #tpu.memory_space<hbm>>
      %dma_start3A_1518 = tpu.memref_slice %arg3[%select_n3A_1393, %mul3A_1411] : memref<50x16384xi32, #tpu.memory_space<hbm>> -> memref<1x1024xi32, #tpu.memory_space<hbm>>
      %dma_start3A_1519 = tpu.memref_squeeze %dma_start3A_1518 : memref<1x1024xi32, #tpu.memory_space<hbm>> -> memref<1024xi32, #tpu.memory_space<hbm>>
      tpu.enqueue_dma source(%dma_start3A_1519 : memref<1024xi32, #tpu.memory_space<hbm>>) target(%arg7 : memref<1024xi32, #tpu.memory_space<vmem>>) target_semaphore(%run_scoped3A : memref<!tpu.dma_semaphore, #tpu.memory_space<semaphore_mem>>)
      %dma_wait3A_1520 = tpu.memref_slice %arg3[%select_n3A_1393, %mul3A_1411] : memref<50x16384xi32, #tpu.memory_space<hbm>> -> memref<1x1024xi32, #tpu.memory_space<hbm>>
      %dma_wait3A_1521 = tpu.memref_squeeze %dma_wait3A_1520 : memref<1x1024xi32, #tpu.memory_space<hbm>> -> memref<1024xi32, #tpu.memory_space<hbm>>
      %dma_wait3A_1522 = tpu.memref_slice %arg3[%select_n3A_1393, %mul3A_1411] : memref<50x16384xi32, #tpu.memory_space<hbm>> -> memref<1x1024xi32, #tpu.memory_space<hbm>>
      %dma_wait3A_1523 = tpu.memref_squeeze %dma_wait3A_1522 : memref<1x1024xi32, #tpu.memory_space<hbm>> -> memref<1024xi32, #tpu.memory_space<hbm>>
      tpu.wait_dma2 semaphore(%run_scoped3A : memref<!tpu.dma_semaphore, #tpu.memory_space<semaphore_mem>>) src(%dma_wait3A_1523 : memref<1024xi32, #tpu.memory_space<hbm>>) dst(%arg7 : memref<1024xi32, #tpu.memory_space<vmem>>)
      tpu.yield
    }) : () -> ()
    %dma_start3A_1419 = arith.constant 0 : i32
    %dma_start3A_1420 = arith.constant 0 : i32
    %dma_start3A_1421 = tpu.memref_slice %arg2[%dma_start3A_1419, %dma_start3A_1420] : memref<1048576x32xf32, #tpu.memory_space<hbm>> -> memref<1048576x32xf32, #tpu.memory_space<hbm>>
    tpu.enqueue_indirect_dma source(%dma_start3A_1421 : memref<1048576x32xf32, #tpu.memory_space<hbm>>) target(%arg10 : memref<1024x32xf32, #tpu.memory_space<vmem>>) offsets(%arg7 : memref<1024xi32, #tpu.memory_space<vmem>>) semaphore(%arg13 : memref<!tpu.dma_semaphore, #tpu.memory_space<semaphore_mem>>)
    %dma_wait3A_1422 = arith.constant 0 : i32
    %dma_wait3A_1423 = arith.constant 0 : i32
    %dma_wait3A_1424 = tpu.memref_slice %arg2[%dma_wait3A_1422, %dma_wait3A_1423] : memref<1048576x32xf32, #tpu.memory_space<hbm>> -> memref<1048576x32xf32, #tpu.memory_space<hbm>>
    tpu.wait_indirect_dma semaphore(%arg11 : memref<!tpu.dma_semaphore, #tpu.memory_space<semaphore_mem>>) src(%dma_wait3A_1424 : memref<1048576x32xf32, #tpu.memory_space<hbm>>) dst(%arg8 : memref<1024x32xf32, #tpu.memory_space<vmem>>)
    %dma_start3A_1425 = arith.constant 0 : i32
    %dma_start3A_1426 = tpu.memref_slice %arg4[%add3A_1296, %dma_start3A_1425] : memref<819200x32xf32, #tpu.memory_space<hbm>> -> memref<1024x32xf32, #tpu.memory_space<hbm>>
    %dma_start3A_1427 = arith.constant 0 : i32
    %dma_start3A_1428 = tpu.memref_slice %arg4[%add3A_1296, %dma_start3A_1427] : memref<819200x32xf32, #tpu.memory_space<hbm>> -> memref<1024x32xf32, #tpu.memory_space<hbm>>
    tpu.enqueue_dma source(%arg8 : memref<1024x32xf32, #tpu.memory_space<vmem>>) target(%dma_start3A_1428 : memref<1024x32xf32, #tpu.memory_space<hbm>>) target_semaphore(%arg14 : memref<!tpu.dma_semaphore, #tpu.memory_space<semaphore_mem>>)
    %add3A_1429 = arith.constant 24 : i32
    %add3A_1430 = arith.addi %mul3A_2, %add3A_1429 : i32
    %jit3A_1431 = arith.constant 16 : i32
    %div3A_1432 = arith.divsi %add3A_1430, %jit3A_1431 : i32
    %sign3A_1433 = arith.constant 0 : i32
    %sign3A_1434 = arith.cmpi sgt, %add3A_1430, %sign3A_1433 : i32
    %sign3A_1435 = arith.extui %sign3A_1434 : i1 to i32
    %sign3A_1436 = arith.constant 0 : i32
    %sign3A_1437 = arith.cmpi slt, %add3A_1430, %sign3A_1436 : i32
    %sign3A_1438 = arith.extui %sign3A_1437 : i1 to i32
    %sign3A_1439 = arith.subi %sign3A_1435, %sign3A_1438 : i32
    %sign3A_1440 = arith.constant 0 : i32
    %sign3A_1441 = arith.cmpi sgt, %jit3A_1431, %sign3A_1440 : i32
    %sign3A_1442 = arith.extui %sign3A_1441 : i1 to i32
    %sign3A_1443 = arith.constant 0 : i32
    %sign3A_1444 = arith.cmpi slt, %jit3A_1431, %sign3A_1443 : i32
    %sign3A_1445 = arith.extui %sign3A_1444 : i1 to i32
    %sign3A_1446 = arith.subi %sign3A_1442, %sign3A_1445 : i32
    %ne3A_1447 = arith.cmpi ne, %sign3A_1439, %sign3A_1446 : i32
    %rem3A_1448 = arith.remsi %add3A_1430, %jit3A_1431 : i32
    %ne3A_1449 = arith.constant 0 : i32
    %ne3A_1450 = arith.cmpi ne, %rem3A_1448, %ne3A_1449 : i32
    %and3A_1451 = arith.andi %ne3A_1447, %ne3A_1450 : i1
    %sub3A_1452 = arith.constant 1 : i32
    %sub3A_1453 = arith.subi %div3A_1432, %sub3A_1452 : i32
    %select_n3A_1454 = arith.select %and3A_1451, %sub3A_1453, %div3A_1432 : i32
    %jit3A_1455 = arith.constant 16 : i32
    %eq3A_1456 = arith.constant 0 : i32
    %eq3A_1457 = arith.cmpi eq, %jit3A_1455, %eq3A_1456 : i32
    %jit3A_1458 = arith.constant 1 : i32
    %select_n3A_1459 = arith.select %eq3A_1457, %jit3A_1458, %jit3A_1455 : i32
    %rem3A_1460 = arith.remsi %add3A_1430, %select_n3A_1459 : i32
    %ne3A_1461 = arith.constant 0 : i32
    %ne3A_1462 = arith.cmpi ne, %rem3A_1460, %ne3A_1461 : i32
    %lt3A_1463 = arith.constant 0 : i32
    %lt3A_1464 = arith.cmpi slt, %rem3A_1460, %lt3A_1463 : i32
    %lt3A_1465 = arith.constant 0 : i32
    %lt3A_1466 = arith.cmpi slt, %select_n3A_1459, %lt3A_1465 : i32
    %ne3A_1467 = arith.xori %lt3A_1464, %lt3A_1466 : i1
    %and3A_1468 = arith.andi %ne3A_1467, %ne3A_1462 : i1
    %add3A_1469 = arith.addi %rem3A_1460, %select_n3A_1459 : i32
    %select_n3A_1470 = arith.select %and3A_1468, %add3A_1469, %rem3A_1460 : i32
    %mul3A_1471 = arith.constant 1024 : i32
    %mul3A_1472 = arith.muli %select_n3A_1470, %mul3A_1471 : i32
    %dma_wait3A_1473 = arith.constant 0 : i32
    %dma_wait3A_1474 = tpu.memref_slice %arg4[%add3A_1296, %dma_wait3A_1473] : memref<819200x32xf32, #tpu.memory_space<hbm>> -> memref<1024x32xf32, #tpu.memory_space<hbm>>
    %dma_wait3A_1475 = arith.constant 0 : i32
    %dma_wait3A_1476 = tpu.memref_slice %arg4[%add3A_1296, %dma_wait3A_1475] : memref<819200x32xf32, #tpu.memory_space<hbm>> -> memref<1024x32xf32, #tpu.memory_space<hbm>>
    tpu.wait_dma2 semaphore(%arg14 : memref<!tpu.dma_semaphore, #tpu.memory_space<semaphore_mem>>) src(%arg8 : memref<1024x32xf32, #tpu.memory_space<vmem>>) dst(%dma_wait3A_1476 : memref<1024x32xf32, #tpu.memory_space<hbm>>)
    %mul3A_1477 = arith.constant 16384 : i32
    %mul3A_1478 = arith.muli %select_n3A_1454, %mul3A_1477 : i32
    %add3A_1479 = arith.addi %mul3A_1478, %mul3A_1472 : i32
    "tpu.region"() ({
      %run_scoped3A = tpu.sem_alloc : memref<!tpu.dma_semaphore, #tpu.memory_space<semaphore_mem>>
      %dma_start3A_1516 = tpu.memref_slice %arg3[%select_n3A_1454, %mul3A_1472] : memref<50x16384xi32, #tpu.memory_space<hbm>> -> memref<1x1024xi32, #tpu.memory_space<hbm>>
      %dma_start3A_1517 = tpu.memref_squeeze %dma_start3A_1516 : memref<1x1024xi32, #tpu.memory_space<hbm>> -> memref<1024xi32, #tpu.memory_space<hbm>>
      %dma_start3A_1518 = tpu.memref_slice %arg3[%select_n3A_1454, %mul3A_1472] : memref<50x16384xi32, #tpu.memory_space<hbm>> -> memref<1x1024xi32, #tpu.memory_space<hbm>>
      %dma_start3A_1519 = tpu.memref_squeeze %dma_start3A_1518 : memref<1x1024xi32, #tpu.memory_space<hbm>> -> memref<1024xi32, #tpu.memory_space<hbm>>
      tpu.enqueue_dma source(%dma_start3A_1519 : memref<1024xi32, #tpu.memory_space<hbm>>) target(%arg5 : memref<1024xi32, #tpu.memory_space<vmem>>) target_semaphore(%run_scoped3A : memref<!tpu.dma_semaphore, #tpu.memory_space<semaphore_mem>>)
      %dma_wait3A_1520 = tpu.memref_slice %arg3[%select_n3A_1454, %mul3A_1472] : memref<50x16384xi32, #tpu.memory_space<hbm>> -> memref<1x1024xi32, #tpu.memory_space<hbm>>
      %dma_wait3A_1521 = tpu.memref_squeeze %dma_wait3A_1520 : memref<1x1024xi32, #tpu.memory_space<hbm>> -> memref<1024xi32, #tpu.memory_space<hbm>>
      %dma_wait3A_1522 = tpu.memref_slice %arg3[%select_n3A_1454, %mul3A_1472] : memref<50x16384xi32, #tpu.memory_space<hbm>> -> memref<1x1024xi32, #tpu.memory_space<hbm>>
      %dma_wait3A_1523 = tpu.memref_squeeze %dma_wait3A_1522 : memref<1x1024xi32, #tpu.memory_space<hbm>> -> memref<1024xi32, #tpu.memory_space<hbm>>
      tpu.wait_dma2 semaphore(%run_scoped3A : memref<!tpu.dma_semaphore, #tpu.memory_space<semaphore_mem>>) src(%dma_wait3A_1523 : memref<1024xi32, #tpu.memory_space<hbm>>) dst(%arg5 : memref<1024xi32, #tpu.memory_space<vmem>>)
      tpu.yield
    }) : () -> ()
    %dma_start3A_1480 = arith.constant 0 : i32
    %dma_start3A_1481 = arith.constant 0 : i32
    %dma_start3A_1482 = tpu.memref_slice %arg2[%dma_start3A_1480, %dma_start3A_1481] : memref<1048576x32xf32, #tpu.memory_space<hbm>> -> memref<1048576x32xf32, #tpu.memory_space<hbm>>
    tpu.enqueue_indirect_dma source(%dma_start3A_1482 : memref<1048576x32xf32, #tpu.memory_space<hbm>>) target(%arg8 : memref<1024x32xf32, #tpu.memory_space<vmem>>) offsets(%arg5 : memref<1024xi32, #tpu.memory_space<vmem>>) semaphore(%arg11 : memref<!tpu.dma_semaphore, #tpu.memory_space<semaphore_mem>>)
    %dma_wait3A_1483 = arith.constant 0 : i32
    %dma_wait3A_1484 = arith.constant 0 : i32
    %dma_wait3A_1485 = tpu.memref_slice %arg2[%dma_wait3A_1483, %dma_wait3A_1484] : memref<1048576x32xf32, #tpu.memory_space<hbm>> -> memref<1048576x32xf32, #tpu.memory_space<hbm>>
    tpu.wait_indirect_dma semaphore(%arg12 : memref<!tpu.dma_semaphore, #tpu.memory_space<semaphore_mem>>) src(%dma_wait3A_1485 : memref<1048576x32xf32, #tpu.memory_space<hbm>>) dst(%arg9 : memref<1024x32xf32, #tpu.memory_space<vmem>>)
    %dma_start3A_1486 = arith.constant 0 : i32
    %dma_start3A_1487 = tpu.memref_slice %arg4[%add3A_1357, %dma_start3A_1486] : memref<819200x32xf32, #tpu.memory_space<hbm>> -> memref<1024x32xf32, #tpu.memory_space<hbm>>
    %dma_start3A_1488 = arith.constant 0 : i32
    %dma_start3A_1489 = tpu.memref_slice %arg4[%add3A_1357, %dma_start3A_1488] : memref<819200x32xf32, #tpu.memory_space<hbm>> -> memref<1024x32xf32, #tpu.memory_space<hbm>>
    tpu.enqueue_dma source(%arg9 : memref<1024x32xf32, #tpu.memory_space<vmem>>) target(%dma_start3A_1489 : memref<1024x32xf32, #tpu.memory_space<hbm>>) target_semaphore(%arg15 : memref<!tpu.dma_semaphore, #tpu.memory_space<semaphore_mem>>)
    %dma_wait3A_1490 = arith.constant 0 : i32
    %dma_wait3A_1491 = arith.constant 0 : i32
    %dma_wait3A_1492 = tpu.memref_slice %arg2[%dma_wait3A_1490, %dma_wait3A_1491] : memref<1048576x32xf32, #tpu.memory_space<hbm>> -> memref<1048576x32xf32, #tpu.memory_space<hbm>>
    tpu.wait_indirect_dma semaphore(%arg13 : memref<!tpu.dma_semaphore, #tpu.memory_space<semaphore_mem>>) src(%dma_wait3A_1492 : memref<1048576x32xf32, #tpu.memory_space<hbm>>) dst(%arg10 : memref<1024x32xf32, #tpu.memory_space<vmem>>)
    %dma_start3A_1493 = arith.constant 0 : i32
    %dma_start3A_1494 = tpu.memref_slice %arg4[%add3A_1418, %dma_start3A_1493] : memref<819200x32xf32, #tpu.memory_space<hbm>> -> memref<1024x32xf32, #tpu.memory_space<hbm>>
    %dma_start3A_1495 = arith.constant 0 : i32
    %dma_start3A_1496 = tpu.memref_slice %arg4[%add3A_1418, %dma_start3A_1495] : memref<819200x32xf32, #tpu.memory_space<hbm>> -> memref<1024x32xf32, #tpu.memory_space<hbm>>
    tpu.enqueue_dma source(%arg10 : memref<1024x32xf32, #tpu.memory_space<vmem>>) target(%dma_start3A_1496 : memref<1024x32xf32, #tpu.memory_space<hbm>>) target_semaphore(%arg16 : memref<!tpu.dma_semaphore, #tpu.memory_space<semaphore_mem>>)
    %dma_wait3A_1497 = arith.constant 0 : i32
    %dma_wait3A_1498 = arith.constant 0 : i32
    %dma_wait3A_1499 = tpu.memref_slice %arg2[%dma_wait3A_1497, %dma_wait3A_1498] : memref<1048576x32xf32, #tpu.memory_space<hbm>> -> memref<1048576x32xf32, #tpu.memory_space<hbm>>
    tpu.wait_indirect_dma semaphore(%arg11 : memref<!tpu.dma_semaphore, #tpu.memory_space<semaphore_mem>>) src(%dma_wait3A_1499 : memref<1048576x32xf32, #tpu.memory_space<hbm>>) dst(%arg8 : memref<1024x32xf32, #tpu.memory_space<vmem>>)
    %dma_start3A_1500 = arith.constant 0 : i32
    %dma_start3A_1501 = tpu.memref_slice %arg4[%add3A_1479, %dma_start3A_1500] : memref<819200x32xf32, #tpu.memory_space<hbm>> -> memref<1024x32xf32, #tpu.memory_space<hbm>>
    %dma_start3A_1502 = arith.constant 0 : i32
    %dma_start3A_1503 = tpu.memref_slice %arg4[%add3A_1479, %dma_start3A_1502] : memref<819200x32xf32, #tpu.memory_space<hbm>> -> memref<1024x32xf32, #tpu.memory_space<hbm>>
    tpu.enqueue_dma source(%arg8 : memref<1024x32xf32, #tpu.memory_space<vmem>>) target(%dma_start3A_1503 : memref<1024x32xf32, #tpu.memory_space<hbm>>) target_semaphore(%arg14 : memref<!tpu.dma_semaphore, #tpu.memory_space<semaphore_mem>>)
    %dma_wait3A_1504 = arith.constant 0 : i32
    %dma_wait3A_1505 = tpu.memref_slice %arg4[%add3A_1479, %dma_wait3A_1504] : memref<819200x32xf32, #tpu.memory_space<hbm>> -> memref<1024x32xf32, #tpu.memory_space<hbm>>
    %dma_wait3A_1506 = arith.constant 0 : i32
    %dma_wait3A_1507 = tpu.memref_slice %arg4[%add3A_1479, %dma_wait3A_1506] : memref<819200x32xf32, #tpu.memory_space<hbm>> -> memref<1024x32xf32, #tpu.memory_space<hbm>>
    tpu.wait_dma2 semaphore(%arg14 : memref<!tpu.dma_semaphore, #tpu.memory_space<semaphore_mem>>) src(%arg8 : memref<1024x32xf32, #tpu.memory_space<vmem>>) dst(%dma_wait3A_1507 : memref<1024x32xf32, #tpu.memory_space<hbm>>)
    %dma_wait3A_1508 = arith.constant 0 : i32
    %dma_wait3A_1509 = tpu.memref_slice %arg4[%add3A_1357, %dma_wait3A_1508] : memref<819200x32xf32, #tpu.memory_space<hbm>> -> memref<1024x32xf32, #tpu.memory_space<hbm>>
    %dma_wait3A_1510 = arith.constant 0 : i32
    %dma_wait3A_1511 = tpu.memref_slice %arg4[%add3A_1357, %dma_wait3A_1510] : memref<819200x32xf32, #tpu.memory_space<hbm>> -> memref<1024x32xf32, #tpu.memory_space<hbm>>
    tpu.wait_dma2 semaphore(%arg15 : memref<!tpu.dma_semaphore, #tpu.memory_space<semaphore_mem>>) src(%arg9 : memref<1024x32xf32, #tpu.memory_space<vmem>>) dst(%dma_wait3A_1511 : memref<1024x32xf32, #tpu.memory_space<hbm>>)
    %dma_wait3A_1512 = arith.constant 0 : i32
    %dma_wait3A_1513 = tpu.memref_slice %arg4[%add3A_1418, %dma_wait3A_1512] : memref<819200x32xf32, #tpu.memory_space<hbm>> -> memref<1024x32xf32, #tpu.memory_space<hbm>>
    %dma_wait3A_1514 = arith.constant 0 : i32
    %dma_wait3A_1515 = tpu.memref_slice %arg4[%add3A_1418, %dma_wait3A_1514] : memref<819200x32xf32, #tpu.memory_space<hbm>> -> memref<1024x32xf32, #tpu.memory_space<hbm>>
    tpu.wait_dma2 semaphore(%arg16 : memref<!tpu.dma_semaphore, #tpu.memory_space<semaphore_mem>>) src(%arg10 : memref<1024x32xf32, #tpu.memory_space<vmem>>) dst(%dma_wait3A_1515 : memref<1024x32xf32, #tpu.memory_space<hbm>>)
    return
  }
}

module attributes {stable_mosaic.version = 14 : i64} {
  func.func @body(%arg0: i32, %arg1: memref<32x2048xf32, #tpu.memory_space<vmem>>, %arg2: memref<512x128xf32, #tpu.memory_space<vmem>>) attributes {dimension_semantics = [#tpu.dimension_semantics<parallel>], iteration_bounds = array<i64: 489>, scalar_prefetch = 0 : i64, scratch_operands = 0 : i64, tpu.core_type = #tpu.core_type<tc>, window_params = [{transform_indices = @transform_0, window_bounds = array<i64: 32, 2048>}, {transform_indices = @transform_1, window_bounds = array<i64: 512, 128>}]} {
    %get3A = arith.constant 0 : index
    %get3A_0 = arith.constant 0 : index
    %get3A_1 = vector.load %arg1[%get3A, %get3A_0] : memref<32x2048xf32, #tpu.memory_space<vmem>>, vector<32x2048xf32>
    %slice3A = vector.extract_strided_slice %get3A_1 {offsets = [0, 0], sizes = [32, 512], strides = [1, 1]} : vector<32x2048xf32> to vector<32x512xf32>
    %slice3A_2 = vector.extract_strided_slice %get3A_1 {offsets = [0, 512], sizes = [32, 512], strides = [1, 1]} : vector<32x2048xf32> to vector<32x512xf32>
    %slice3A_3 = vector.extract_strided_slice %get3A_1 {offsets = [0, 1024], sizes = [32, 512], strides = [1, 1]} : vector<32x2048xf32> to vector<32x512xf32>
    %slice3A_4 = vector.extract_strided_slice %get3A_1 {offsets = [0, 1536], sizes = [32, 512], strides = [1, 1]} : vector<32x2048xf32> to vector<32x512xf32>
    %concatenate3A = tpu.concatenate %slice3A, %slice3A_2, %slice3A_3, %slice3A_4 in 0 : vector<32x512xf32>, vector<32x512xf32>, vector<32x512xf32>, vector<32x512xf32> -> vector<128x512xf32>
    %transpose3A = tpu.transpose %concatenate3A, [1, 0] : vector<128x512xf32> -> vector<512x128xf32>
    %swap3A = arith.constant 0 : index
    %swap3A_5 = arith.constant 0 : index
    %swap3A_6 = vector.load %arg2[%swap3A, %swap3A_5] : memref<512x128xf32, #tpu.memory_space<vmem>>, vector<512x128xf32>
    tpu.vector_store %arg2[%swap3A, %swap3A_5], %transpose3A {strides = array<i32>} : memref<512x128xf32, #tpu.memory_space<vmem>>, vector<512x128xf32>,
    return
  }
  func.func @transform_0(%arg0: i32) -> (i32, i32) {
    %c0_i32 = arith.constant 0 : i32
    %c0_i32_0 = arith.constant 0 : i32
    return %c0_i32, %arg0 : i32, i32
  }
  func.func @transform_1(%arg0: i32) -> (i32, i32) {
    %c0_i32 = arith.constant 0 : i32
    %c0_i32_0 = arith.constant 0 : i32
    return %arg0, %c0_i32 : i32, i32
  }
}

module attributes {stable_mosaic.version = 14 : i64} {
  func.func @body(%arg0: i32, %arg1: i32, %arg2: memref<256x128xf32, #tpu.memory_space<vmem>>, %arg3: memref<1x32x1024xf32, #tpu.memory_space<vmem>>) attributes {dimension_semantics = [#tpu.dimension_semantics<parallel>, #tpu.dimension_semantics<parallel>], iteration_bounds = array<i64: 50, 16>, scalar_prefetch = 0 : i64, scratch_operands = 0 : i64, tpu.core_type = #tpu.core_type<tc>, window_params = [{transform_indices = @transform_0, window_bounds = array<i64: 256, 128>}, {transform_indices = @transform_1, window_bounds = array<i64: 1, 32, 1024>}]} {
    %get3A = arith.constant 0 : index
    %get3A_0 = arith.constant 0 : index
    %get3A_1 = vector.load %arg2[%get3A, %get3A_0] : memref<256x128xf32, #tpu.memory_space<vmem>>, vector<256x128xf32>
    %transpose3A = tpu.transpose %get3A_1, [1, 0] : vector<256x128xf32> -> vector<128x256xf32>
    %slice3A = vector.extract_strided_slice %transpose3A {offsets = [0, 0], sizes = [32, 256], strides = [1, 1]} : vector<128x256xf32> to vector<32x256xf32>
    %swap3A = arith.constant 0 : index
    %swap3A_2 = arith.constant 0 : index
    %swap3A_3 = arith.constant 0 : index
    %swap3A_4 = vector.load %arg3[%swap3A, %swap3A_2, %swap3A_3] : memref<1x32x1024xf32, #tpu.memory_space<vmem>>, vector<1x32x256xf32>
    %swap3A_5 = vector.shape_cast %swap3A_4 : vector<1x32x256xf32> to vector<32x256xf32>
    %swap3A_6 = vector.shape_cast %slice3A : vector<32x256xf32> to vector<1x32x256xf32>
    tpu.vector_store %arg3[%swap3A, %swap3A_2, %swap3A_3], %swap3A_6 {strides = array<i32>} : memref<1x32x1024xf32, #tpu.memory_space<vmem>>, vector<1x32x256xf32>,
    %slice3A_7 = vector.extract_strided_slice %transpose3A {offsets = [32, 0], sizes = [32, 256], strides = [1, 1]} : vector<128x256xf32> to vector<32x256xf32>
    %swap3A_8 = arith.constant 0 : index
    %swap3A_9 = arith.constant 0 : index
    %swap3A_10 = arith.constant 256 : index
    %swap3A_11 = vector.load %arg3[%swap3A_8, %swap3A_9, %swap3A_10] : memref<1x32x1024xf32, #tpu.memory_space<vmem>>, vector<1x32x256xf32>
    %swap3A_12 = vector.shape_cast %swap3A_11 : vector<1x32x256xf32> to vector<32x256xf32>
    %swap3A_13 = vector.shape_cast %slice3A_7 : vector<32x256xf32> to vector<1x32x256xf32>
    tpu.vector_store %arg3[%swap3A_8, %swap3A_9, %swap3A_10], %swap3A_13 {strides = array<i32>} : memref<1x32x1024xf32, #tpu.memory_space<vmem>>, vector<1x32x256xf32>,
    %slice3A_14 = vector.extract_strided_slice %transpose3A {offsets = [64, 0], sizes = [32, 256], strides = [1, 1]} : vector<128x256xf32> to vector<32x256xf32>
    %swap3A_15 = arith.constant 0 : index
    %swap3A_16 = arith.constant 0 : index
    %swap3A_17 = arith.constant 512 : index
    %swap3A_18 = vector.load %arg3[%swap3A_15, %swap3A_16, %swap3A_17] : memref<1x32x1024xf32, #tpu.memory_space<vmem>>, vector<1x32x256xf32>
    %swap3A_19 = vector.shape_cast %swap3A_18 : vector<1x32x256xf32> to vector<32x256xf32>
    %swap3A_20 = vector.shape_cast %slice3A_14 : vector<32x256xf32> to vector<1x32x256xf32>
    tpu.vector_store %arg3[%swap3A_15, %swap3A_16, %swap3A_17], %swap3A_20 {strides = array<i32>} : memref<1x32x1024xf32, #tpu.memory_space<vmem>>, vector<1x32x256xf32>,
    %slice3A_21 = vector.extract_strided_slice %transpose3A {offsets = [96, 0], sizes = [32, 256], strides = [1, 1]} : vector<128x256xf32> to vector<32x256xf32>
    %swap3A_22 = arith.constant 0 : index
    %swap3A_23 = arith.constant 0 : index
    %swap3A_24 = arith.constant 768 : index
    %swap3A_25 = vector.load %arg3[%swap3A_22, %swap3A_23, %swap3A_24] : memref<1x32x1024xf32, #tpu.memory_space<vmem>>, vector<1x32x256xf32>
    %swap3A_26 = vector.shape_cast %swap3A_25 : vector<1x32x256xf32> to vector<32x256xf32>
    %swap3A_27 = vector.shape_cast %slice3A_21 : vector<32x256xf32> to vector<1x32x256xf32>
    tpu.vector_store %arg3[%swap3A_22, %swap3A_23, %swap3A_24], %swap3A_27 {strides = array<i32>} : memref<1x32x1024xf32, #tpu.memory_space<vmem>>, vector<1x32x256xf32>,
    return
  }
  func.func @transform_0(%arg0: i32, %arg1: i32) -> (i32, i32) {
    %mul3A = arith.constant 16 : i32
    %mul3A_0 = arith.muli %arg0, %mul3A : i32
    %add3A = arith.addi %mul3A_0, %arg1 : i32
    %c0_i32 = arith.constant 0 : i32
    %c0_i32_1 = arith.constant 0 : i32
    return %add3A, %c0_i32 : i32, i32
  }
  func.func @transform_1(%arg0: i32, %arg1: i32) -> (i32, i32, i32) {
    %c0_i32 = arith.constant 0 : i32
    %c0_i32_0 = arith.constant 0 : i32
    return %arg0, %c0_i32, %arg1 : i32, i32, i32
  }
}

</mosaic_0001>

<sc_bundles>
// kernel: kernel.5.cloned.1.call-start
scs
__scs_entry_jumppad:
0x0: {  	(pc) =	sbr.rel $0x88, $3  }
0x1: {  	(tag) =	ssettag $0x0;
	lr =	simm.s32 $0x1  }
0x2: {  	[smem:$0x3F9F] =	sst lr;
	_ =	strace $0xD0000000  }
0x3: {  	_ = 	snop  }
0x4: {  	_ = 	snop  }
0x5: {  	_ = 	snop  }
0x6: {  	_ = 	snop  }
0x7: {  	_ = 	snop  }
__scs_overlays_trampoline_lowered:
0x8: {  	[smem:$0x3FAE] =	sst s0  }
0x9: {  	[smem:$0x3FAF] =	sst s1  }
0xa: {  	[smem:$0x3FB0] =	sst s2  }
0xb: {  	[smem:$0x3FB1] =	sst s3  }
0xc: {  	[smem:$0x3FB2] =	sst s4  }
0xd: {  	[smem:$0x3FB3] =	sst s5  }
0xe: {  	[smem:$0x3FB4] =	sst s6  }
0xf: {  	[smem:$0x3FB5] =	sst s7  }
0x10: {  	[smem:$0x3FB6] =	sst s8  }
0x11: {  	[smem:$0x3FB7] =	sst s9;
	s0 =	simm.s32 @!p0 $0x0  }
0x12: {  	s1 =	sld [smem:$0x3F9D];
	s0 =	simm.s32 @p0 $0x1  }
0x13: {  	[smem:$0x3FB8] =	sst s0;
	s0 =	simm.s32 @!p1 $0x0  }
0x14: {  	s2 =	sld [smem:$0x3F9C];
	s0 =	simm.s32 @p1 $0x1  }
0x15: {  	[smem:$0x3FB9] =	sst s0;
	s0 =	simm.s32 @!p2 $0x0  }
0x16: {  	s3 =	sld [smem:$0x3FDB];
	s0 =	simm.s32 @p2 $0x1  }
0x17: {  	s4 =	simm.s32 $0x1BF5;
	[smem:$0x3FBB] =	sst s0  }
0x18: {  	s0 =	sld [smem:$0x3F9E];
	_ =	swait.ge [sflag:s4], $0x0  }
0x19: {  	s7 =	sld [smem:$0x3F9F]  }
0x1a: {  	s8 =	sadd.s32 $0xFFFFE003, lr  }
0x1b: {  	s9 =	sadd.s32 $0xFFFFFEF7, lr;
	s5 =	simm.s32 $0xFFFFFFFF;
	p2 =	slt.u32 s8, $0xFFFFF086  }
0x1c: {  	p1 =	slt.u32 s9, $0xF7A;
	s5 =	simm.s32 @!p2 $0x0  }
0x1d: {  	s5 =	simm.s32 @p1 $0x1;
	p0 =	seq.s32 s7, s2  }
0x1e: {  	s7 =	smul.u32 @!p0 $0xF7A, s2;
	p2 =	seq.s32 @!p0 s5, $0x0  }
0x1f: {  	s9 =	smul.u32 $0xF7A, s1;
	s8 =	simm.s32 @!p0 $0x1BF5;
	p2 =	por !p2, p0  }
0x20: {  	[sflag:s8] =	ssyncset.s32 @!p0 $0xFFFFF086;
	s6 =	sadd.s32 @!p0 s3, s7;
	s7 =	simm.s32 @!p0 $0x108  }
0x21: {  	s3 =	sadd.s32 s3, s9;
	s6 =	sadd.s32 @!p0 $0x88, s6;
	s7 =	simm.s32 @p2 $0x1082  }
0x22: {  	[simem:s7], [sflag:s8] =	dma.local @!p0 [hbm:s6], $0xF7A  }
0x23: {  	s9 =	sor.u32 $0xD0000000, s2;
	s6 =	simm.s32 $0x108;
	_ =	swait.ge @!p0 [sflag:s8], $0x0  }
0x24: {  	s3 =	sadd.s32 $0x88, s3;
	s6 =	simm.s32 @!p1 $0x1082;
	[sflag:s4] =	ssyncset.s32 $0xFFFFF086  }
0x25: {  	[simem:s6], [sflag:s4] =	dma.local [hbm:s3], $0xF7A  }
0x26: {  	[smem:$0x3F9F] =	sst s1;
	(tag) =	ssettag s2;
	_ =	strace s9  }
0x27: {  	s1 =	sld [smem:$0x3FAF]  }
0x28: {  	s2 =	sld [smem:$0x3FB0]  }
0x29: {  	s4 =	sld [smem:$0x3FB2]  }
0x2a: {  	p0 =	seq.s32 s5, $0x0;
	s5 =	sld [smem:$0x3FB3]  }
0x2b: {  	s6 =	sld [smem:$0x3FB4]  }
0x2c: {  	s7 =	sld [smem:$0x3FB5]  }
0x2d: {  	s3 =	simm.s32 $0x108;
	s8 =	sld [smem:$0x3FB6]  }
0x2e: {  	s3 =	simm.s32 @!p0 $0x1082;
	s9 =	sld [smem:$0x3FB7]  }
0x2f: {  	lr =	sadd.s32 s0, s3;
	s0 =	sld [smem:$0x3FAE]  }
0x30: {  	s3 =	sld [smem:$0x3FB1]  }
0x31: {  	[smem:$0x3FBA] =	sst s10  }
0x32: {  	s10 =	sld [smem:$0x3FB8];
	_ =	sdelay $0x3  }
0x33: {  	p0 =	seq.s32 s10, $0x1;
	s10 =	sld [smem:$0x3FBA];
	_ =	sdelay $0x3  }
0x34: {  	[smem:$0x3FBA] =	sst s10  }
0x35: {  	s10 =	sld [smem:$0x3FB9];
	_ =	sdelay $0x3  }
0x36: {  	p1 =	seq.s32 s10, $0x1;
	s10 =	sld [smem:$0x3FBA];
	_ =	sdelay $0x3  }
0x37: {  	[smem:$0x3FBA] =	sst s10  }
0x38: {  	s10 =	sld [smem:$0x3FBB]  }
0x39: {  	_ = 	snop;
	(pc) =	sbr.ind lr, $3  }
0x3a: {  	_ = 	snop  }
0x3b: {  	_ = 	snop  }
0x3c: {  	p2 =	seq.s32 s10, $0x1;
	s10 =	sld [smem:$0x3FBA]  }
0x3d: {  	_ =	shalt  }
0x3e: {  	_ =	shalt  }
0x3f: {  	_ =	shalt  }
0x40: {  	_ =	shalt  }
0x41: {  	_ =	shalt  }
0x42: {  	_ =	shalt  }
0x43: {  	_ =	shalt  }
0x44: {  	_ =	shalt  }
0x45: {  	_ =	shalt  }
0x46: {  	_ =	shalt  }
0x47: {  	_ =	shalt  }
0x48: {  	_ =	shalt  }
0x49: {  	_ =	shalt  }
0x4a: {  	_ =	shalt  }
0x4b: {  	_ =	shalt  }
0x4c: {  	_ =	shalt  }
0x4d: {  	_ =	shalt  }
0x4e: {  	_ =	shalt  }
0x4f: {  	_ =	shalt  }
0x50: {  	_ =	shalt  }
0x51: {  	_ =	shalt  }
0x52: {  	_ =	shalt  }
0x53: {  	_ =	shalt  }
0x54: {  	_ =	shalt  }
0x55: {  	_ =	shalt  }
0x56: {  	_ =	shalt  }
0x57: {  	_ =	shalt  }
0x58: {  	_ =	shalt  }
0x59: {  	_ =	shalt  }
0x5a: {  	_ =	shalt  }
0x5b: {  	_ =	shalt  }
0x5c: {  	_ =	shalt  }
0x5d: {  	_ =	shalt  }
0x5e: {  	_ =	shalt  }
0x5f: {  	_ =	shalt  }
0x60: {  	_ =	shalt  }
0x61: {  	_ =	shalt  }
0x62: {  	_ =	shalt  }
0x63: {  	_ =	shalt  }
0x64: {  	_ =	shalt  }
0x65: {  	_ =	shalt  }
0x66: {  	_ =	shalt  }
0x67: {  	_ =	shalt  }
0x68: {  	_ =	shalt  }
0x69: {  	_ =	shalt  }
0x6a: {  	_ =	shalt  }
0x6b: {  	_ =	shalt  }
0x6c: {  	_ =	shalt  }
0x6d: {  	_ =	shalt  }
0x6e: {  	_ =	shalt  }
0x6f: {  	_ =	shalt  }
0x70: {  	_ =	shalt  }
0x71: {  	_ =	shalt  }
0x72: {  	_ =	shalt  }
0x73: {  	_ =	shalt  }
0x74: {  	_ =	shalt  }
0x75: {  	_ =	shalt  }
0x76: {  	_ =	shalt  }
0x77: {  	_ =	shalt  }
0x78: {  	_ =	shalt  }
0x79: {  	_ =	shalt  }
0x7a: {  	_ =	shalt  }
0x7b: {  	_ =	shalt  }
0x7c: {  	_ =	shalt  }
0x7d: {  	_ =	shalt  }
0x7e: {  	_ =	shalt  }
0x7f: {  	_ =	shalt  }
0x80: {  	_ =	shalt  }
0x81: {  	_ =	shalt  }
0x82: {  	_ =	shalt  }
0x83: {  	_ =	shalt  }
0x84: {  	_ =	shalt  }
0x85: {  	_ =	shalt  }
0x86: {  	_ =	shalt  }
0x87: {  	_ =	shalt  }
.Lfunc_end0:
.L_simem_size_0:
called_computation_lowered:
.L_overlay_start_0:
0x88: {  	s2 =	sld [smem:$0x3FD9]  }
0x89: {  	s3 =	sld [smem:$0x3FFE];
	_ =	sdelay $0x1  }
0x8a: {  	s1 =	srdreg.scid  }
0x8b: {  	s0 =	sand.u32 $0x1, s1  }
0x8c: {  	s17 =	sshll.u32 s0, $0xA;
	s2 =	sadd.s32 s3, s2  }
0x8d: {  	s2 =	sadd.s32 s2, s17  }
0x8e: {  	[smem:$0x3FC6] =	sst s2  }
0x8f: {  	_ = 	snop  }
0x90: {  	s2 =	sld [smem:$0x3FD0];
	(tm) =	ssettm $0x1  }
0x91: {  	s18 =	sld [smem:$0x3FFB];
	_ =	sdelay $0x3  }
0x92: {  	_ =	strace s18  }
0x93: {  	s3 =	sld [smem:$0x3FFC];
	_ =	sdelay $0x3  }
0x94: {  	_ =	strace s3  }
0x95: {  	s3 =	sld [smem:$0x3FFD];
	_ =	sdelay $0x3  }
0x96: {  	_ =	strace s3  }
0x97: {  	_ =	strace $0x8FFFFFFF  }
0x98: {  	s19 =	sld [smem:$0x3FDB];
	_ =	sdelay $0x1  }
0x99: {  	s4 =	simm.s32 $_scs_section_size  }
0x9a: {  	s5 =	simm.s32 $_size__tile_overlayer_lowered;
	s6 =	simm.s32 $_tile_overlayer_lowered  }
0x9b: {  	s22 =	simm.s32 $0x1BFF;
	s21 =	sshll.u32 s6, $0x1;
	s3 =	sadd.s32 s4, s19  }
0x9c: {  	s7 =	simm.s32 $0x0;
	s20 =	sshll.u32 s5, $0x1;
	s5 =	sadd.s32 s21, s3  }
0x9d: {  	[timem:s7], [sflag:s22] =	dma.local [hbm:s5], s20  }
0x9e: {  	_ =	swait.ge [sflag:s22], s20  }
0x9f: {  	s4 =	ssub.s32 $0x0, s20;
	[sflag:s22] =	ssyncset.done $0x0  }
0xa0: {  	[sflag:s22] =	ssyncadd.s32 s4;
	_ =	sdelay $0x1  }
0xa1: {  	s23 =	simm.s32 $0x1B8B  }
0xa2: {  	_ =	swait.ge [sflag:s23], $0x1  }
0xa3: {  	[sflag:s23] =	ssyncset.done $0x0  }
0xa4: {  	s25 =	simm.s32 $0x1B8E;
	s24 =	sld [smem:$0x3FFE];
	[sflag:s23] =	ssyncadd.s32 $0xFFFFFFFF  }
0xa5: {  	s26 =	simm.s32 $execute0_lowered;
	[smem:$0x3FD2] =	sst s25  }
0xa6: {  	s5 =	sshll.u32 s26, $0x1;
	_ =	strace $0x80000046;
	[dreg:$0x1] =	wrdreg $0xFFFFFFFF  }
0xa7: {  	s28 =	simm.s32 $_size_execute0_lowered;
	s3 =	sadd.s32 s3, s5;
	[dreg:$0x0] =	wrdreg $0x0  }
0xa8: {  	s5 =	sshll.u32 s28, $0x1;
	[dreg:$0x2] =	wrdreg s3  }
0xa9: {  	[dreg:$0x3] =	wrdreg s5  }
0xaa: {  	[dreg:$0x4] =	wrdreg $0xC0  }
0xab: {  	_ =	task [dreg:s7], $0x5FFFF  }
0xac: {  	[dreg:$0x1] =	wrdreg $0xFFFFFFFF  }
0xad: {  	[dreg:$0x0] =	wrdreg $0x60  }
0xae: {  	[dreg:$0x2] =	wrdreg s24  }
0xaf: {  	[dreg:$0x3] =	wrdreg s2  }
0xb0: {  	[dreg:$0x4] =	wrdreg $0x9  }
0xb1: {  	_ =	task.clear_ibuf [dreg:s7], $0x5FFFF;
	_ =	strace $0x90000046  }
0xb2: {  	s29 =	simm.s32 $0x9;
	_ =	strace $0x80000048  }
0xb3: {  	_ =	swait.ge [sflag:s29], $0x1  }
0xb4: {  	[sflag:s29] =	ssyncadd.s32 $0xFFFFFFFF  }
0xb5: {  	_ =	strace $0x90000048  }
0xb6: {  	_ =	sfence  }
0xb7: {  	s30 =	sld [smem:$0x0];
	_ =	sdelay $0x2  }
0xb8: {  	s31 =	sshll.u32 s1, $0xD;
	s1 =	sshrl.u32 s1, $0x2  }
0xb9: {  	s3 =	sand.u32 $0x4000, s31;
	s1 =	sadd.s32 s1, s30  }
0xba: {  	s0 =	sor.u32 s3, s0;
	s1 =	sshll.u32 s1, $0x11  }
0xbb: {  	s0 =	sor.u32 s1, s0  }
0xbc: {  	s0 =	sadd.s32 $0x8F2B, s0  }
0xbd: {  	[sflag:s0] =	ssyncadd.remote.s32 $0x1  }
0xbe: {  	_ =	sfence.sel $0xFFFF  }
0xbf: {  	[dreg:$0x0] =	wrdreg $0xFFFFFFFF;
	(pc) =	sbr.abs _section_cstart, $3  }
0xc0: {  	[dreg:$0x1] =	wrdreg $0xFFFFFFFF  }
0xc1: {  	_ =	task.clear_ibuf [dreg:s7], $0x2FFFF;
	_ =	strace $0x9FFFFFFF  }
0xc2: {  	(tm) =	ssettm $0x7FFFFFFF  }
0xc3: {  	_ =	shalt  }
tec
execute0_lowered:
.L_overlay_start_1:
0x0: {  	(tag) =	ssettag $0x1  }
0x1: {  	s0 =	srdreg.scid;
	s1 =	stileid.u32  }
0x2: {  	s6 =	sand.u32 $0x1, s0;
	s9 =	sshll.u32 s1, $0x1  }
0x3: {  	s0 =	sor.u32 s6, s9  }
0x4: {  	s3 =	rddreg [dreg:$0x0];
	s2 =	simm.s32 $0x0;
	s4 =	smul.u32 $0x2400, s0  }
0x5: {  	p0 =	por $0x0, $0x0;
	[smem:$0x7FF] =	sst s2;
	s5 =	smul.u32 $0x6400, s0  }
0x6: {  	s1 =	rddreg [dreg:$0x1];
	_ =	strace $0x80000047;
	s6 =	ssub.s32 $0x2, s6  }
0x7: {  	s10 =	sand.u32 $0x3C00, s4;
	s11 =	sand.u32 $0xFC000, s5;
	s4 =	sadd.s32 $0x400400, s3  }
0x8: {  	s8 =	sadd.s32 $0x400, s5;
	s17 =	sadd.s32 $0xC00, s5;
	s24 =	sadd.s32 $0x1400, s5  }
0x9: {  	s26 =	sadd.s32 $0x1800, s5;
	s3 =	sadd.s32 $0x400, s3;
	s7 =	sor.u32 s10, s11  }
0xa: {  	s9 =	sshrl.u32 s8, $0x3;
	s10 =	sadd.s32 $0x800, s5;
	s18 =	sshrl.u32 s17, $0x3  }
0xb: {  	s8 =	sshll.u32 s8, $0x2;
	s11 =	sadd.s32 $0x1000, s5;
	s25 =	sshrl.u32 s24, $0x3  }
0xc: {  	s0 =	sshrl.u32 s7, $0x3;
	s12 =	sadd.s32 s1, s9;
	s13 =	sshrl.u32 s10, $0x3  }
0xd: {  	s15 =	sshll.u32 s7, $0x2;
	s19 =	sadd.s32 s4, s8;
	s20 =	sshrl.u32 s11, $0x3  }
0xe: {  	s22 =	sshll.u32 s10, $0x2;
	s9 =	sshll.u32 s17, $0x2;
	s8 =	sshll.u32 s24, $0x2  }
0xf: {  	s24 =	sadd.s32 $0x2400, s5;
	s7 =	sadd.s32 $0x4000, s7;
	[dreg:$0x4] =	wrdreg s12  }
0x10: {  	s10 =	simm.s32 $0x4;
	s0 =	sadd.s32 s1, s0;
	[dreg:$0x8] =	wrdreg s19  }
0x11: {  	s14 =	sadd.s32 s1, s13;
	s16 =	sadd.s32 s4, s15;
	[dreg:$0x3] =	wrdreg s0  }
0x12: {  	s21 =	sadd.s32 s1, s20;
	s23 =	sadd.s32 s4, s22;
	[dreg:$0x5] =	wrdreg s14  }
0x13: {  	s9 =	sadd.s32 s4, s9;
	s12 =	sshrl.u32 s26, $0x3;
	[dreg:$0x6] =	wrdreg s16  }
0x14: {  	s19 =	sadd.s32 s4, s8;
	s22 =	sshll.u32 s26, $0x2;
	[dreg:$0x9] =	wrdreg s21  }
0x15: {  	s26 =	sadd.s32 $0x2800, s5;
	s8 =	sshll.u32 s24, $0x2;
	[dreg:$0xa] =	wrdreg s23  }
0x16: {  	s0 =	sadd.s32 s1, s18;
	[dreg:$0xc] =	wrdreg s9;
	s13 =	sadd.s32 s1, s12  }
0x17: {  	s14 =	sshll.u32 s11, $0x2;
	s16 =	sadd.s32 $0x1C00, s5;
	s18 =	sadd.s32 $0x2000, s5  }
0x18: {  	[dreg:$0x10] =	wrdreg s19;
	s23 =	sadd.s32 s4, s22;
	s12 =	sshrl.u32 s26, $0x3  }
0x19: {  	s19 =	sadd.s32 s4, s8;
	s22 =	sshll.u32 s26, $0x2;
	[dreg:$0x7] =	wrdreg s0  }
0x1a: {  	s26 =	sadd.s32 $0x3800, s5;
	s0 =	sadd.s32 s1, s25;
	[dreg:$0xd] =	wrdreg s13  }
0x1b: {  	s15 =	sadd.s32 s4, s14;
	s17 =	sshrl.u32 s16, $0x3;
	s20 =	sshrl.u32 s18, $0x3  }
0x1c: {  	[dreg:$0x12] =	wrdreg s23;
	s25 =	sshrl.u32 s24, $0x3;
	s9 =	sshll.u32 s16, $0x2  }
0x1d: {  	s13 =	sadd.s32 s1, s12;
	s14 =	sshll.u32 s18, $0x2;
	s16 =	sadd.s32 $0x2C00, s5  }
0x1e: {  	s18 =	sadd.s32 $0x3000, s5;
	[dreg:$0x18] =	wrdreg s19;
	s23 =	sadd.s32 s4, s22  }
0x1f: {  	s24 =	sadd.s32 $0x3400, s5;
	s12 =	sshrl.u32 s26, $0x3;
	[dreg:$0xb] =	wrdreg s0  }
0x20: {  	s19 =	sshrl.u32 s7, $0x3;
	[dreg:$0xe] =	wrdreg s15;
	s0 =	sadd.s32 s1, s17  }
0x21: {  	s21 =	sadd.s32 s1, s20;
	s9 =	sadd.s32 s4, s9;
	[dreg:$0x15] =	wrdreg s13  }
0x22: {  	s15 =	sadd.s32 s4, s14;
	s17 =	sshrl.u32 s16, $0x3;
	[dreg:$0x1a] =	wrdreg s23  }
0x23: {  	s20 =	sshrl.u32 s18, $0x3;
	s13 =	sadd.s32 s1, s12;
	[dreg:$0xf] =	wrdreg s0  }
0x24: {  	s14 =	sshll.u32 s18, $0x2;
	s8 =	sshll.u32 s24, $0x2;
	[dreg:$0x11] =	wrdreg s21  }
0x25: {  	s23 =	sadd.s32 $0x4400, s5;
	s0 =	sadd.s32 s1, s25;
	[dreg:$0x14] =	wrdreg s9  }
0x26: {  	[dreg:$0x16] =	wrdreg s15;
	s21 =	sadd.s32 s1, s20;
	s25 =	sshrl.u32 s24, $0x3  }
0x27: {  	s9 =	sshll.u32 s16, $0x2;
	[dreg:$0x1d] =	wrdreg s13;
	s15 =	sadd.s32 s4, s14  }
0x28: {  	s16 =	sadd.s32 $0x3C00, s5;
	s18 =	sadd.s32 s4, s8;
	[dreg:$0x13] =	wrdreg s0  }
0x29: {  	s20 =	sadd.s32 s1, s19;
	s24 =	sshrl.u32 s6, $0x1;
	[dreg:$0x19] =	wrdreg s21  }
0x2a: {  	s8 =	sshll.u32 s23, $0x2;
	s0 =	sadd.s32 s1, s17;
	[dreg:$0x1e] =	wrdreg s15  }
0x2b: {  	s9 =	sadd.s32 s4, s9;
	s17 =	sshrl.u32 s16, $0x3;
	[smem:$0x7F8] =	sst s18  }
0x2c: {  	s21 =	sshll.u32 s26, $0x2;
	[smem:$0x7F9] =	sst s20;
	s26 =	sadd.s32 $0x4800, s5  }
0x2d: {  	s6 =	ssub.s32 s6, s24;
	s15 =	sshll.u32 s7, $0x2;
	s28 =	sadd.s32 s4, s8  }
0x2e: {  	s18 =	sadd.s32 $0x5000, s5;
	s24 =	sadd.s32 $0x5800, s5;
	[dreg:$0x17] =	wrdreg s0  }
0x2f: {  	s8 =	simm.s32 $0x6;
	s0 =	sadd.s32 s1, s25;
	[dreg:$0x1c] =	wrdreg s9  }
0x30: {  	s22 =	sadd.s32 s4, s21;
	s25 =	sshrl.u32 s23, $0x3;
	s9 =	sshll.u32 s16, $0x2  }
0x31: {  	s13 =	sshrl.u32 s26, $0x3;
	s16 =	sadd.s32 $0x4C00, s5;
	s31 =	sadd.s32 s4, s15  }
0x32: {  	s19 =	sshrl.u32 s18, $0x3;
	s20 =	sshll.u32 s26, $0x2;
	s21 =	sadd.s32 $0x5400, s5  }
0x33: {  	s11 =	sshrl.u32 s24, $0x3;
	[dreg:$0x1b] =	wrdreg s0;
	s0 =	sadd.s32 s1, s17  }
0x34: {  	[smem:$0x7FA] =	sst s22;
	s12 =	sadd.s32 s4, s9;
	s14 =	sadd.s32 s1, s13  }
0x35: {  	s17 =	sshrl.u32 s16, $0x3;
	s29 =	sadd.s32 s1, s19;
	s26 =	sadd.s32 s4, s20  }
0x36: {  	s23 =	sshrl.u32 s21, $0x3;
	s7 =	sshll.u32 s16, $0x2;
	s22 =	sadd.s32 s1, s11  }
0x37: {  	s15 =	sshll.u32 s21, $0x2;
	s16 =	sadd.s32 $0x6000, s5;
	[dreg:$0x1f] =	wrdreg s0  }
0x38: {  	s21 =	smax.u32 s6, $0x1;
	s6 =	simm.s32 $0xC00;
	[smem:$0x7FC] =	sst s12  }
0x39: {  	s9 =	simm.s32 $0x5;
	s0 =	sadd.s32 s1, s25;
	[smem:$0x7FD] =	sst s14  }
0x3a: {  	s30 =	sadd.s32 s1, s17;
	s25 =	sadd.s32 s1, s23;
	s23 =	sadd.s32 s4, s7  }
0x3b: {  	s12 =	sadd.s32 $0x5C00, s5;
	s13 =	sadd.s32 s4, s15;
	s5 =	sshrl.u32 s16, $0x3  }
0x3c: {  	s17 =	sshll.u32 s24, $0x2;
	s20 =	sshll.u32 s16, $0x2;
	s16 =	simm.s32 $0x7  }
0x3d: {  	s15 =	simm.s32 $0x8C00;
	s24 =	simm.s32 $0x800;
	p1 =	sne.s32 s21, $0x1  }
0x3e: {  	[smem:$0x7FB] =	sst s0;
	s0 =	sshll.u32 s18, $0x2;
	s14 =	sshrl.u32 s12, $0x3  }
.Ltmp0:
0x3f: {  	s11 =	sadd.s32 s1, s5;
	s7 =	sadd.s32 s4, s17;
	(pc) =	sbr.rel @!p1 .LBB2_3-.Ltmp0, $4  }
0x40: {  	s17 =	simm.s32 $0x400;
	s18 =	sadd.s32 s4, s0;
	s19 =	sadd.s32 s1, s14  }
0x41: {  	s0 =	sshll.u32 s12, $0x2;
	s12 =	simm.s32 $0x10C00;
	s1 =	sadd.s32 $0xFFFFFFFF, s21  }
0x42: {  	s14 =	simm.s32 $0x1;
	s21 =	simm.s32 $0x2;
	s5 =	sadd.s32 s4, s0  }
0x43: {  	s4 =	sadd.s32 s4, s20;
	s20 =	simm.s32 $0x3;
	s0 =	rddreg [dreg:$0x3]  }
0x44: {  	[tilespmem:s2], [sflag:$0x7] =	stream.linear.gather [hbm4b:s0+s2], $0x400, $0x38;
	[tilespmem:$0x18C00] =	vst v63  }
0x45: {  	_ =	swait.ge [sflag:s16], $0x400  }
0x46: {  	[sflag:s16] =	ssyncset.done $0x0  }
0x47: {  	[sflag:s16] =	ssyncadd.s32 $0xFFFFFC00  }
0x48: {  	[tilespmem:s6], [sflag:$0x1] =	stream.indirect.gather [hbm4b:s3+s17], $0x20, s2, s17, $0xb8;
	[tilespmem:$0x18C00] =	vst v63  }
0x49: {  	s0 =	rddreg [dreg:$0x4]  }
0x4a: {  	[tilespmem:s17], [sflag:$0x7] =	stream.linear.gather [hbm4b:s0+s2], $0x400, $0x38;
	[tilespmem:$0x18C00] =	vst v63  }
0x4b: {  	_ =	swait.ge [sflag:s16], $0x400  }
0x4c: {  	[sflag:s16] =	ssyncset.done $0x0  }
0x4d: {  	[sflag:s16] =	ssyncadd.s32 $0xFFFFFC00  }
0x4e: {  	[tilespmem:s15], [sflag:$0x2] =	stream.indirect.gather [hbm4b:s3+s17], $0x20, s17, s17, $0xb8;
	[tilespmem:$0x18C00] =	vst v63  }
0x4f: {  	s0 =	rddreg [dreg:$0x5]  }
0x50: {  	[tilespmem:s24], [sflag:$0x7] =	stream.linear.gather [hbm4b:s0+s2], $0x400, $0x38;
	[tilespmem:$0x18C00] =	vst v63  }
0x51: {  	_ =	swait.ge [sflag:s16], $0x400  }
0x52: {  	[sflag:s16] =	ssyncset.done $0x0  }
0x53: {  	[sflag:s16] =	ssyncadd.s32 $0xFFFFFC00  }
0x54: {  	[tilespmem:s12], [sflag:$0x3] =	stream.indirect.gather [hbm4b:s3+s17], $0x20, s24, s17, $0xb8;
	[tilespmem:$0x18C00] =	vst v63  }
0x55: {  	_ =	swait.ge [sflag:s14], $0x8000  }
0x56: {  	[sflag:s14] =	ssyncset.done $0x0  }
0x57: {  	s0 =	rddreg [dreg:$0x6];
	[sflag:s14] =	ssyncadd.s32 $0xFFFF8000  }
0x58: {  	[hbm4b:s0+s2] =	stream.linear.scatter [tilespmem:s6], [sflag:$0x4], $0x8000, $0x38;
	[tilespmem:$0x18C00] =	vst v63  }
0x59: {  	_ =	swait.ge [sflag:s10], $0x8000  }
0x5a: {  	[sflag:s10] =	ssyncset.done $0x0  }
0x5b: {  	s0 =	rddreg [dreg:$0x7];
	[sflag:s10] =	ssyncadd.s32 $0xFFFF8000  }
0x5c: {  	[tilespmem:s2], [sflag:$0x7] =	stream.linear.gather [hbm4b:s0+s2], $0x400, $0x38;
	[tilespmem:$0x18C00] =	vst v63  }
0x5d: {  	_ =	swait.ge [sflag:s16], $0x400  }
0x5e: {  	[sflag:s16] =	ssyncset.done $0x0  }
0x5f: {  	[sflag:s16] =	ssyncadd.s32 $0xFFFFFC00  }
0x60: {  	[tilespmem:s6], [sflag:$0x1] =	stream.indirect.gather [hbm4b:s3+s17], $0x20, s2, s17, $0xb8;
	[tilespmem:$0x18C00] =	vst v63  }
0x61: {  	_ =	swait.ge [sflag:s21], $0x8000  }
0x62: {  	[sflag:s21] =	ssyncset.done $0x0  }
0x63: {  	s0 =	rddreg [dreg:$0x8];
	[sflag:s21] =	ssyncadd.s32 $0xFFFF8000  }
0x64: {  	[hbm4b:s0+s2] =	stream.linear.scatter [tilespmem:s15], [sflag:$0x5], $0x8000, $0x38;
	[tilespmem:$0x18C00] =	vst v63  }
0x65: {  	_ =	swait.ge [sflag:s9], $0x8000  }
0x66: {  	[sflag:s9] =	ssyncset.done $0x0  }
0x67: {  	s0 =	rddreg [dreg:$0x9];
	[sflag:s9] =	ssyncadd.s32 $0xFFFF8000  }
0x68: {  	[tilespmem:s17], [sflag:$0x7] =	stream.linear.gather [hbm4b:s0+s2], $0x400, $0x38;
	[tilespmem:$0x18C00] =	vst v63  }
0x69: {  	_ =	swait.ge [sflag:s16], $0x400  }
0x6a: {  	[sflag:s16] =	ssyncset.done $0x0  }
0x6b: {  	[sflag:s16] =	ssyncadd.s32 $0xFFFFFC00  }
0x6c: {  	[tilespmem:s15], [sflag:$0x2] =	stream.indirect.gather [hbm4b:s3+s17], $0x20, s17, s17, $0xb8;
	[tilespmem:$0x18C00] =	vst v63  }
0x6d: {  	_ =	swait.ge [sflag:s20], $0x8000  }
0x6e: {  	[sflag:s20] =	ssyncset.done $0x0  }
0x6f: {  	s0 =	rddreg [dreg:$0xa];
	[sflag:s20] =	ssyncadd.s32 $0xFFFF8000  }
0x70: {  	[hbm4b:s0+s2] =	stream.linear.scatter [tilespmem:s12], [sflag:$0x6], $0x8000, $0x38;
	[tilespmem:$0x18C00] =	vst v63  }
0x71: {  	_ =	swait.ge [sflag:s8], $0x8000  }
0x72: {  	[sflag:s8] =	ssyncset.done $0x0  }
0x73: {  	s0 =	rddreg [dreg:$0xb];
	[sflag:s8] =	ssyncadd.s32 $0xFFFF8000  }
0x74: {  	[tilespmem:s24], [sflag:$0x7] =	stream.linear.gather [hbm4b:s0+s2], $0x400, $0x38;
	[tilespmem:$0x18C00] =	vst v63  }
0x75: {  	_ =	swait.ge [sflag:s16], $0x400  }
0x76: {  	[sflag:s16] =	ssyncset.done $0x0  }
0x77: {  	[sflag:s16] =	ssyncadd.s32 $0xFFFFFC00  }
0x78: {  	[tilespmem:s12], [sflag:$0x3] =	stream.indirect.gather [hbm4b:s3+s17], $0x20, s24, s17, $0xb8;
	[tilespmem:$0x18C00] =	vst v63  }
0x79: {  	_ =	swait.ge [sflag:s14], $0x8000  }
0x7a: {  	[sflag:s14] =	ssyncset.done $0x0  }
0x7b: {  	s0 =	rddreg [dreg:$0xc];
	[sflag:s14] =	ssyncadd.s32 $0xFFFF8000  }
0x7c: {  	[hbm4b:s0+s2] =	stream.linear.scatter [tilespmem:s6], [sflag:$0x4], $0x8000, $0x38;
	[tilespmem:$0x18C00] =	vst v63  }
0x7d: {  	_ =	swait.ge [sflag:s10], $0x8000  }
0x7e: {  	[sflag:s10] =	ssyncset.done $0x0  }
0x7f: {  	s0 =	rddreg [dreg:$0xd];
	[sflag:s10] =	ssyncadd.s32 $0xFFFF8000  }
0x80: {  	[tilespmem:s2], [sflag:$0x7] =	stream.linear.gather [hbm4b:s0+s2], $0x400, $0x38;
	[tilespmem:$0x18C00] =	vst v63  }
0x81: {  	_ =	swait.ge [sflag:s16], $0x400  }
0x82: {  	[sflag:s16] =	ssyncset.done $0x0  }
0x83: {  	[sflag:s16] =	ssyncadd.s32 $0xFFFFFC00  }
0x84: {  	[tilespmem:s6], [sflag:$0x1] =	stream.indirect.gather [hbm4b:s3+s17], $0x20, s2, s17, $0xb8;
	[tilespmem:$0x18C00] =	vst v63  }
0x85: {  	_ =	swait.ge [sflag:s21], $0x8000  }
0x86: {  	[sflag:s21] =	ssyncset.done $0x0  }
0x87: {  	s0 =	rddreg [dreg:$0xe];
	[sflag:s21] =	ssyncadd.s32 $0xFFFF8000  }
0x88: {  	[hbm4b:s0+s2] =	stream.linear.scatter [tilespmem:s15], [sflag:$0x5], $0x8000, $0x38;
	[tilespmem:$0x18C00] =	vst v63  }
0x89: {  	_ =	swait.ge [sflag:s9], $0x8000  }
0x8a: {  	[sflag:s9] =	ssyncset.done $0x0  }
0x8b: {  	s0 =	rddreg [dreg:$0xf];
	[sflag:s9] =	ssyncadd.s32 $0xFFFF8000  }
0x8c: {  	[tilespmem:s17], [sflag:$0x7] =	stream.linear.gather [hbm4b:s0+s2], $0x400, $0x38;
	[tilespmem:$0x18C00] =	vst v63  }
0x8d: {  	_ =	swait.ge [sflag:s16], $0x400  }
0x8e: {  	[sflag:s16] =	ssyncset.done $0x0  }
0x8f: {  	[sflag:s16] =	ssyncadd.s32 $0xFFFFFC00  }
0x90: {  	[tilespmem:s15], [sflag:$0x2] =	stream.indirect.gather [hbm4b:s3+s17], $0x20, s17, s17, $0xb8;
	[tilespmem:$0x18C00] =	vst v63  }
0x91: {  	_ =	swait.ge [sflag:s20], $0x8000  }
0x92: {  	[sflag:s20] =	ssyncset.done $0x0  }
0x93: {  	s0 =	rddreg [dreg:$0x10];
	[sflag:s20] =	ssyncadd.s32 $0xFFFF8000  }
0x94: {  	[hbm4b:s0+s2] =	stream.linear.scatter [tilespmem:s12], [sflag:$0x6], $0x8000, $0x38;
	[tilespmem:$0x18C00] =	vst v63  }
0x95: {  	_ =	swait.ge [sflag:s8], $0x8000  }
0x96: {  	[sflag:s8] =	ssyncset.done $0x0  }
0x97: {  	s0 =	rddreg [dreg:$0x11];
	[sflag:s8] =	ssyncadd.s32 $0xFFFF8000  }
0x98: {  	[tilespmem:s24], [sflag:$0x7] =	stream.linear.gather [hbm4b:s0+s2], $0x400, $0x38;
	[tilespmem:$0x18C00] =	vst v63  }
0x99: {  	_ =	swait.ge [sflag:s16], $0x400  }
0x9a: {  	[sflag:s16] =	ssyncset.done $0x0  }
0x9b: {  	[sflag:s16] =	ssyncadd.s32 $0xFFFFFC00  }
0x9c: {  	[tilespmem:s12], [sflag:$0x3] =	stream.indirect.gather [hbm4b:s3+s17], $0x20, s24, s17, $0xb8;
	[tilespmem:$0x18C00] =	vst v63  }
0x9d: {  	_ =	swait.ge [sflag:s14], $0x8000  }
0x9e: {  	[sflag:s14] =	ssyncset.done $0x0  }
0x9f: {  	s0 =	rddreg [dreg:$0x12];
	[sflag:s14] =	ssyncadd.s32 $0xFFFF8000  }
0xa0: {  	[hbm4b:s0+s2] =	stream.linear.scatter [tilespmem:s6], [sflag:$0x4], $0x8000, $0x38;
	[tilespmem:$0x18C00] =	vst v63  }
0xa1: {  	_ =	swait.ge [sflag:s10], $0x8000  }
0xa2: {  	[sflag:s10] =	ssyncset.done $0x0  }
0xa3: {  	s0 =	rddreg [dreg:$0x13];
	[sflag:s10] =	ssyncadd.s32 $0xFFFF8000  }
0xa4: {  	[tilespmem:s2], [sflag:$0x7] =	stream.linear.gather [hbm4b:s0+s2], $0x400, $0x38;
	[tilespmem:$0x18C00] =	vst v63  }
0xa5: {  	_ =	swait.ge [sflag:s16], $0x400  }
0xa6: {  	[sflag:s16] =	ssyncset.done $0x0  }
0xa7: {  	[sflag:s16] =	ssyncadd.s32 $0xFFFFFC00  }
0xa8: {  	[tilespmem:s6], [sflag:$0x1] =	stream.indirect.gather [hbm4b:s3+s17], $0x20, s2, s17, $0xb8;
	[tilespmem:$0x18C00] =	vst v63  }
0xa9: {  	_ =	swait.ge [sflag:s21], $0x8000  }
0xaa: {  	[sflag:s21] =	ssyncset.done $0x0  }
0xab: {  	s0 =	rddreg [dreg:$0x14];
	[sflag:s21] =	ssyncadd.s32 $0xFFFF8000  }
0xac: {  	[hbm4b:s0+s2] =	stream.linear.scatter [tilespmem:s15], [sflag:$0x5], $0x8000, $0x38;
	[tilespmem:$0x18C00] =	vst v63  }
0xad: {  	_ =	swait.ge [sflag:s9], $0x8000  }
0xae: {  	[sflag:s9] =	ssyncset.done $0x0  }
0xaf: {  	s0 =	rddreg [dreg:$0x15];
	[sflag:s9] =	ssyncadd.s32 $0xFFFF8000  }
0xb0: {  	[tilespmem:s17], [sflag:$0x7] =	stream.linear.gather [hbm4b:s0+s2], $0x400, $0x38;
	[tilespmem:$0x18C00] =	vst v63  }
0xb1: {  	_ =	swait.ge [sflag:s16], $0x400  }
0xb2: {  	[sflag:s16] =	ssyncset.done $0x0  }
0xb3: {  	[sflag:s16] =	ssyncadd.s32 $0xFFFFFC00  }
0xb4: {  	[tilespmem:s15], [sflag:$0x2] =	stream.indirect.gather [hbm4b:s3+s17], $0x20, s17, s17, $0xb8;
	[tilespmem:$0x18C00] =	vst v63  }
0xb5: {  	_ =	swait.ge [sflag:s20], $0x8000  }
0xb6: {  	[sflag:s20] =	ssyncset.done $0x0  }
0xb7: {  	s0 =	rddreg [dreg:$0x16];
	[sflag:s20] =	ssyncadd.s32 $0xFFFF8000  }
0xb8: {  	[hbm4b:s0+s2] =	stream.linear.scatter [tilespmem:s12], [sflag:$0x6], $0x8000, $0x38;
	[tilespmem:$0x18C00] =	vst v63  }
0xb9: {  	_ =	swait.ge [sflag:s8], $0x8000  }
0xba: {  	[sflag:s8] =	ssyncset.done $0x0  }
0xbb: {  	s0 =	rddreg [dreg:$0x17];
	[sflag:s8] =	ssyncadd.s32 $0xFFFF8000  }
0xbc: {  	[tilespmem:s24], [sflag:$0x7] =	stream.linear.gather [hbm4b:s0+s2], $0x400, $0x38;
	[tilespmem:$0x18C00] =	vst v63  }
0xbd: {  	_ =	swait.ge [sflag:s16], $0x400  }
0xbe: {  	[sflag:s16] =	ssyncset.done $0x0  }
0xbf: {  	[sflag:s16] =	ssyncadd.s32 $0xFFFFFC00  }
0xc0: {  	[tilespmem:s12], [sflag:$0x3] =	stream.indirect.gather [hbm4b:s3+s17], $0x20, s24, s17, $0xb8;
	[tilespmem:$0x18C00] =	vst v63  }
0xc1: {  	_ =	swait.ge [sflag:s14], $0x8000  }
0xc2: {  	[sflag:s14] =	ssyncset.done $0x0  }
0xc3: {  	s0 =	rddreg [dreg:$0x18];
	[sflag:s14] =	ssyncadd.s32 $0xFFFF8000  }
0xc4: {  	[hbm4b:s0+s2] =	stream.linear.scatter [tilespmem:s6], [sflag:$0x4], $0x8000, $0x38;
	[tilespmem:$0x18C00] =	vst v63  }
0xc5: {  	_ =	swait.ge [sflag:s10], $0x8000  }
0xc6: {  	[sflag:s10] =	ssyncset.done $0x0  }
0xc7: {  	s0 =	rddreg [dreg:$0x19];
	[sflag:s10] =	ssyncadd.s32 $0xFFFF8000  }
0xc8: {  	[tilespmem:s2], [sflag:$0x7] =	stream.linear.gather [hbm4b:s0+s2], $0x400, $0x38;
	[tilespmem:$0x18C00] =	vst v63  }
0xc9: {  	_ =	swait.ge [sflag:s16], $0x400  }
0xca: {  	[sflag:s16] =	ssyncset.done $0x0  }
0xcb: {  	[sflag:s16] =	ssyncadd.s32 $0xFFFFFC00  }
0xcc: {  	[tilespmem:s6], [sflag:$0x1] =	stream.indirect.gather [hbm4b:s3+s17], $0x20, s2, s17, $0xb8;
	[tilespmem:$0x18C00] =	vst v63  }
0xcd: {  	_ =	swait.ge [sflag:s21], $0x8000  }
0xce: {  	[sflag:s21] =	ssyncset.done $0x0  }
0xcf: {  	s0 =	rddreg [dreg:$0x1a];
	[sflag:s21] =	ssyncadd.s32 $0xFFFF8000  }
0xd0: {  	[hbm4b:s0+s2] =	stream.linear.scatter [tilespmem:s15], [sflag:$0x5], $0x8000, $0x38;
	[tilespmem:$0x18C00] =	vst v63  }
0xd1: {  	_ =	swait.ge [sflag:s9], $0x8000  }
0xd2: {  	[sflag:s9] =	ssyncset.done $0x0  }
0xd3: {  	s0 =	rddreg [dreg:$0x1b];
	[sflag:s9] =	ssyncadd.s32 $0xFFFF8000  }
0xd4: {  	[tilespmem:s17], [sflag:$0x7] =	stream.linear.gather [hbm4b:s0+s2], $0x400, $0x38;
	[tilespmem:$0x18C00] =	vst v63  }
0xd5: {  	_ =	swait.ge [sflag:s16], $0x400  }
0xd6: {  	[sflag:s16] =	ssyncset.done $0x0  }
0xd7: {  	[sflag:s16] =	ssyncadd.s32 $0xFFFFFC00  }
0xd8: {  	[tilespmem:s15], [sflag:$0x2] =	stream.indirect.gather [hbm4b:s3+s17], $0x20, s17, s17, $0xb8;
	[tilespmem:$0x18C00] =	vst v63  }
0xd9: {  	_ =	swait.ge [sflag:s20], $0x8000  }
0xda: {  	[sflag:s20] =	ssyncset.done $0x0  }
0xdb: {  	s0 =	rddreg [dreg:$0x1c];
	[sflag:s20] =	ssyncadd.s32 $0xFFFF8000  }
0xdc: {  	[hbm4b:s0+s2] =	stream.linear.scatter [tilespmem:s12], [sflag:$0x6], $0x8000, $0x38;
	[tilespmem:$0x18C00] =	vst v63  }
0xdd: {  	_ =	swait.ge [sflag:s8], $0x8000  }
0xde: {  	[sflag:s8] =	ssyncset.done $0x0  }
0xdf: {  	s0 =	rddreg [dreg:$0x1d];
	[sflag:s8] =	ssyncadd.s32 $0xFFFF8000  }
0xe0: {  	[tilespmem:s24], [sflag:$0x7] =	stream.linear.gather [hbm4b:s0+s2], $0x400, $0x38;
	[tilespmem:$0x18C00] =	vst v63  }
0xe1: {  	_ =	swait.ge [sflag:s16], $0x400  }
0xe2: {  	[sflag:s16] =	ssyncset.done $0x0  }
0xe3: {  	[sflag:s16] =	ssyncadd.s32 $0xFFFFFC00  }
0xe4: {  	[tilespmem:s12], [sflag:$0x3] =	stream.indirect.gather [hbm4b:s3+s17], $0x20, s24, s17, $0xb8;
	[tilespmem:$0x18C00] =	vst v63  }
0xe5: {  	_ =	swait.ge [sflag:s14], $0x8000  }
0xe6: {  	[sflag:s14] =	ssyncset.done $0x0  }
0xe7: {  	s0 =	rddreg [dreg:$0x1e];
	[sflag:s14] =	ssyncadd.s32 $0xFFFF8000  }
0xe8: {  	[hbm4b:s0+s2] =	stream.linear.scatter [tilespmem:s6], [sflag:$0x4], $0x8000, $0x38;
	[tilespmem:$0x18C00] =	vst v63  }
0xe9: {  	_ =	swait.ge [sflag:s10], $0x8000  }
0xea: {  	[sflag:s10] =	ssyncset.done $0x0  }
0xeb: {  	s0 =	rddreg [dreg:$0x1f];
	[sflag:s10] =	ssyncadd.s32 $0xFFFF8000  }
0xec: {  	[tilespmem:s2], [sflag:$0x7] =	stream.linear.gather [hbm4b:s0+s2], $0x400, $0x38;
	[tilespmem:$0x18C00] =	vst v63  }
0xed: {  	_ =	swait.ge [sflag:s16], $0x400  }
0xee: {  	[sflag:s16] =	ssyncset.done $0x0  }
0xef: {  	[sflag:s16] =	ssyncadd.s32 $0xFFFFFC00  }
0xf0: {  	[tilespmem:s6], [sflag:$0x1] =	stream.indirect.gather [hbm4b:s3+s17], $0x20, s2, s17, $0xb8;
	[tilespmem:$0x18C00] =	vst v63  }
0xf1: {  	_ =	swait.ge [sflag:s21], $0x8000  }
0xf2: {  	s0 =	sld [smem:$0x7F8]  }
0xf3: {  	[sflag:s21] =	ssyncset.done $0x0  }
0xf4: {  	[sflag:s21] =	ssyncadd.s32 $0xFFFF8000  }
0xf5: {  	[hbm4b:s0+s2] =	stream.linear.scatter [tilespmem:s15], [sflag:$0x5], $0x8000, $0x38;
	[tilespmem:$0x18C00] =	vst v63  }
0xf6: {  	_ =	swait.ge [sflag:s9], $0x8000  }
0xf7: {  	s0 =	sld [smem:$0x7F9]  }
0xf8: {  	[sflag:s9] =	ssyncset.done $0x0  }
0xf9: {  	[sflag:s9] =	ssyncadd.s32 $0xFFFF8000  }
0xfa: {  	[tilespmem:s17], [sflag:$0x7] =	stream.linear.gather [hbm4b:s0+s2], $0x400, $0x38;
	[tilespmem:$0x18C00] =	vst v63  }
0xfb: {  	_ =	swait.ge [sflag:s16], $0x400  }
0xfc: {  	[sflag:s16] =	ssyncset.done $0x0  }
0xfd: {  	[sflag:s16] =	ssyncadd.s32 $0xFFFFFC00  }
0xfe: {  	[tilespmem:s15], [sflag:$0x2] =	stream.indirect.gather [hbm4b:s3+s17], $0x20, s17, s17, $0xb8;
	[tilespmem:$0x18C00] =	vst v63  }
0xff: {  	_ =	swait.ge [sflag:s20], $0x8000  }
0x100: {  	s0 =	sld [smem:$0x7FA]  }
0x101: {  	[sflag:s20] =	ssyncset.done $0x0  }
0x102: {  	[sflag:s20] =	ssyncadd.s32 $0xFFFF8000  }
0x103: {  	[hbm4b:s0+s2] =	stream.linear.scatter [tilespmem:s12], [sflag:$0x6], $0x8000, $0x38;
	[tilespmem:$0x18C00] =	vst v63  }
0x104: {  	_ =	swait.ge [sflag:s8], $0x8000  }
0x105: {  	s0 =	sld [smem:$0x7FB]  }
0x106: {  	[sflag:s8] =	ssyncset.done $0x0  }
0x107: {  	[sflag:s8] =	ssyncadd.s32 $0xFFFF8000  }
0x108: {  	[tilespmem:s24], [sflag:$0x7] =	stream.linear.gather [hbm4b:s0+s2], $0x400, $0x38;
	[tilespmem:$0x18C00] =	vst v63  }
0x109: {  	_ =	swait.ge [sflag:s16], $0x400  }
0x10a: {  	[sflag:s16] =	ssyncset.done $0x0  }
0x10b: {  	[sflag:s16] =	ssyncadd.s32 $0xFFFFFC00  }
0x10c: {  	[tilespmem:s12], [sflag:$0x3] =	stream.indirect.gather [hbm4b:s3+s17], $0x20, s24, s17, $0xb8;
	[tilespmem:$0x18C00] =	vst v63  }
0x10d: {  	_ =	swait.ge [sflag:s14], $0x8000  }
0x10e: {  	s0 =	sld [smem:$0x7FC]  }
0x10f: {  	[sflag:s14] =	ssyncset.done $0x0  }
0x110: {  	[sflag:s14] =	ssyncadd.s32 $0xFFFF8000  }
0x111: {  	[hbm4b:s0+s2] =	stream.linear.scatter [tilespmem:s6], [sflag:$0x4], $0x8000, $0x38;
	[tilespmem:$0x18C00] =	vst v63  }
0x112: {  	_ =	swait.ge [sflag:s10], $0x8000  }
0x113: {  	s0 =	sld [smem:$0x7FD]  }
0x114: {  	[sflag:s10] =	ssyncset.done $0x0  }
0x115: {  	[sflag:s10] =	ssyncadd.s32 $0xFFFF8000  }
0x116: {  	[tilespmem:s2], [sflag:$0x7] =	stream.linear.gather [hbm4b:s0+s2], $0x400, $0x38;
	[tilespmem:$0x18C00] =	vst v63  }
0x117: {  	_ =	swait.ge [sflag:s16], $0x400  }
0x118: {  	[sflag:s16] =	ssyncset.done $0x0  }
0x119: {  	[sflag:s16] =	ssyncadd.s32 $0xFFFFFC00  }
0x11a: {  	[tilespmem:s6], [sflag:$0x1] =	stream.indirect.gather [hbm4b:s3+s17], $0x20, s2, s17, $0xb8;
	[tilespmem:$0x18C00] =	vst v63  }
0x11b: {  	_ =	swait.ge [sflag:s21], $0x8000  }
0x11c: {  	[sflag:s21] =	ssyncset.done $0x0  }
0x11d: {  	[sflag:s21] =	ssyncadd.s32 $0xFFFF8000  }
0x11e: {  	[hbm4b:s31+s2] =	stream.linear.scatter [tilespmem:s15], [sflag:$0x5], $0x8000, $0x38;
	[tilespmem:$0x18C00] =	vst v63  }
0x11f: {  	_ =	swait.ge [sflag:s9], $0x8000  }
0x120: {  	[sflag:s9] =	ssyncset.done $0x0  }
0x121: {  	[sflag:s9] =	ssyncadd.s32 $0xFFFF8000  }
0x122: {  	[tilespmem:s17], [sflag:$0x7] =	stream.linear.gather [hbm4b:s30+s2], $0x400, $0x38;
	[tilespmem:$0x18C00] =	vst v63  }
0x123: {  	_ =	swait.ge [sflag:s16], $0x400  }
0x124: {  	[sflag:s16] =	ssyncset.done $0x0  }
0x125: {  	[sflag:s16] =	ssyncadd.s32 $0xFFFFFC00  }
0x126: {  	[tilespmem:s15], [sflag:$0x2] =	stream.indirect.gather [hbm4b:s3+s17], $0x20, s17, s17, $0xb8;
	[tilespmem:$0x18C00] =	vst v63  }
0x127: {  	_ =	swait.ge [sflag:s20], $0x8000  }
0x128: {  	[sflag:s20] =	ssyncset.done $0x0  }
0x129: {  	[sflag:s20] =	ssyncadd.s32 $0xFFFF8000  }
0x12a: {  	[hbm4b:s28+s2] =	stream.linear.scatter [tilespmem:s12], [sflag:$0x6], $0x8000, $0x38;
	[tilespmem:$0x18C00] =	vst v63  }
0x12b: {  	_ =	swait.ge [sflag:s8], $0x8000  }
0x12c: {  	[sflag:s8] =	ssyncset.done $0x0  }
0x12d: {  	[sflag:s8] =	ssyncadd.s32 $0xFFFF8000  }
0x12e: {  	[tilespmem:s24], [sflag:$0x7] =	stream.linear.gather [hbm4b:s29+s2], $0x400, $0x38;
	[tilespmem:$0x18C00] =	vst v63  }
0x12f: {  	_ =	swait.ge [sflag:s16], $0x400  }
0x130: {  	[sflag:s16] =	ssyncset.done $0x0  }
0x131: {  	[sflag:s16] =	ssyncadd.s32 $0xFFFFFC00  }
0x132: {  	[tilespmem:s12], [sflag:$0x3] =	stream.indirect.gather [hbm4b:s3+s17], $0x20, s24, s17, $0xb8;
	[tilespmem:$0x18C00] =	vst v63  }
0x133: {  	_ =	swait.ge [sflag:s14], $0x8000  }
0x134: {  	[sflag:s14] =	ssyncset.done $0x0  }
0x135: {  	[sflag:s14] =	ssyncadd.s32 $0xFFFF8000  }
0x136: {  	[hbm4b:s26+s2] =	stream.linear.scatter [tilespmem:s6], [sflag:$0x4], $0x8000, $0x38;
	[tilespmem:$0x18C00] =	vst v63  }
0x137: {  	_ =	swait.ge [sflag:s10], $0x8000  }
0x138: {  	[sflag:s10] =	ssyncset.done $0x0  }
0x139: {  	[sflag:s10] =	ssyncadd.s32 $0xFFFF8000  }
0x13a: {  	[tilespmem:s2], [sflag:$0x7] =	stream.linear.gather [hbm4b:s25+s2], $0x400, $0x38;
	[tilespmem:$0x18C00] =	vst v63  }
0x13b: {  	_ =	swait.ge [sflag:s16], $0x400  }
0x13c: {  	[sflag:s16] =	ssyncset.done $0x0  }
0x13d: {  	[sflag:s16] =	ssyncadd.s32 $0xFFFFFC00  }
0x13e: {  	[tilespmem:s6], [sflag:$0x1] =	stream.indirect.gather [hbm4b:s3+s17], $0x20, s2, s17, $0xb8;
	[tilespmem:$0x18C00] =	vst v63  }
0x13f: {  	_ =	swait.ge [sflag:s21], $0x8000  }
0x140: {  	[sflag:s21] =	ssyncset.done $0x0  }
0x141: {  	[sflag:s21] =	ssyncadd.s32 $0xFFFF8000  }
0x142: {  	[hbm4b:s23+s2] =	stream.linear.scatter [tilespmem:s15], [sflag:$0x5], $0x8000, $0x38;
	[tilespmem:$0x18C00] =	vst v63  }
0x143: {  	_ =	swait.ge [sflag:s9], $0x8000  }
0x144: {  	[sflag:s9] =	ssyncset.done $0x0  }
0x145: {  	[sflag:s9] =	ssyncadd.s32 $0xFFFF8000  }
0x146: {  	[tilespmem:s17], [sflag:$0x7] =	stream.linear.gather [hbm4b:s22+s2], $0x400, $0x38;
	[tilespmem:$0x18C00] =	vst v63  }
0x147: {  	_ =	swait.ge [sflag:s16], $0x400  }
0x148: {  	[sflag:s16] =	ssyncset.done $0x0  }
0x149: {  	[sflag:s16] =	ssyncadd.s32 $0xFFFFFC00  }
0x14a: {  	[tilespmem:s15], [sflag:$0x2] =	stream.indirect.gather [hbm4b:s3+s17], $0x20, s17, s17, $0xb8;
	[tilespmem:$0x18C00] =	vst v63  }
0x14b: {  	_ =	swait.ge [sflag:s20], $0x8000  }
0x14c: {  	[sflag:s20] =	ssyncset.done $0x0  }
0x14d: {  	[sflag:s20] =	ssyncadd.s32 $0xFFFF8000  }
0x14e: {  	[hbm4b:s18+s2] =	stream.linear.scatter [tilespmem:s12], [sflag:$0x6], $0x8000, $0x38;
	[tilespmem:$0x18C00] =	vst v63  }
0x14f: {  	_ =	swait.ge [sflag:s8], $0x8000  }
0x150: {  	[sflag:s8] =	ssyncset.done $0x0  }
0x151: {  	[sflag:s8] =	ssyncadd.s32 $0xFFFF8000  }
0x152: {  	[tilespmem:s24], [sflag:$0x7] =	stream.linear.gather [hbm4b:s19+s2], $0x400, $0x38;
	[tilespmem:$0x18C00] =	vst v63  }
0x153: {  	_ =	swait.ge [sflag:s16], $0x400  }
0x154: {  	[sflag:s16] =	ssyncset.done $0x0  }
0x155: {  	[sflag:s16] =	ssyncadd.s32 $0xFFFFFC00  }
0x156: {  	[tilespmem:s12], [sflag:$0x3] =	stream.indirect.gather [hbm4b:s3+s17], $0x20, s24, s17, $0xb8;
	[tilespmem:$0x18C00] =	vst v63  }
0x157: {  	_ =	swait.ge [sflag:s14], $0x8000  }
0x158: {  	[sflag:s14] =	ssyncset.done $0x0  }
0x159: {  	[sflag:s14] =	ssyncadd.s32 $0xFFFF8000  }
0x15a: {  	[hbm4b:s13+s2] =	stream.linear.scatter [tilespmem:s6], [sflag:$0x4], $0x8000, $0x38;
	[tilespmem:$0x18C00] =	vst v63  }
0x15b: {  	_ =	swait.ge [sflag:s10], $0x8000  }
0x15c: {  	[sflag:s10] =	ssyncset.done $0x0  }
0x15d: {  	[sflag:s10] =	ssyncadd.s32 $0xFFFF8000  }
0x15e: {  	[tilespmem:s2], [sflag:$0x7] =	stream.linear.gather [hbm4b:s11+s2], $0x400, $0x38;
	[tilespmem:$0x18C00] =	vst v63  }
0x15f: {  	_ =	swait.ge [sflag:s16], $0x400  }
0x160: {  	[sflag:s16] =	ssyncset.done $0x0  }
0x161: {  	[sflag:s16] =	ssyncadd.s32 $0xFFFFFC00  }
0x162: {  	[tilespmem:s6], [sflag:$0x1] =	stream.indirect.gather [hbm4b:s3+s17], $0x20, s2, s17, $0xb8;
	[tilespmem:$0x18C00] =	vst v63  }
0x163: {  	_ =	swait.ge [sflag:s21], $0x8000  }
0x164: {  	[sflag:s21] =	ssyncset.done $0x0  }
0x165: {  	[sflag:s21] =	ssyncadd.s32 $0xFFFF8000  }
0x166: {  	[hbm4b:s7+s2] =	stream.linear.scatter [tilespmem:s15], [sflag:$0x5], $0x8000, $0x38;
	[tilespmem:$0x18C00] =	vst v63  }
0x167: {  	_ =	swait.ge [sflag:s20], $0x8000  }
0x168: {  	[sflag:s20] =	ssyncset.done $0x0  }
0x169: {  	[sflag:s20] =	ssyncadd.s32 $0xFFFF8000  }
0x16a: {  	[hbm4b:s5+s2] =	stream.linear.scatter [tilespmem:s12], [sflag:$0x6], $0x8000, $0x38;
	[tilespmem:$0x18C00] =	vst v63  }
0x16b: {  	_ =	swait.ge [sflag:s14], $0x8000  }
0x16c: {  	[sflag:s14] =	ssyncset.done $0x0  }
0x16d: {  	[sflag:s14] =	ssyncadd.s32 $0xFFFF8000  }
0x16e: {  	[hbm4b:s4+s2] =	stream.linear.scatter [tilespmem:s6], [sflag:$0x4], $0x8000, $0x38;
	[tilespmem:$0x18C00] =	vst v63  }
0x16f: {  	_ =	swait.ge [sflag:s10], $0x8000  }
0x170: {  	[sflag:s10] =	ssyncset.done $0x0  }
0x171: {  	p1 =	sne.s32 s1, $0x1;
	[sflag:s10] =	ssyncadd.s32 $0xFFFF8000  }
.Ltmp1:
0x172: {  	_ =	swait.ge [sflag:s9], $0x8000;
	(pc) =	sbr.rel @!p1 .LBB2_3-.Ltmp1, $4  }
0x173: {  	[sflag:s9] =	ssyncset.done $0x0  }
0x174: {  	[sflag:s9] =	ssyncadd.s32 $0xFFFF8000  }
0x175: {  	s1 =	sadd.s32 $0xFFFFFFFF, s1;
	_ =	swait.ge [sflag:s8], $0x8000  }
0x176: {  	p0 =	por $0x1, $0x1;
	s0 =	rddreg [dreg:$0x3];
	[sflag:s8] =	ssyncset.done $0x0  }
.LBB2_2:
0x177: {  	[sflag:s8] =	ssyncadd.s32 $0xFFFF8000  }
0x178: {  	[tilespmem:s2], [sflag:$0x7] =	stream.linear.gather [hbm4b:s0+s2], $0x400, $0x38;
	[tilespmem:$0x18C00] =	vst v63  }
0x179: {  	_ =	swait.ge [sflag:s16], $0x400  }
0x17a: {  	[sflag:s16] =	ssyncset.done $0x0  }
0x17b: {  	[sflag:s16] =	ssyncadd.s32 $0xFFFFFC00  }
0x17c: {  	[tilespmem:s6], [sflag:$0x1] =	stream.indirect.gather [hbm4b:s3+s17], $0x20, s2, s17, $0xb8;
	[tilespmem:$0x18C00] =	vst v63  }
0x17d: {  	s0 =	rddreg [dreg:$0x4]  }
0x17e: {  	[tilespmem:s17], [sflag:$0x7] =	stream.linear.gather [hbm4b:s0+s2], $0x400, $0x38;
	[tilespmem:$0x18C00] =	vst v63  }
0x17f: {  	_ =	swait.ge [sflag:s16], $0x400  }
0x180: {  	[sflag:s16] =	ssyncset.done $0x0  }
0x181: {  	[sflag:s16] =	ssyncadd.s32 $0xFFFFFC00  }
0x182: {  	[tilespmem:s15], [sflag:$0x2] =	stream.indirect.gather [hbm4b:s3+s17], $0x20, s17, s17, $0xb8;
	[tilespmem:$0x18C00] =	vst v63  }
0x183: {  	s0 =	rddreg [dreg:$0x5]  }
0x184: {  	[tilespmem:s24], [sflag:$0x7] =	stream.linear.gather [hbm4b:s0+s2], $0x400, $0x38;
	[tilespmem:$0x18C00] =	vst v63  }
0x185: {  	_ =	swait.ge [sflag:s16], $0x400  }
0x186: {  	[sflag:s16] =	ssyncset.done $0x0  }
0x187: {  	[sflag:s16] =	ssyncadd.s32 $0xFFFFFC00  }
0x188: {  	[tilespmem:s12], [sflag:$0x3] =	stream.indirect.gather [hbm4b:s3+s17], $0x20, s24, s17, $0xb8;
	[tilespmem:$0x18C00] =	vst v63  }
0x189: {  	_ =	swait.ge [sflag:s14], $0x8000  }
0x18a: {  	[sflag:s14] =	ssyncset.done $0x0  }
0x18b: {  	s0 =	rddreg [dreg:$0x6];
	[sflag:s14] =	ssyncadd.s32 $0xFFFF8000  }
0x18c: {  	[hbm4b:s0+s2] =	stream.linear.scatter [tilespmem:s6], [sflag:$0x4], $0x8000, $0x38;
	[tilespmem:$0x18C00] =	vst v63  }
0x18d: {  	_ =	swait.ge [sflag:s10], $0x8000  }
0x18e: {  	[sflag:s10] =	ssyncset.done $0x0  }
0x18f: {  	s0 =	rddreg [dreg:$0x7];
	[sflag:s10] =	ssyncadd.s32 $0xFFFF8000  }
0x190: {  	[tilespmem:s2], [sflag:$0x7] =	stream.linear.gather [hbm4b:s0+s2], $0x400, $0x38;
	[tilespmem:$0x18C00] =	vst v63  }
0x191: {  	_ =	swait.ge [sflag:s16], $0x400  }
0x192: {  	[sflag:s16] =	ssyncset.done $0x0  }
0x193: {  	[sflag:s16] =	ssyncadd.s32 $0xFFFFFC00  }
0x194: {  	[tilespmem:s6], [sflag:$0x1] =	stream.indirect.gather [hbm4b:s3+s17], $0x20, s2, s17, $0xb8;
	[tilespmem:$0x18C00] =	vst v63  }
0x195: {  	_ =	swait.ge [sflag:s21], $0x8000  }
0x196: {  	[sflag:s21] =	ssyncset.done $0x0  }
0x197: {  	s0 =	rddreg [dreg:$0x8];
	[sflag:s21] =	ssyncadd.s32 $0xFFFF8000  }
0x198: {  	[hbm4b:s0+s2] =	stream.linear.scatter [tilespmem:s15], [sflag:$0x5], $0x8000, $0x38;
	[tilespmem:$0x18C00] =	vst v63  }
0x199: {  	_ =	swait.ge [sflag:s9], $0x8000  }
0x19a: {  	[sflag:s9] =	ssyncset.done $0x0  }
0x19b: {  	s0 =	rddreg [dreg:$0x9];
	[sflag:s9] =	ssyncadd.s32 $0xFFFF8000  }
0x19c: {  	[tilespmem:s17], [sflag:$0x7] =	stream.linear.gather [hbm4b:s0+s2], $0x400, $0x38;
	[tilespmem:$0x18C00] =	vst v63  }
0x19d: {  	_ =	swait.ge [sflag:s16], $0x400  }
0x19e: {  	[sflag:s16] =	ssyncset.done $0x0  }
0x19f: {  	[sflag:s16] =	ssyncadd.s32 $0xFFFFFC00  }
0x1a0: {  	[tilespmem:s15], [sflag:$0x2] =	stream.indirect.gather [hbm4b:s3+s17], $0x20, s17, s17, $0xb8;
	[tilespmem:$0x18C00] =	vst v63  }
0x1a1: {  	_ =	swait.ge [sflag:s20], $0x8000  }
0x1a2: {  	[sflag:s20] =	ssyncset.done $0x0  }
0x1a3: {  	s0 =	rddreg [dreg:$0xa];
	[sflag:s20] =	ssyncadd.s32 $0xFFFF8000  }
0x1a4: {  	[hbm4b:s0+s2] =	stream.linear.scatter [tilespmem:s12], [sflag:$0x6], $0x8000, $0x38;
	[tilespmem:$0x18C00] =	vst v63  }
0x1a5: {  	_ =	swait.ge [sflag:s8], $0x8000  }
0x1a6: {  	[sflag:s8] =	ssyncset.done $0x0  }
0x1a7: {  	s0 =	rddreg [dreg:$0xb];
	[sflag:s8] =	ssyncadd.s32 $0xFFFF8000  }
0x1a8: {  	[tilespmem:s24], [sflag:$0x7] =	stream.linear.gather [hbm4b:s0+s2], $0x400, $0x38;
	[tilespmem:$0x18C00] =	vst v63  }
0x1a9: {  	_ =	swait.ge [sflag:s16], $0x400  }
0x1aa: {  	[sflag:s16] =	ssyncset.done $0x0  }
0x1ab: {  	[sflag:s16] =	ssyncadd.s32 $0xFFFFFC00  }
0x1ac: {  	[tilespmem:s12], [sflag:$0x3] =	stream.indirect.gather [hbm4b:s3+s17], $0x20, s24, s17, $0xb8;
	[tilespmem:$0x18C00] =	vst v63  }
0x1ad: {  	_ =	swait.ge [sflag:s14], $0x8000  }
0x1ae: {  	[sflag:s14] =	ssyncset.done $0x0  }
0x1af: {  	s0 =	rddreg [dreg:$0xc];
	[sflag:s14] =	ssyncadd.s32 $0xFFFF8000  }
0x1b0: {  	[hbm4b:s0+s2] =	stream.linear.scatter [tilespmem:s6], [sflag:$0x4], $0x8000, $0x38;
	[tilespmem:$0x18C00] =	vst v63  }
0x1b1: {  	_ =	swait.ge [sflag:s10], $0x8000  }
0x1b2: {  	[sflag:s10] =	ssyncset.done $0x0  }
0x1b3: {  	s0 =	rddreg [dreg:$0xd];
	[sflag:s10] =	ssyncadd.s32 $0xFFFF8000  }
0x1b4: {  	[tilespmem:s2], [sflag:$0x7] =	stream.linear.gather [hbm4b:s0+s2], $0x400, $0x38;
	[tilespmem:$0x18C00] =	vst v63  }
0x1b5: {  	_ =	swait.ge [sflag:s16], $0x400  }
0x1b6: {  	[sflag:s16] =	ssyncset.done $0x0  }
0x1b7: {  	[sflag:s16] =	ssyncadd.s32 $0xFFFFFC00  }
0x1b8: {  	[tilespmem:s6], [sflag:$0x1] =	stream.indirect.gather [hbm4b:s3+s17], $0x20, s2, s17, $0xb8;
	[tilespmem:$0x18C00] =	vst v63  }
0x1b9: {  	_ =	swait.ge [sflag:s21], $0x8000  }
0x1ba: {  	[sflag:s21] =	ssyncset.done $0x0  }
0x1bb: {  	s0 =	rddreg [dreg:$0xe];
	[sflag:s21] =	ssyncadd.s32 $0xFFFF8000  }
0x1bc: {  	[hbm4b:s0+s2] =	stream.linear.scatter [tilespmem:s15], [sflag:$0x5], $0x8000, $0x38;
	[tilespmem:$0x18C00] =	vst v63  }
0x1bd: {  	_ =	swait.ge [sflag:s9], $0x8000  }
0x1be: {  	[sflag:s9] =	ssyncset.done $0x0  }
0x1bf: {  	s0 =	rddreg [dreg:$0xf];
	[sflag:s9] =	ssyncadd.s32 $0xFFFF8000  }
0x1c0: {  	[tilespmem:s17], [sflag:$0x7] =	stream.linear.gather [hbm4b:s0+s2], $0x400, $0x38;
	[tilespmem:$0x18C00] =	vst v63  }
0x1c1: {  	_ =	swait.ge [sflag:s16], $0x400  }
0x1c2: {  	[sflag:s16] =	ssyncset.done $0x0  }
0x1c3: {  	[sflag:s16] =	ssyncadd.s32 $0xFFFFFC00  }
0x1c4: {  	[tilespmem:s15], [sflag:$0x2] =	stream.indirect.gather [hbm4b:s3+s17], $0x20, s17, s17, $0xb8;
	[tilespmem:$0x18C00] =	vst v63  }
0x1c5: {  	_ =	swait.ge [sflag:s20], $0x8000  }
0x1c6: {  	[sflag:s20] =	ssyncset.done $0x0  }
0x1c7: {  	s0 =	rddreg [dreg:$0x10];
	[sflag:s20] =	ssyncadd.s32 $0xFFFF8000  }
0x1c8: {  	[hbm4b:s0+s2] =	stream.linear.scatter [tilespmem:s12], [sflag:$0x6], $0x8000, $0x38;
	[tilespmem:$0x18C00] =	vst v63  }
0x1c9: {  	_ =	swait.ge [sflag:s8], $0x8000  }
0x1ca: {  	[sflag:s8] =	ssyncset.done $0x0  }
0x1cb: {  	s0 =	rddreg [dreg:$0x11];
	[sflag:s8] =	ssyncadd.s32 $0xFFFF8000  }
0x1cc: {  	[tilespmem:s24], [sflag:$0x7] =	stream.linear.gather [hbm4b:s0+s2], $0x400, $0x38;
	[tilespmem:$0x18C00] =	vst v63  }
0x1cd: {  	_ =	swait.ge [sflag:s16], $0x400  }
0x1ce: {  	[sflag:s16] =	ssyncset.done $0x0  }
0x1cf: {  	[sflag:s16] =	ssyncadd.s32 $0xFFFFFC00  }
0x1d0: {  	[tilespmem:s12], [sflag:$0x3] =	stream.indirect.gather [hbm4b:s3+s17], $0x20, s24, s17, $0xb8;
	[tilespmem:$0x18C00] =	vst v63  }
0x1d1: {  	_ =	swait.ge [sflag:s14], $0x8000  }
0x1d2: {  	[sflag:s14] =	ssyncset.done $0x0  }
0x1d3: {  	s0 =	rddreg [dreg:$0x12];
	[sflag:s14] =	ssyncadd.s32 $0xFFFF8000  }
0x1d4: {  	[hbm4b:s0+s2] =	stream.linear.scatter [tilespmem:s6], [sflag:$0x4], $0x8000, $0x38;
	[tilespmem:$0x18C00] =	vst v63  }
0x1d5: {  	_ =	swait.ge [sflag:s10], $0x8000  }
0x1d6: {  	[sflag:s10] =	ssyncset.done $0x0  }
0x1d7: {  	s0 =	rddreg [dreg:$0x13];
	[sflag:s10] =	ssyncadd.s32 $0xFFFF8000  }
0x1d8: {  	[tilespmem:s2], [sflag:$0x7] =	stream.linear.gather [hbm4b:s0+s2], $0x400, $0x38;
	[tilespmem:$0x18C00] =	vst v63  }
0x1d9: {  	_ =	swait.ge [sflag:s16], $0x400  }
0x1da: {  	[sflag:s16] =	ssyncset.done $0x0  }
0x1db: {  	[sflag:s16] =	ssyncadd.s32 $0xFFFFFC00  }
0x1dc: {  	[tilespmem:s6], [sflag:$0x1] =	stream.indirect.gather [hbm4b:s3+s17], $0x20, s2, s17, $0xb8;
	[tilespmem:$0x18C00] =	vst v63  }
0x1dd: {  	_ =	swait.ge [sflag:s21], $0x8000  }
0x1de: {  	[sflag:s21] =	ssyncset.done $0x0  }
0x1df: {  	s0 =	rddreg [dreg:$0x14];
	[sflag:s21] =	ssyncadd.s32 $0xFFFF8000  }
0x1e0: {  	[hbm4b:s0+s2] =	stream.linear.scatter [tilespmem:s15], [sflag:$0x5], $0x8000, $0x38;
	[tilespmem:$0x18C00] =	vst v63  }
0x1e1: {  	_ =	swait.ge [sflag:s9], $0x8000  }
0x1e2: {  	[sflag:s9] =	ssyncset.done $0x0  }
0x1e3: {  	s0 =	rddreg [dreg:$0x15];
	[sflag:s9] =	ssyncadd.s32 $0xFFFF8000  }
0x1e4: {  	[tilespmem:s17], [sflag:$0x7] =	stream.linear.gather [hbm4b:s0+s2], $0x400, $0x38;
	[tilespmem:$0x18C00] =	vst v63  }
0x1e5: {  	_ =	swait.ge [sflag:s16], $0x400  }
0x1e6: {  	[sflag:s16] =	ssyncset.done $0x0  }
0x1e7: {  	[sflag:s16] =	ssyncadd.s32 $0xFFFFFC00  }
0x1e8: {  	[tilespmem:s15], [sflag:$0x2] =	stream.indirect.gather [hbm4b:s3+s17], $0x20, s17, s17, $0xb8;
	[tilespmem:$0x18C00] =	vst v63  }
0x1e9: {  	_ =	swait.ge [sflag:s20], $0x8000  }
0x1ea: {  	[sflag:s20] =	ssyncset.done $0x0  }
0x1eb: {  	s0 =	rddreg [dreg:$0x16];
	[sflag:s20] =	ssyncadd.s32 $0xFFFF8000  }
0x1ec: {  	[hbm4b:s0+s2] =	stream.linear.scatter [tilespmem:s12], [sflag:$0x6], $0x8000, $0x38;
	[tilespmem:$0x18C00] =	vst v63  }
0x1ed: {  	_ =	swait.ge [sflag:s8], $0x8000  }
0x1ee: {  	[sflag:s8] =	ssyncset.done $0x0  }
0x1ef: {  	s0 =	rddreg [dreg:$0x17];
	[sflag:s8] =	ssyncadd.s32 $0xFFFF8000  }
0x1f0: {  	[tilespmem:s24], [sflag:$0x7] =	stream.linear.gather [hbm4b:s0+s2], $0x400, $0x38;
	[tilespmem:$0x18C00] =	vst v63  }
0x1f1: {  	_ =	swait.ge [sflag:s16], $0x400  }
0x1f2: {  	[sflag:s16] =	ssyncset.done $0x0  }
0x1f3: {  	[sflag:s16] =	ssyncadd.s32 $0xFFFFFC00  }
0x1f4: {  	[tilespmem:s12], [sflag:$0x3] =	stream.indirect.gather [hbm4b:s3+s17], $0x20, s24, s17, $0xb8;
	[tilespmem:$0x18C00] =	vst v63  }
0x1f5: {  	_ =	swait.ge [sflag:s14], $0x8000  }
0x1f6: {  	[sflag:s14] =	ssyncset.done $0x0  }
0x1f7: {  	s0 =	rddreg [dreg:$0x18];
	[sflag:s14] =	ssyncadd.s32 $0xFFFF8000  }
0x1f8: {  	[hbm4b:s0+s2] =	stream.linear.scatter [tilespmem:s6], [sflag:$0x4], $0x8000, $0x38;
	[tilespmem:$0x18C00] =	vst v63  }
0x1f9: {  	_ =	swait.ge [sflag:s10], $0x8000  }
0x1fa: {  	[sflag:s10] =	ssyncset.done $0x0  }
0x1fb: {  	s0 =	rddreg [dreg:$0x19];
	[sflag:s10] =	ssyncadd.s32 $0xFFFF8000  }
0x1fc: {  	[tilespmem:s2], [sflag:$0x7] =	stream.linear.gather [hbm4b:s0+s2], $0x400, $0x38;
	[tilespmem:$0x18C00] =	vst v63  }
0x1fd: {  	_ =	swait.ge [sflag:s16], $0x400  }
0x1fe: {  	[sflag:s16] =	ssyncset.done $0x0  }
0x1ff: {  	[sflag:s16] =	ssyncadd.s32 $0xFFFFFC00  }
0x200: {  	[tilespmem:s6], [sflag:$0x1] =	stream.indirect.gather [hbm4b:s3+s17], $0x20, s2, s17, $0xb8;
	[tilespmem:$0x18C00] =	vst v63  }
0x201: {  	_ =	swait.ge [sflag:s21], $0x8000  }
0x202: {  	[sflag:s21] =	ssyncset.done $0x0  }
0x203: {  	s0 =	rddreg [dreg:$0x1a];
	[sflag:s21] =	ssyncadd.s32 $0xFFFF8000  }
0x204: {  	[hbm4b:s0+s2] =	stream.linear.scatter [tilespmem:s15], [sflag:$0x5], $0x8000, $0x38;
	[tilespmem:$0x18C00] =	vst v63  }
0x205: {  	_ =	swait.ge [sflag:s9], $0x8000  }
0x206: {  	[sflag:s9] =	ssyncset.done $0x0  }
0x207: {  	s0 =	rddreg [dreg:$0x1b];
	[sflag:s9] =	ssyncadd.s32 $0xFFFF8000  }
0x208: {  	[tilespmem:s17], [sflag:$0x7] =	stream.linear.gather [hbm4b:s0+s2], $0x400, $0x38;
	[tilespmem:$0x18C00] =	vst v63  }
0x209: {  	_ =	swait.ge [sflag:s16], $0x400  }
0x20a: {  	[sflag:s16] =	ssyncset.done $0x0  }
0x20b: {  	[sflag:s16] =	ssyncadd.s32 $0xFFFFFC00  }
0x20c: {  	[tilespmem:s15], [sflag:$0x2] =	stream.indirect.gather [hbm4b:s3+s17], $0x20, s17, s17, $0xb8;
	[tilespmem:$0x18C00] =	vst v63  }
0x20d: {  	_ =	swait.ge [sflag:s20], $0x8000  }
0x20e: {  	[sflag:s20] =	ssyncset.done $0x0  }
0x20f: {  	s0 =	rddreg [dreg:$0x1c];
	[sflag:s20] =	ssyncadd.s32 $0xFFFF8000  }
0x210: {  	[hbm4b:s0+s2] =	stream.linear.scatter [tilespmem:s12], [sflag:$0x6], $0x8000, $0x38;
	[tilespmem:$0x18C00] =	vst v63  }
0x211: {  	_ =	swait.ge [sflag:s8], $0x8000  }
0x212: {  	[sflag:s8] =	ssyncset.done $0x0  }
0x213: {  	s0 =	rddreg [dreg:$0x1d];
	[sflag:s8] =	ssyncadd.s32 $0xFFFF8000  }
0x214: {  	[tilespmem:s24], [sflag:$0x7] =	stream.linear.gather [hbm4b:s0+s2], $0x400, $0x38;
	[tilespmem:$0x18C00] =	vst v63  }
0x215: {  	_ =	swait.ge [sflag:s16], $0x400  }
0x216: {  	[sflag:s16] =	ssyncset.done $0x0  }
0x217: {  	[sflag:s16] =	ssyncadd.s32 $0xFFFFFC00  }
0x218: {  	[tilespmem:s12], [sflag:$0x3] =	stream.indirect.gather [hbm4b:s3+s17], $0x20, s24, s17, $0xb8;
	[tilespmem:$0x18C00] =	vst v63  }
0x219: {  	_ =	swait.ge [sflag:s14], $0x8000  }
0x21a: {  	[sflag:s14] =	ssyncset.done $0x0  }
0x21b: {  	s0 =	rddreg [dreg:$0x1e];
	[sflag:s14] =	ssyncadd.s32 $0xFFFF8000  }
0x21c: {  	[hbm4b:s0+s2] =	stream.linear.scatter [tilespmem:s6], [sflag:$0x4], $0x8000, $0x38;
	[tilespmem:$0x18C00] =	vst v63  }
0x21d: {  	_ =	swait.ge [sflag:s10], $0x8000  }
0x21e: {  	[sflag:s10] =	ssyncset.done $0x0  }
0x21f: {  	s0 =	rddreg [dreg:$0x1f];
	[sflag:s10] =	ssyncadd.s32 $0xFFFF8000  }
0x220: {  	[tilespmem:s2], [sflag:$0x7] =	stream.linear.gather [hbm4b:s0+s2], $0x400, $0x38;
	[tilespmem:$0x18C00] =	vst v63  }
0x221: {  	_ =	swait.ge [sflag:s16], $0x400  }
0x222: {  	[sflag:s16] =	ssyncset.done $0x0  }
0x223: {  	[sflag:s16] =	ssyncadd.s32 $0xFFFFFC00  }
0x224: {  	[tilespmem:s6], [sflag:$0x1] =	stream.indirect.gather [hbm4b:s3+s17], $0x20, s2, s17, $0xb8;
	[tilespmem:$0x18C00] =	vst v63  }
0x225: {  	_ =	swait.ge [sflag:s21], $0x8000  }
0x226: {  	s0 =	sld [smem:$0x7F8]  }
0x227: {  	[sflag:s21] =	ssyncset.done $0x0  }
0x228: {  	[sflag:s21] =	ssyncadd.s32 $0xFFFF8000  }
0x229: {  	[hbm4b:s0+s2] =	stream.linear.scatter [tilespmem:s15], [sflag:$0x5], $0x8000, $0x38;
	[tilespmem:$0x18C00] =	vst v63  }
0x22a: {  	_ =	swait.ge [sflag:s9], $0x8000  }
0x22b: {  	s0 =	sld [smem:$0x7F9]  }
0x22c: {  	[sflag:s9] =	ssyncset.done $0x0  }
0x22d: {  	[sflag:s9] =	ssyncadd.s32 $0xFFFF8000  }
0x22e: {  	[tilespmem:s17], [sflag:$0x7] =	stream.linear.gather [hbm4b:s0+s2], $0x400, $0x38;
	[tilespmem:$0x18C00] =	vst v63  }
0x22f: {  	_ =	swait.ge [sflag:s16], $0x400  }
0x230: {  	[sflag:s16] =	ssyncset.done $0x0  }
0x231: {  	[sflag:s16] =	ssyncadd.s32 $0xFFFFFC00  }
0x232: {  	[tilespmem:s15], [sflag:$0x2] =	stream.indirect.gather [hbm4b:s3+s17], $0x20, s17, s17, $0xb8;
	[tilespmem:$0x18C00] =	vst v63  }
0x233: {  	_ =	swait.ge [sflag:s20], $0x8000  }
0x234: {  	s0 =	sld [smem:$0x7FA]  }
0x235: {  	[sflag:s20] =	ssyncset.done $0x0  }
0x236: {  	[sflag:s20] =	ssyncadd.s32 $0xFFFF8000  }
0x237: {  	[hbm4b:s0+s2] =	stream.linear.scatter [tilespmem:s12], [sflag:$0x6], $0x8000, $0x38;
	[tilespmem:$0x18C00] =	vst v63  }
0x238: {  	_ =	swait.ge [sflag:s8], $0x8000  }
0x239: {  	s0 =	sld [smem:$0x7FB]  }
0x23a: {  	[sflag:s8] =	ssyncset.done $0x0  }
0x23b: {  	[sflag:s8] =	ssyncadd.s32 $0xFFFF8000  }
0x23c: {  	[tilespmem:s24], [sflag:$0x7] =	stream.linear.gather [hbm4b:s0+s2], $0x400, $0x38;
	[tilespmem:$0x18C00] =	vst v63  }
0x23d: {  	_ =	swait.ge [sflag:s16], $0x400  }
0x23e: {  	[sflag:s16] =	ssyncset.done $0x0  }
0x23f: {  	[sflag:s16] =	ssyncadd.s32 $0xFFFFFC00  }
0x240: {  	[tilespmem:s12], [sflag:$0x3] =	stream.indirect.gather [hbm4b:s3+s17], $0x20, s24, s17, $0xb8;
	[tilespmem:$0x18C00] =	vst v63  }
0x241: {  	_ =	swait.ge [sflag:s14], $0x8000  }
0x242: {  	s0 =	sld [smem:$0x7FC]  }
0x243: {  	[sflag:s14] =	ssyncset.done $0x0  }
0x244: {  	[sflag:s14] =	ssyncadd.s32 $0xFFFF8000  }
0x245: {  	[hbm4b:s0+s2] =	stream.linear.scatter [tilespmem:s6], [sflag:$0x4], $0x8000, $0x38;
	[tilespmem:$0x18C00] =	vst v63  }
0x246: {  	_ =	swait.ge [sflag:s10], $0x8000  }
0x247: {  	s0 =	sld [smem:$0x7FD]  }
0x248: {  	[sflag:s10] =	ssyncset.done $0x0  }
0x249: {  	[sflag:s10] =	ssyncadd.s32 $0xFFFF8000  }
0x24a: {  	[tilespmem:s2], [sflag:$0x7] =	stream.linear.gather [hbm4b:s0+s2], $0x400, $0x38;
	[tilespmem:$0x18C00] =	vst v63  }
0x24b: {  	_ =	swait.ge [sflag:s16], $0x400  }
0x24c: {  	[sflag:s16] =	ssyncset.done $0x0  }
0x24d: {  	[sflag:s16] =	ssyncadd.s32 $0xFFFFFC00  }
0x24e: {  	[tilespmem:s6], [sflag:$0x1] =	stream.indirect.gather [hbm4b:s3+s17], $0x20, s2, s17, $0xb8;
	[tilespmem:$0x18C00] =	vst v63  }
0x24f: {  	_ =	swait.ge [sflag:s21], $0x8000  }
0x250: {  	[sflag:s21] =	ssyncset.done $0x0  }
0x251: {  	[sflag:s21] =	ssyncadd.s32 $0xFFFF8000  }
0x252: {  	[hbm4b:s31+s2] =	stream.linear.scatter [tilespmem:s15], [sflag:$0x5], $0x8000, $0x38;
	[tilespmem:$0x18C00] =	vst v63  }
0x253: {  	_ =	swait.ge [sflag:s9], $0x8000  }
0x254: {  	[sflag:s9] =	ssyncset.done $0x0  }
0x255: {  	[sflag:s9] =	ssyncadd.s32 $0xFFFF8000  }
0x256: {  	[tilespmem:s17], [sflag:$0x7] =	stream.linear.gather [hbm4b:s30+s2], $0x400, $0x38;
	[tilespmem:$0x18C00] =	vst v63  }
0x257: {  	_ =	swait.ge [sflag:s16], $0x400  }
0x258: {  	[sflag:s16] =	ssyncset.done $0x0  }
0x259: {  	[sflag:s16] =	ssyncadd.s32 $0xFFFFFC00  }
0x25a: {  	[tilespmem:s15], [sflag:$0x2] =	stream.indirect.gather [hbm4b:s3+s17], $0x20, s17, s17, $0xb8;
	[tilespmem:$0x18C00] =	vst v63  }
0x25b: {  	_ =	swait.ge [sflag:s20], $0x8000  }
0x25c: {  	[sflag:s20] =	ssyncset.done $0x0  }
0x25d: {  	[sflag:s20] =	ssyncadd.s32 $0xFFFF8000  }
0x25e: {  	[hbm4b:s28+s2] =	stream.linear.scatter [tilespmem:s12], [sflag:$0x6], $0x8000, $0x38;
	[tilespmem:$0x18C00] =	vst v63  }
0x25f: {  	_ =	swait.ge [sflag:s8], $0x8000  }
0x260: {  	[sflag:s8] =	ssyncset.done $0x0  }
0x261: {  	[sflag:s8] =	ssyncadd.s32 $0xFFFF8000  }
0x262: {  	[tilespmem:s24], [sflag:$0x7] =	stream.linear.gather [hbm4b:s29+s2], $0x400, $0x38;
	[tilespmem:$0x18C00] =	vst v63  }
0x263: {  	_ =	swait.ge [sflag:s16], $0x400  }
0x264: {  	[sflag:s16] =	ssyncset.done $0x0  }
0x265: {  	[sflag:s16] =	ssyncadd.s32 $0xFFFFFC00  }
0x266: {  	[tilespmem:s12], [sflag:$0x3] =	stream.indirect.gather [hbm4b:s3+s17], $0x20, s24, s17, $0xb8;
	[tilespmem:$0x18C00] =	vst v63  }
0x267: {  	_ =	swait.ge [sflag:s14], $0x8000  }
0x268: {  	[sflag:s14] =	ssyncset.done $0x0  }
0x269: {  	[sflag:s14] =	ssyncadd.s32 $0xFFFF8000  }
0x26a: {  	[hbm4b:s26+s2] =	stream.linear.scatter [tilespmem:s6], [sflag:$0x4], $0x8000, $0x38;
	[tilespmem:$0x18C00] =	vst v63  }
0x26b: {  	_ =	swait.ge [sflag:s10], $0x8000  }
0x26c: {  	[sflag:s10] =	ssyncset.done $0x0  }
0x26d: {  	[sflag:s10] =	ssyncadd.s32 $0xFFFF8000  }
0x26e: {  	[tilespmem:s2], [sflag:$0x7] =	stream.linear.gather [hbm4b:s25+s2], $0x400, $0x38;
	[tilespmem:$0x18C00] =	vst v63  }
0x26f: {  	_ =	swait.ge [sflag:s16], $0x400  }
0x270: {  	[sflag:s16] =	ssyncset.done $0x0  }
0x271: {  	[sflag:s16] =	ssyncadd.s32 $0xFFFFFC00  }
0x272: {  	[tilespmem:s6], [sflag:$0x1] =	stream.indirect.gather [hbm4b:s3+s17], $0x20, s2, s17, $0xb8;
	[tilespmem:$0x18C00] =	vst v63  }
0x273: {  	_ =	swait.ge [sflag:s21], $0x8000  }
0x274: {  	[sflag:s21] =	ssyncset.done $0x0  }
0x275: {  	[sflag:s21] =	ssyncadd.s32 $0xFFFF8000  }
0x276: {  	[hbm4b:s23+s2] =	stream.linear.scatter [tilespmem:s15], [sflag:$0x5], $0x8000, $0x38;
	[tilespmem:$0x18C00] =	vst v63  }
0x277: {  	_ =	swait.ge [sflag:s9], $0x8000  }
0x278: {  	[sflag:s9] =	ssyncset.done $0x0  }
0x279: {  	[sflag:s9] =	ssyncadd.s32 $0xFFFF8000  }
0x27a: {  	[tilespmem:s17], [sflag:$0x7] =	stream.linear.gather [hbm4b:s22+s2], $0x400, $0x38;
	[tilespmem:$0x18C00] =	vst v63  }
0x27b: {  	_ =	swait.ge [sflag:s16], $0x400  }
0x27c: {  	[sflag:s16] =	ssyncset.done $0x0  }
0x27d: {  	[sflag:s16] =	ssyncadd.s32 $0xFFFFFC00  }
0x27e: {  	[tilespmem:s15], [sflag:$0x2] =	stream.indirect.gather [hbm4b:s3+s17], $0x20, s17, s17, $0xb8;
	[tilespmem:$0x18C00] =	vst v63  }
0x27f: {  	_ =	swait.ge [sflag:s20], $0x8000  }
0x280: {  	[sflag:s20] =	ssyncset.done $0x0  }
0x281: {  	[sflag:s20] =	ssyncadd.s32 $0xFFFF8000  }
0x282: {  	[hbm4b:s18+s2] =	stream.linear.scatter [tilespmem:s12], [sflag:$0x6], $0x8000, $0x38;
	[tilespmem:$0x18C00] =	vst v63  }
0x283: {  	_ =	swait.ge [sflag:s8], $0x8000  }
0x284: {  	[sflag:s8] =	ssyncset.done $0x0  }
0x285: {  	[sflag:s8] =	ssyncadd.s32 $0xFFFF8000  }
0x286: {  	[tilespmem:s24], [sflag:$0x7] =	stream.linear.gather [hbm4b:s19+s2], $0x400, $0x38;
	[tilespmem:$0x18C00] =	vst v63  }
0x287: {  	_ =	swait.ge [sflag:s16], $0x400  }
0x288: {  	[sflag:s16] =	ssyncset.done $0x0  }
0x289: {  	[sflag:s16] =	ssyncadd.s32 $0xFFFFFC00  }
0x28a: {  	[tilespmem:s12], [sflag:$0x3] =	stream.indirect.gather [hbm4b:s3+s17], $0x20, s24, s17, $0xb8;
	[tilespmem:$0x18C00] =	vst v63  }
0x28b: {  	_ =	swait.ge [sflag:s14], $0x8000  }
0x28c: {  	[sflag:s14] =	ssyncset.done $0x0  }
0x28d: {  	[sflag:s14] =	ssyncadd.s32 $0xFFFF8000  }
0x28e: {  	[hbm4b:s13+s2] =	stream.linear.scatter [tilespmem:s6], [sflag:$0x4], $0x8000, $0x38;
	[tilespmem:$0x18C00] =	vst v63  }
0x28f: {  	_ =	swait.ge [sflag:s10], $0x8000  }
0x290: {  	[sflag:s10] =	ssyncset.done $0x0  }
0x291: {  	[sflag:s10] =	ssyncadd.s32 $0xFFFF8000  }
0x292: {  	[tilespmem:s2], [sflag:$0x7] =	stream.linear.gather [hbm4b:s11+s2], $0x400, $0x38;
	[tilespmem:$0x18C00] =	vst v63  }
0x293: {  	_ =	swait.ge [sflag:s16], $0x400  }
0x294: {  	[sflag:s16] =	ssyncset.done $0x0  }
0x295: {  	[sflag:s16] =	ssyncadd.s32 $0xFFFFFC00  }
0x296: {  	[tilespmem:s6], [sflag:$0x1] =	stream.indirect.gather [hbm4b:s3+s17], $0x20, s2, s17, $0xb8;
	[tilespmem:$0x18C00] =	vst v63  }
0x297: {  	_ =	swait.ge [sflag:s21], $0x8000  }
0x298: {  	[sflag:s21] =	ssyncset.done $0x0  }
0x299: {  	[sflag:s21] =	ssyncadd.s32 $0xFFFF8000  }
0x29a: {  	[hbm4b:s7+s2] =	stream.linear.scatter [tilespmem:s15], [sflag:$0x5], $0x8000, $0x38;
	[tilespmem:$0x18C00] =	vst v63  }
0x29b: {  	_ =	swait.ge [sflag:s20], $0x8000  }
0x29c: {  	[sflag:s20] =	ssyncset.done $0x0  }
0x29d: {  	[sflag:s20] =	ssyncadd.s32 $0xFFFF8000  }
0x29e: {  	[hbm4b:s5+s2] =	stream.linear.scatter [tilespmem:s12], [sflag:$0x6], $0x8000, $0x38;
	[tilespmem:$0x18C00] =	vst v63  }
0x29f: {  	_ =	swait.ge [sflag:s14], $0x8000  }
0x2a0: {  	[sflag:s14] =	ssyncset.done $0x0  }
0x2a1: {  	[sflag:s14] =	ssyncadd.s32 $0xFFFF8000  }
0x2a2: {  	[hbm4b:s4+s2] =	stream.linear.scatter [tilespmem:s6], [sflag:$0x4], $0x8000, $0x38;
	[tilespmem:$0x18C00] =	vst v63  }
0x2a3: {  	_ =	swait.ge [sflag:s10], $0x8000  }
0x2a4: {  	[sflag:s10] =	ssyncset.done $0x0  }
0x2a5: {  	p1 =	sne.s32 s1, $0x1;
	[sflag:s10] =	ssyncadd.s32 $0xFFFF8000  }
.Ltmp2:
0x2a6: {  	_ =	swait.ge [sflag:s9], $0x8000;
	(pc) =	sbr.rel @p1 .LBB2_2-.Ltmp2, $4  }
0x2a7: {  	[sflag:s9] =	ssyncset.done $0x0  }
0x2a8: {  	[sflag:s9] =	ssyncadd.s32 $0xFFFF8000  }
0x2a9: {  	_ =	swait.ge [sflag:s8], $0x8000  }
0x2aa: {  	s1 =	sadd.s32 $0xFFFFFFFF, s1;
	s0 =	rddreg [dreg:$0x3];
	[sflag:s8] =	ssyncset.done $0x0  }
.LBB2_3:
0x2ab: {  	[sflag:s8] =	ssyncadd.s32 @p0 $0xFFFF8000  }
0x2ac: {  	[tilespmem:s2], [sflag:$0x7] =	stream.linear.gather [hbm4b:s0+s2], $0x400, $0x38;
	[tilespmem:$0x18C00] =	vst v63  }
0x2ad: {  	_ =	swait.ge [sflag:s16], $0x400  }
0x2ae: {  	[sflag:s16] =	ssyncset.done $0x0  }
0x2af: {  	[sflag:s16] =	ssyncadd.s32 $0xFFFFFC00  }
0x2b0: {  	[tilespmem:s6], [sflag:$0x1] =	stream.indirect.gather [hbm4b:s3+s17], $0x20, s2, s17, $0xb8;
	[tilespmem:$0x18C00] =	vst v63  }
0x2b1: {  	s1 =	rddreg [dreg:$0x4]  }
0x2b2: {  	[tilespmem:s17], [sflag:$0x7] =	stream.linear.gather [hbm4b:s1+s2], $0x400, $0x38;
	[tilespmem:$0x18C00] =	vst v63  }
0x2b3: {  	_ =	swait.ge [sflag:s16], $0x400  }
0x2b4: {  	[sflag:s16] =	ssyncset.done $0x0  }
0x2b5: {  	[sflag:s16] =	ssyncadd.s32 $0xFFFFFC00  }
0x2b6: {  	[tilespmem:s15], [sflag:$0x2] =	stream.indirect.gather [hbm4b:s3+s17], $0x20, s17, s17, $0xb8;
	[tilespmem:$0x18C00] =	vst v63  }
0x2b7: {  	s1 =	rddreg [dreg:$0x5]  }
0x2b8: {  	[tilespmem:s24], [sflag:$0x7] =	stream.linear.gather [hbm4b:s1+s2], $0x400, $0x38;
	[tilespmem:$0x18C00] =	vst v63  }
0x2b9: {  	_ =	swait.ge [sflag:s16], $0x400  }
0x2ba: {  	[sflag:s16] =	ssyncset.done $0x0  }
0x2bb: {  	[sflag:s16] =	ssyncadd.s32 $0xFFFFFC00  }
0x2bc: {  	[tilespmem:s12], [sflag:$0x3] =	stream.indirect.gather [hbm4b:s3+s17], $0x20, s24, s17, $0xb8;
	[tilespmem:$0x18C00] =	vst v63  }
0x2bd: {  	_ =	swait.ge [sflag:s14], $0x8000  }
0x2be: {  	[sflag:s14] =	ssyncset.done $0x0  }
0x2bf: {  	s1 =	rddreg [dreg:$0x6];
	[sflag:s14] =	ssyncadd.s32 $0xFFFF8000  }
0x2c0: {  	[hbm4b:s1+s2] =	stream.linear.scatter [tilespmem:s6], [sflag:$0x4], $0x8000, $0x38;
	[tilespmem:$0x18C00] =	vst v63  }
0x2c1: {  	_ =	swait.ge [sflag:s10], $0x8000  }
0x2c2: {  	[sflag:s10] =	ssyncset.done $0x0  }
0x2c3: {  	s1 =	rddreg [dreg:$0x7];
	[sflag:s10] =	ssyncadd.s32 $0xFFFF8000  }
0x2c4: {  	[tilespmem:s2], [sflag:$0x7] =	stream.linear.gather [hbm4b:s1+s2], $0x400, $0x38;
	[tilespmem:$0x18C00] =	vst v63  }
0x2c5: {  	_ =	swait.ge [sflag:s16], $0x400  }
0x2c6: {  	[sflag:s16] =	ssyncset.done $0x0  }
0x2c7: {  	[sflag:s16] =	ssyncadd.s32 $0xFFFFFC00  }
0x2c8: {  	[tilespmem:s6], [sflag:$0x1] =	stream.indirect.gather [hbm4b:s3+s17], $0x20, s2, s17, $0xb8;
	[tilespmem:$0x18C00] =	vst v63  }
0x2c9: {  	_ =	swait.ge [sflag:s21], $0x8000  }
0x2ca: {  	[sflag:s21] =	ssyncset.done $0x0  }
0x2cb: {  	s1 =	rddreg [dreg:$0x8];
	[sflag:s21] =	ssyncadd.s32 $0xFFFF8000  }
0x2cc: {  	[hbm4b:s1+s2] =	stream.linear.scatter [tilespmem:s15], [sflag:$0x5], $0x8000, $0x38;
	[tilespmem:$0x18C00] =	vst v63  }
0x2cd: {  	_ =	swait.ge [sflag:s9], $0x8000  }
0x2ce: {  	[sflag:s9] =	ssyncset.done $0x0  }
0x2cf: {  	s1 =	rddreg [dreg:$0x9];
	[sflag:s9] =	ssyncadd.s32 $0xFFFF8000  }
0x2d0: {  	[tilespmem:s17], [sflag:$0x7] =	stream.linear.gather [hbm4b:s1+s2], $0x400, $0x38;
	[tilespmem:$0x18C00] =	vst v63  }
0x2d1: {  	_ =	swait.ge [sflag:s16], $0x400  }
0x2d2: {  	[sflag:s16] =	ssyncset.done $0x0  }
0x2d3: {  	[sflag:s16] =	ssyncadd.s32 $0xFFFFFC00  }
0x2d4: {  	[tilespmem:s15], [sflag:$0x2] =	stream.indirect.gather [hbm4b:s3+s17], $0x20, s17, s17, $0xb8;
	[tilespmem:$0x18C00] =	vst v63  }
0x2d5: {  	_ =	swait.ge [sflag:s20], $0x8000  }
0x2d6: {  	[sflag:s20] =	ssyncset.done $0x0  }
0x2d7: {  	s1 =	rddreg [dreg:$0xa];
	[sflag:s20] =	ssyncadd.s32 $0xFFFF8000  }
0x2d8: {  	[hbm4b:s1+s2] =	stream.linear.scatter [tilespmem:s12], [sflag:$0x6], $0x8000, $0x38;
	[tilespmem:$0x18C00] =	vst v63  }
0x2d9: {  	_ =	swait.ge [sflag:s8], $0x8000  }
0x2da: {  	[sflag:s8] =	ssyncset.done $0x0  }
0x2db: {  	s1 =	rddreg [dreg:$0xb];
	[sflag:s8] =	ssyncadd.s32 $0xFFFF8000  }
0x2dc: {  	[tilespmem:s24], [sflag:$0x7] =	stream.linear.gather [hbm4b:s1+s2], $0x400, $0x38;
	[tilespmem:$0x18C00] =	vst v63  }
0x2dd: {  	_ =	swait.ge [sflag:s16], $0x400  }
0x2de: {  	[sflag:s16] =	ssyncset.done $0x0  }
0x2df: {  	[sflag:s16] =	ssyncadd.s32 $0xFFFFFC00  }
0x2e0: {  	[tilespmem:s12], [sflag:$0x3] =	stream.indirect.gather [hbm4b:s3+s17], $0x20, s24, s17, $0xb8;
	[tilespmem:$0x18C00] =	vst v63  }
0x2e1: {  	_ =	swait.ge [sflag:s14], $0x8000  }
0x2e2: {  	[sflag:s14] =	ssyncset.done $0x0  }
0x2e3: {  	s1 =	rddreg [dreg:$0xc];
	[sflag:s14] =	ssyncadd.s32 $0xFFFF8000  }
0x2e4: {  	[hbm4b:s1+s2] =	stream.linear.scatter [tilespmem:s6], [sflag:$0x4], $0x8000, $0x38;
	[tilespmem:$0x18C00] =	vst v63  }
0x2e5: {  	_ =	swait.ge [sflag:s10], $0x8000  }
0x2e6: {  	[sflag:s10] =	ssyncset.done $0x0  }
0x2e7: {  	s1 =	rddreg [dreg:$0xd];
	[sflag:s10] =	ssyncadd.s32 $0xFFFF8000  }
0x2e8: {  	[tilespmem:s2], [sflag:$0x7] =	stream.linear.gather [hbm4b:s1+s2], $0x400, $0x38;
	[tilespmem:$0x18C00] =	vst v63  }
0x2e9: {  	_ =	swait.ge [sflag:s16], $0x400  }
0x2ea: {  	[sflag:s16] =	ssyncset.done $0x0  }
0x2eb: {  	[sflag:s16] =	ssyncadd.s32 $0xFFFFFC00  }
0x2ec: {  	[tilespmem:s6], [sflag:$0x1] =	stream.indirect.gather [hbm4b:s3+s17], $0x20, s2, s17, $0xb8;
	[tilespmem:$0x18C00] =	vst v63  }
0x2ed: {  	_ =	swait.ge [sflag:s21], $0x8000  }
0x2ee: {  	[sflag:s21] =	ssyncset.done $0x0  }
0x2ef: {  	s1 =	rddreg [dreg:$0xe];
	[sflag:s21] =	ssyncadd.s32 $0xFFFF8000  }
0x2f0: {  	[hbm4b:s1+s2] =	stream.linear.scatter [tilespmem:s15], [sflag:$0x5], $0x8000, $0x38;
	[tilespmem:$0x18C00] =	vst v63  }
0x2f1: {  	_ =	swait.ge [sflag:s9], $0x8000  }
0x2f2: {  	[sflag:s9] =	ssyncset.done $0x0  }
0x2f3: {  	s1 =	rddreg [dreg:$0xf];
	[sflag:s9] =	ssyncadd.s32 $0xFFFF8000  }
0x2f4: {  	[tilespmem:s17], [sflag:$0x7] =	stream.linear.gather [hbm4b:s1+s2], $0x400, $0x38;
	[tilespmem:$0x18C00] =	vst v63  }
0x2f5: {  	_ =	swait.ge [sflag:s16], $0x400  }
0x2f6: {  	[sflag:s16] =	ssyncset.done $0x0  }
0x2f7: {  	[sflag:s16] =	ssyncadd.s32 $0xFFFFFC00  }
0x2f8: {  	[tilespmem:s15], [sflag:$0x2] =	stream.indirect.gather [hbm4b:s3+s17], $0x20, s17, s17, $0xb8;
	[tilespmem:$0x18C00] =	vst v63  }
0x2f9: {  	_ =	swait.ge [sflag:s20], $0x8000  }
0x2fa: {  	[sflag:s20] =	ssyncset.done $0x0  }
0x2fb: {  	s1 =	rddreg [dreg:$0x10];
	[sflag:s20] =	ssyncadd.s32 $0xFFFF8000  }
0x2fc: {  	[hbm4b:s1+s2] =	stream.linear.scatter [tilespmem:s12], [sflag:$0x6], $0x8000, $0x38;
	[tilespmem:$0x18C00] =	vst v63  }
0x2fd: {  	_ =	swait.ge [sflag:s8], $0x8000  }
0x2fe: {  	[sflag:s8] =	ssyncset.done $0x0  }
0x2ff: {  	s1 =	rddreg [dreg:$0x11];
	[sflag:s8] =	ssyncadd.s32 $0xFFFF8000  }
0x300: {  	[tilespmem:s24], [sflag:$0x7] =	stream.linear.gather [hbm4b:s1+s2], $0x400, $0x38;
	[tilespmem:$0x18C00] =	vst v63  }
0x301: {  	_ =	swait.ge [sflag:s16], $0x400  }
0x302: {  	[sflag:s16] =	ssyncset.done $0x0  }
0x303: {  	[sflag:s16] =	ssyncadd.s32 $0xFFFFFC00  }
0x304: {  	[tilespmem:s12], [sflag:$0x3] =	stream.indirect.gather [hbm4b:s3+s17], $0x20, s24, s17, $0xb8;
	[tilespmem:$0x18C00] =	vst v63  }
0x305: {  	_ =	swait.ge [sflag:s14], $0x8000  }
0x306: {  	[sflag:s14] =	ssyncset.done $0x0  }
0x307: {  	s1 =	rddreg [dreg:$0x12];
	[sflag:s14] =	ssyncadd.s32 $0xFFFF8000  }
0x308: {  	[hbm4b:s1+s2] =	stream.linear.scatter [tilespmem:s6], [sflag:$0x4], $0x8000, $0x38;
	[tilespmem:$0x18C00] =	vst v63  }
0x309: {  	_ =	swait.ge [sflag:s10], $0x8000  }
0x30a: {  	[sflag:s10] =	ssyncset.done $0x0  }
0x30b: {  	s1 =	rddreg [dreg:$0x13];
	[sflag:s10] =	ssyncadd.s32 $0xFFFF8000  }
0x30c: {  	[tilespmem:s2], [sflag:$0x7] =	stream.linear.gather [hbm4b:s1+s2], $0x400, $0x38;
	[tilespmem:$0x18C00] =	vst v63  }
0x30d: {  	_ =	swait.ge [sflag:s16], $0x400  }
0x30e: {  	[sflag:s16] =	ssyncset.done $0x0  }
0x30f: {  	[sflag:s16] =	ssyncadd.s32 $0xFFFFFC00  }
0x310: {  	[tilespmem:s6], [sflag:$0x1] =	stream.indirect.gather [hbm4b:s3+s17], $0x20, s2, s17, $0xb8;
	[tilespmem:$0x18C00] =	vst v63  }
0x311: {  	_ =	swait.ge [sflag:s21], $0x8000  }
0x312: {  	[sflag:s21] =	ssyncset.done $0x0  }
0x313: {  	s1 =	rddreg [dreg:$0x14];
	[sflag:s21] =	ssyncadd.s32 $0xFFFF8000  }
0x314: {  	[hbm4b:s1+s2] =	stream.linear.scatter [tilespmem:s15], [sflag:$0x5], $0x8000, $0x38;
	[tilespmem:$0x18C00] =	vst v63  }
0x315: {  	_ =	swait.ge [sflag:s9], $0x8000  }
0x316: {  	[sflag:s9] =	ssyncset.done $0x0  }
0x317: {  	s1 =	rddreg [dreg:$0x15];
	[sflag:s9] =	ssyncadd.s32 $0xFFFF8000  }
0x318: {  	[tilespmem:s17], [sflag:$0x7] =	stream.linear.gather [hbm4b:s1+s2], $0x400, $0x38;
	[tilespmem:$0x18C00] =	vst v63  }
0x319: {  	_ =	swait.ge [sflag:s16], $0x400  }
0x31a: {  	[sflag:s16] =	ssyncset.done $0x0  }
0x31b: {  	[sflag:s16] =	ssyncadd.s32 $0xFFFFFC00  }
0x31c: {  	[tilespmem:s15], [sflag:$0x2] =	stream.indirect.gather [hbm4b:s3+s17], $0x20, s17, s17, $0xb8;
	[tilespmem:$0x18C00] =	vst v63  }
0x31d: {  	_ =	swait.ge [sflag:s20], $0x8000  }
0x31e: {  	[sflag:s20] =	ssyncset.done $0x0  }
0x31f: {  	s1 =	rddreg [dreg:$0x16];
	[sflag:s20] =	ssyncadd.s32 $0xFFFF8000  }
0x320: {  	[hbm4b:s1+s2] =	stream.linear.scatter [tilespmem:s12], [sflag:$0x6], $0x8000, $0x38;
	[tilespmem:$0x18C00] =	vst v63  }
0x321: {  	_ =	swait.ge [sflag:s8], $0x8000  }
0x322: {  	[sflag:s8] =	ssyncset.done $0x0  }
0x323: {  	s1 =	rddreg [dreg:$0x17];
	[sflag:s8] =	ssyncadd.s32 $0xFFFF8000  }
0x324: {  	[tilespmem:s24], [sflag:$0x7] =	stream.linear.gather [hbm4b:s1+s2], $0x400, $0x38;
	[tilespmem:$0x18C00] =	vst v63  }
0x325: {  	_ =	swait.ge [sflag:s16], $0x400  }
0x326: {  	[sflag:s16] =	ssyncset.done $0x0  }
0x327: {  	[sflag:s16] =	ssyncadd.s32 $0xFFFFFC00  }
0x328: {  	[tilespmem:s12], [sflag:$0x3] =	stream.indirect.gather [hbm4b:s3+s17], $0x20, s24, s17, $0xb8;
	[tilespmem:$0x18C00] =	vst v63  }
0x329: {  	_ =	swait.ge [sflag:s14], $0x8000  }
0x32a: {  	[sflag:s14] =	ssyncset.done $0x0  }
0x32b: {  	s1 =	rddreg [dreg:$0x18];
	[sflag:s14] =	ssyncadd.s32 $0xFFFF8000  }
0x32c: {  	[hbm4b:s1+s2] =	stream.linear.scatter [tilespmem:s6], [sflag:$0x4], $0x8000, $0x38;
	[tilespmem:$0x18C00] =	vst v63  }
0x32d: {  	_ =	swait.ge [sflag:s10], $0x8000  }
0x32e: {  	[sflag:s10] =	ssyncset.done $0x0  }
0x32f: {  	s1 =	rddreg [dreg:$0x19];
	[sflag:s10] =	ssyncadd.s32 $0xFFFF8000  }
0x330: {  	[tilespmem:s2], [sflag:$0x7] =	stream.linear.gather [hbm4b:s1+s2], $0x400, $0x38;
	[tilespmem:$0x18C00] =	vst v63  }
0x331: {  	_ =	swait.ge [sflag:s16], $0x400  }
0x332: {  	[sflag:s16] =	ssyncset.done $0x0  }
0x333: {  	[sflag:s16] =	ssyncadd.s32 $0xFFFFFC00  }
0x334: {  	[tilespmem:s6], [sflag:$0x1] =	stream.indirect.gather [hbm4b:s3+s17], $0x20, s2, s17, $0xb8;
	[tilespmem:$0x18C00] =	vst v63  }
0x335: {  	_ =	swait.ge [sflag:s21], $0x8000  }
0x336: {  	[sflag:s21] =	ssyncset.done $0x0  }
0x337: {  	s1 =	rddreg [dreg:$0x1a];
	[sflag:s21] =	ssyncadd.s32 $0xFFFF8000  }
0x338: {  	[hbm4b:s1+s2] =	stream.linear.scatter [tilespmem:s15], [sflag:$0x5], $0x8000, $0x38;
	[tilespmem:$0x18C00] =	vst v63  }
0x339: {  	_ =	swait.ge [sflag:s9], $0x8000  }
0x33a: {  	[sflag:s9] =	ssyncset.done $0x0  }
0x33b: {  	s1 =	rddreg [dreg:$0x1b];
	[sflag:s9] =	ssyncadd.s32 $0xFFFF8000  }
0x33c: {  	[tilespmem:s17], [sflag:$0x7] =	stream.linear.gather [hbm4b:s1+s2], $0x400, $0x38;
	[tilespmem:$0x18C00] =	vst v63  }
0x33d: {  	_ =	swait.ge [sflag:s16], $0x400  }
0x33e: {  	[sflag:s16] =	ssyncset.done $0x0  }
0x33f: {  	[sflag:s16] =	ssyncadd.s32 $0xFFFFFC00  }
0x340: {  	[tilespmem:s15], [sflag:$0x2] =	stream.indirect.gather [hbm4b:s3+s17], $0x20, s17, s17, $0xb8;
	[tilespmem:$0x18C00] =	vst v63  }
0x341: {  	_ =	swait.ge [sflag:s20], $0x8000  }
0x342: {  	[sflag:s20] =	ssyncset.done $0x0  }
0x343: {  	s1 =	rddreg [dreg:$0x1c];
	[sflag:s20] =	ssyncadd.s32 $0xFFFF8000  }
0x344: {  	[hbm4b:s1+s2] =	stream.linear.scatter [tilespmem:s12], [sflag:$0x6], $0x8000, $0x38;
	[tilespmem:$0x18C00] =	vst v63  }
0x345: {  	_ =	swait.ge [sflag:s8], $0x8000  }
0x346: {  	[sflag:s8] =	ssyncset.done $0x0  }
0x347: {  	s1 =	rddreg [dreg:$0x1d];
	[sflag:s8] =	ssyncadd.s32 $0xFFFF8000  }
0x348: {  	[tilespmem:s24], [sflag:$0x7] =	stream.linear.gather [hbm4b:s1+s2], $0x400, $0x38;
	[tilespmem:$0x18C00] =	vst v63  }
0x349: {  	_ =	swait.ge [sflag:s16], $0x400  }
0x34a: {  	[sflag:s16] =	ssyncset.done $0x0  }
0x34b: {  	[sflag:s16] =	ssyncadd.s32 $0xFFFFFC00  }
0x34c: {  	[tilespmem:s12], [sflag:$0x3] =	stream.indirect.gather [hbm4b:s3+s17], $0x20, s24, s17, $0xb8;
	[tilespmem:$0x18C00] =	vst v63  }
0x34d: {  	_ =	swait.ge [sflag:s14], $0x8000  }
0x34e: {  	[sflag:s14] =	ssyncset.done $0x0  }
0x34f: {  	s1 =	rddreg [dreg:$0x1e];
	[sflag:s14] =	ssyncadd.s32 $0xFFFF8000  }
0x350: {  	[hbm4b:s1+s2] =	stream.linear.scatter [tilespmem:s6], [sflag:$0x4], $0x8000, $0x38;
	[tilespmem:$0x18C00] =	vst v63  }
0x351: {  	_ =	swait.ge [sflag:s10], $0x8000  }
0x352: {  	[sflag:s10] =	ssyncset.done $0x0  }
0x353: {  	s1 =	rddreg [dreg:$0x1f];
	[sflag:s10] =	ssyncadd.s32 $0xFFFF8000  }
0x354: {  	[tilespmem:s2], [sflag:$0x7] =	stream.linear.gather [hbm4b:s1+s2], $0x400, $0x38;
	[tilespmem:$0x18C00] =	vst v63  }
0x355: {  	_ =	swait.ge [sflag:s16], $0x400  }
0x356: {  	[sflag:s16] =	ssyncset.done $0x0  }
0x357: {  	[sflag:s16] =	ssyncadd.s32 $0xFFFFFC00  }
0x358: {  	[tilespmem:s6], [sflag:$0x1] =	stream.indirect.gather [hbm4b:s3+s17], $0x20, s2, s17, $0xb8;
	[tilespmem:$0x18C00] =	vst v63  }
0x359: {  	_ =	swait.ge [sflag:s21], $0x8000  }
0x35a: {  	s1 =	sld [smem:$0x7F8]  }
0x35b: {  	[sflag:s21] =	ssyncset.done $0x0  }
0x35c: {  	[sflag:s21] =	ssyncadd.s32 $0xFFFF8000  }
0x35d: {  	[hbm4b:s1+s2] =	stream.linear.scatter [tilespmem:s15], [sflag:$0x5], $0x8000, $0x38;
	[tilespmem:$0x18C00] =	vst v63  }
0x35e: {  	_ =	swait.ge [sflag:s9], $0x8000  }
0x35f: {  	s1 =	sld [smem:$0x7F9]  }
0x360: {  	[sflag:s9] =	ssyncset.done $0x0  }
0x361: {  	[sflag:s9] =	ssyncadd.s32 $0xFFFF8000  }
0x362: {  	[tilespmem:s17], [sflag:$0x7] =	stream.linear.gather [hbm4b:s1+s2], $0x400, $0x38;
	[tilespmem:$0x18C00] =	vst v63  }
0x363: {  	_ =	swait.ge [sflag:s16], $0x400  }
0x364: {  	[sflag:s16] =	ssyncset.done $0x0  }
0x365: {  	[sflag:s16] =	ssyncadd.s32 $0xFFFFFC00  }
0x366: {  	[tilespmem:s15], [sflag:$0x2] =	stream.indirect.gather [hbm4b:s3+s17], $0x20, s17, s17, $0xb8;
	[tilespmem:$0x18C00] =	vst v63  }
0x367: {  	_ =	swait.ge [sflag:s20], $0x8000  }
0x368: {  	s1 =	sld [smem:$0x7FA]  }
0x369: {  	[sflag:s20] =	ssyncset.done $0x0  }
0x36a: {  	[sflag:s20] =	ssyncadd.s32 $0xFFFF8000  }
0x36b: {  	[hbm4b:s1+s2] =	stream.linear.scatter [tilespmem:s12], [sflag:$0x6], $0x8000, $0x38;
	[tilespmem:$0x18C00] =	vst v63  }
0x36c: {  	_ =	swait.ge [sflag:s8], $0x8000  }
0x36d: {  	s1 =	sld [smem:$0x7FB]  }
0x36e: {  	[sflag:s8] =	ssyncset.done $0x0  }
0x36f: {  	[sflag:s8] =	ssyncadd.s32 $0xFFFF8000  }
0x370: {  	[tilespmem:s24], [sflag:$0x7] =	stream.linear.gather [hbm4b:s1+s2], $0x400, $0x38;
	[tilespmem:$0x18C00] =	vst v63  }
0x371: {  	_ =	swait.ge [sflag:s16], $0x400  }
0x372: {  	[sflag:s16] =	ssyncset.done $0x0  }
0x373: {  	[sflag:s16] =	ssyncadd.s32 $0xFFFFFC00  }
0x374: {  	[tilespmem:s12], [sflag:$0x3] =	stream.indirect.gather [hbm4b:s3+s17], $0x20, s24, s17, $0xb8;
	[tilespmem:$0x18C00] =	vst v63  }
0x375: {  	_ =	swait.ge [sflag:s14], $0x8000  }
0x376: {  	s1 =	sld [smem:$0x7FC]  }
0x377: {  	[sflag:s14] =	ssyncset.done $0x0  }
0x378: {  	[sflag:s14] =	ssyncadd.s32 $0xFFFF8000  }
0x379: {  	[hbm4b:s1+s2] =	stream.linear.scatter [tilespmem:s6], [sflag:$0x4], $0x8000, $0x38;
	[tilespmem:$0x18C00] =	vst v63  }
0x37a: {  	_ =	swait.ge [sflag:s10], $0x8000  }
0x37b: {  	s1 =	sld [smem:$0x7FD]  }
0x37c: {  	[sflag:s10] =	ssyncset.done $0x0  }
0x37d: {  	[sflag:s10] =	ssyncadd.s32 $0xFFFF8000  }
0x37e: {  	[tilespmem:s2], [sflag:$0x7] =	stream.linear.gather [hbm4b:s1+s2], $0x400, $0x38;
	[tilespmem:$0x18C00] =	vst v63  }
0x37f: {  	_ =	swait.ge [sflag:s16], $0x400  }
0x380: {  	[sflag:s16] =	ssyncset.done $0x0  }
0x381: {  	[sflag:s16] =	ssyncadd.s32 $0xFFFFFC00  }
0x382: {  	[tilespmem:s6], [sflag:$0x1] =	stream.indirect.gather [hbm4b:s3+s17], $0x20, s2, s17, $0xb8;
	[tilespmem:$0x18C00] =	vst v63  }
0x383: {  	_ =	swait.ge [sflag:s21], $0x8000  }
0x384: {  	[sflag:s21] =	ssyncset.done $0x0  }
0x385: {  	[sflag:s21] =	ssyncadd.s32 $0xFFFF8000  }
0x386: {  	[hbm4b:s31+s2] =	stream.linear.scatter [tilespmem:s15], [sflag:$0x5], $0x8000, $0x38;
	[tilespmem:$0x18C00] =	vst v63  }
0x387: {  	_ =	swait.ge [sflag:s9], $0x8000  }
0x388: {  	[sflag:s9] =	ssyncset.done $0x0  }
0x389: {  	[sflag:s9] =	ssyncadd.s32 $0xFFFF8000  }
0x38a: {  	[tilespmem:s17], [sflag:$0x7] =	stream.linear.gather [hbm4b:s30+s2], $0x400, $0x38;
	[tilespmem:$0x18C00] =	vst v63  }
0x38b: {  	_ =	swait.ge [sflag:s16], $0x400  }
0x38c: {  	[sflag:s16] =	ssyncset.done $0x0  }
0x38d: {  	[sflag:s16] =	ssyncadd.s32 $0xFFFFFC00  }
0x38e: {  	[tilespmem:s15], [sflag:$0x2] =	stream.indirect.gather [hbm4b:s3+s17], $0x20, s17, s17, $0xb8;
	[tilespmem:$0x18C00] =	vst v63  }
0x38f: {  	_ =	swait.ge [sflag:s20], $0x8000  }
0x390: {  	[sflag:s20] =	ssyncset.done $0x0  }
0x391: {  	[sflag:s20] =	ssyncadd.s32 $0xFFFF8000  }
0x392: {  	[hbm4b:s28+s2] =	stream.linear.scatter [tilespmem:s12], [sflag:$0x6], $0x8000, $0x38;
	[tilespmem:$0x18C00] =	vst v63  }
0x393: {  	_ =	swait.ge [sflag:s8], $0x8000  }
0x394: {  	[sflag:s8] =	ssyncset.done $0x0  }
0x395: {  	[sflag:s8] =	ssyncadd.s32 $0xFFFF8000  }
0x396: {  	[tilespmem:s24], [sflag:$0x7] =	stream.linear.gather [hbm4b:s29+s2], $0x400, $0x38;
	[tilespmem:$0x18C00] =	vst v63  }
0x397: {  	_ =	swait.ge [sflag:s16], $0x400  }
0x398: {  	[sflag:s16] =	ssyncset.done $0x0  }
0x399: {  	[sflag:s16] =	ssyncadd.s32 $0xFFFFFC00  }
0x39a: {  	[tilespmem:s12], [sflag:$0x3] =	stream.indirect.gather [hbm4b:s3+s17], $0x20, s24, s17, $0xb8;
	[tilespmem:$0x18C00] =	vst v63  }
0x39b: {  	_ =	swait.ge [sflag:s14], $0x8000  }
0x39c: {  	[sflag:s14] =	ssyncset.done $0x0  }
0x39d: {  	[sflag:s14] =	ssyncadd.s32 $0xFFFF8000  }
0x39e: {  	[hbm4b:s26+s2] =	stream.linear.scatter [tilespmem:s6], [sflag:$0x4], $0x8000, $0x38;
	[tilespmem:$0x18C00] =	vst v63  }
0x39f: {  	_ =	swait.ge [sflag:s10], $0x8000  }
0x3a0: {  	[sflag:s10] =	ssyncset.done $0x0  }
0x3a1: {  	[sflag:s10] =	ssyncadd.s32 $0xFFFF8000  }
0x3a2: {  	[tilespmem:s2], [sflag:$0x7] =	stream.linear.gather [hbm4b:s25+s2], $0x400, $0x38;
	[tilespmem:$0x18C00] =	vst v63  }
0x3a3: {  	_ =	swait.ge [sflag:s16], $0x400  }
0x3a4: {  	[sflag:s16] =	ssyncset.done $0x0  }
0x3a5: {  	[sflag:s16] =	ssyncadd.s32 $0xFFFFFC00  }
0x3a6: {  	[tilespmem:s6], [sflag:$0x1] =	stream.indirect.gather [hbm4b:s3+s17], $0x20, s2, s17, $0xb8;
	[tilespmem:$0x18C00] =	vst v63  }
0x3a7: {  	_ =	swait.ge [sflag:s21], $0x8000  }
0x3a8: {  	[sflag:s21] =	ssyncset.done $0x0  }
0x3a9: {  	[sflag:s21] =	ssyncadd.s32 $0xFFFF8000  }
0x3aa: {  	[hbm4b:s23+s2] =	stream.linear.scatter [tilespmem:s15], [sflag:$0x5], $0x8000, $0x38;
	[tilespmem:$0x18C00] =	vst v63  }
0x3ab: {  	_ =	swait.ge [sflag:s9], $0x8000  }
0x3ac: {  	[sflag:s9] =	ssyncset.done $0x0  }
0x3ad: {  	[sflag:s9] =	ssyncadd.s32 $0xFFFF8000  }
0x3ae: {  	[tilespmem:s17], [sflag:$0x7] =	stream.linear.gather [hbm4b:s22+s2], $0x400, $0x38;
	[tilespmem:$0x18C00] =	vst v63  }
0x3af: {  	_ =	swait.ge [sflag:s16], $0x400  }
0x3b0: {  	[sflag:s16] =	ssyncset.done $0x0  }
0x3b1: {  	[sflag:s16] =	ssyncadd.s32 $0xFFFFFC00  }
0x3b2: {  	[tilespmem:s15], [sflag:$0x2] =	stream.indirect.gather [hbm4b:s3+s17], $0x20, s17, s17, $0xb8;
	[tilespmem:$0x18C00] =	vst v63  }
0x3b3: {  	_ =	swait.ge [sflag:s20], $0x8000  }
0x3b4: {  	[sflag:s20] =	ssyncset.done $0x0  }
0x3b5: {  	[sflag:s20] =	ssyncadd.s32 $0xFFFF8000  }
0x3b6: {  	[hbm4b:s18+s2] =	stream.linear.scatter [tilespmem:s12], [sflag:$0x6], $0x8000, $0x38;
	[tilespmem:$0x18C00] =	vst v63  }
0x3b7: {  	_ =	swait.ge [sflag:s8], $0x8000  }
0x3b8: {  	[sflag:s8] =	ssyncset.done $0x0  }
0x3b9: {  	[sflag:s8] =	ssyncadd.s32 $0xFFFF8000  }
0x3ba: {  	[tilespmem:s24], [sflag:$0x7] =	stream.linear.gather [hbm4b:s19+s2], $0x400, $0x38;
	[tilespmem:$0x18C00] =	vst v63  }
0x3bb: {  	_ =	swait.ge [sflag:s16], $0x400  }
0x3bc: {  	[sflag:s16] =	ssyncset.done $0x0  }
0x3bd: {  	[sflag:s16] =	ssyncadd.s32 $0xFFFFFC00  }
0x3be: {  	[tilespmem:s12], [sflag:$0x3] =	stream.indirect.gather [hbm4b:s3+s17], $0x20, s24, s17, $0xb8;
	[tilespmem:$0x18C00] =	vst v63  }
0x3bf: {  	_ =	swait.ge [sflag:s14], $0x8000  }
0x3c0: {  	[sflag:s14] =	ssyncset.done $0x0  }
0x3c1: {  	[sflag:s14] =	ssyncadd.s32 $0xFFFF8000  }
0x3c2: {  	[hbm4b:s13+s2] =	stream.linear.scatter [tilespmem:s6], [sflag:$0x4], $0x8000, $0x38;
	[tilespmem:$0x18C00] =	vst v63  }
0x3c3: {  	_ =	swait.ge [sflag:s10], $0x8000  }
0x3c4: {  	[sflag:s10] =	ssyncset.done $0x0  }
0x3c5: {  	[sflag:s10] =	ssyncadd.s32 $0xFFFF8000  }
0x3c6: {  	[tilespmem:s2], [sflag:$0x7] =	stream.linear.gather [hbm4b:s11+s2], $0x400, $0x38;
	[tilespmem:$0x18C00] =	vst v63  }
0x3c7: {  	_ =	swait.ge [sflag:s16], $0x400  }
0x3c8: {  	[sflag:s16] =	ssyncset.done $0x0  }
0x3c9: {  	[sflag:s16] =	ssyncadd.s32 $0xFFFFFC00  }
0x3ca: {  	[tilespmem:s6], [sflag:$0x1] =	stream.indirect.gather [hbm4b:s3+s17], $0x20, s2, s17, $0xb8;
	[tilespmem:$0x18C00] =	vst v63  }
0x3cb: {  	_ =	swait.ge [sflag:s21], $0x8000  }
0x3cc: {  	[sflag:s21] =	ssyncset.done $0x0  }
0x3cd: {  	[sflag:s21] =	ssyncadd.s32 $0xFFFF8000  }
0x3ce: {  	[hbm4b:s7+s2] =	stream.linear.scatter [tilespmem:s15], [sflag:$0x5], $0x8000, $0x38;
	[tilespmem:$0x18C00] =	vst v63  }
0x3cf: {  	_ =	swait.ge [sflag:s20], $0x8000  }
0x3d0: {  	[sflag:s20] =	ssyncset.done $0x0  }
0x3d1: {  	[sflag:s20] =	ssyncadd.s32 $0xFFFF8000  }
0x3d2: {  	[hbm4b:s5+s2] =	stream.linear.scatter [tilespmem:s12], [sflag:$0x6], $0x8000, $0x38;
	[tilespmem:$0x18C00] =	vst v63  }
0x3d3: {  	_ =	swait.ge [sflag:s14], $0x8000  }
0x3d4: {  	[sflag:s14] =	ssyncset.done $0x0  }
0x3d5: {  	[sflag:s14] =	ssyncadd.s32 $0xFFFF8000  }
0x3d6: {  	[hbm4b:s4+s2] =	stream.linear.scatter [tilespmem:s6], [sflag:$0x4], $0x8000, $0x38;
	[tilespmem:$0x18C00] =	vst v63  }
0x3d7: {  	_ =	swait.ge [sflag:s10], $0x8000  }
0x3d8: {  	[sflag:s10] =	ssyncset.done $0x0  }
0x3d9: {  	[sflag:s10] =	ssyncadd.s32 $0xFFFF8000  }
0x3da: {  	_ =	swait.ge [sflag:s9], $0x8000  }
0x3db: {  	[sflag:s9] =	ssyncset.done $0x0  }
0x3dc: {  	[sflag:s9] =	ssyncadd.s32 $0xFFFF8000  }
0x3dd: {  	_ =	swait.ge [sflag:s8], $0x8000  }
0x3de: {  	[sflag:s8] =	ssyncset.done $0x0  }
0x3df: {  	[sflag:s8] =	ssyncadd.s32 $0xFFFF8000  }
0x3e0: {  	_ =	sfence.sel $0x180000  }
0x3e1: {  	[bflag:$0x0] =	sbarrier.arrive $0xFFFF  }
0x3e2: {  	_ =	strace $0x90000047  }
0x3e3: {  	s31 =	stileid.u32;
	[bflag:$0x2] =	sbarrier.arrive $0xFFFF  }
0x3e4: {  	p0 =	sne.s32 s31, $0x0;
	s0 =	rddreg [dreg:$0x2]  }
0x3e5: {  	s0 =	sadd.s32 @!p0 $0x100000, s0  }
0x3e6: {  	[sflag:s0] =	ssyncadd.tile.s32 @!p0 $0x1;
	_ =	shalt  }
.Lfunc_end2:
_tile_overlayer_lowered:
.L_overlay_start_2:
0x3e7: {  	(tag) =	ssettag $0x2  }
0x3e8: {  	s0 =	rddreg [dreg:$0x0];
	s2 =	stileid.u32  }
0x3e9: {  	s1 =	rddreg [dreg:$0x1];
	p0 =	sne.s32 s2, $0x0  }
0x3ea: {  	s3 =	rddreg [dreg:$0x2];
	[bflag:$0x3] =	sbarrier.arrive $0xFFFF;
	s2 =	simm.s32 @!p0 $0x1C07  }
0x3eb: {  	[timem:s3], [sflag:s2] =	dma.local @!p0 [hbm:s0], s1  }
0x3ec: {  	s0 =	simm.s32 @!p0 $0x7  }
0x3ed: {  	_ =	swait.ge @!p0 [sflag:s0], s1  }
0x3ee: {  	s1 =	ssub.s32 @!p0 $0x0, s1;
	[sflag:s0] =	ssyncset.done @!p0 $0x0  }
0x3ef: {  	[sflag:s0] =	ssyncadd.s32 @!p0 s1  }
0x3f0: {  	[bflag:$0x3] =	sbarrier.arrive $0xFFFF  }
0x3f1: {  	_ =	shalt  }

</sc_bundles>
